<compile_context>
chip_gen: v7x
topology: tpu7x:2x2x1
jax: 0.10.2.dev20260603
libtpu: 0.0.44.dev20260713+nightly
codegen_flags: <defaults>
</compile_context>

<pallas_src>
import jax
import jax.numpy as jnp
from jax import lax
from jax.experimental import pallas as pl
from jax.experimental.pallas import tpu as pltpu
from jax.experimental.pallas import tpu_sc as plsc

XS, YS = 432, 496
CELLS = XS * YS
NP, NF = 25000, 64
NPAD = 25088
PT = NPAD // 16
NV = PT // 16
CH = 26784
NCH = 8
CPAD = NCH * CH
OUT_PT = CH // 16
ZPT = (CH + 16) // 16
G = 64
LCAP = PT + G + 16
DCH = CELLS + 16
DPT = DCH // 16
SENT = 2147483647


def _dyn_tc_body(p_ref, w_ref, b_ref, o_ref):
    x = p_ref[...]
    logits = lax.dot_general(x, w_ref[...], (((1,), (1,)), ((), ())),
                             preferred_element_type=jnp.float32)
    logits = logits + b_ref[...]
    m = jnp.max(logits, axis=1, keepdims=True)
    e = jnp.exp(logits - m)
    sm = e / jnp.sum(e, axis=1, keepdims=True)
    o_ref[...] = jnp.pad(sm, ((0, 0), (0, 5)))


def _dyn_tc(pil2, W, b):
    return pl.pallas_call(
        _dyn_tc_body,
        grid=(10,),
        in_specs=[
            pl.BlockSpec((5000, NF), lambda gi: (gi, 0)),
            pl.BlockSpec((3, NF), lambda gi: (0, 0)),
            pl.BlockSpec((1, 3), lambda gi: (0, 0)),
        ],
        out_specs=pl.BlockSpec((5000, 8), lambda gi: (gi, 0)),
        out_shape=jax.ShapeDtypeStruct((2 * NP, 8), jnp.float32),
    )(pil2, W, b.reshape(1, 3))


def _load_indices(yh, xh, ch, yv, xv, cv, idxt, base, sentinel):
    pltpu.sync_copy(yh.at[pl.ds(base, PT)], yv)
    pltpu.sync_copy(xh.at[pl.ds(base, PT)], xv)
    pltpu.sync_copy(ch.at[pl.ds(base, PT)], cv)

    def cidx(j, _):
        iv = yv[pl.ds(16 * j, 16)] * XS + xv[pl.ds(16 * j, 16)]
        valid = cv[pl.ds(16 * j, 16)] == 1
        idxt[pl.ds(16 * j, 16)] = jnp.where(valid, iv, sentinel)
        return 0

    lax.fori_loop(0, NV, cidx, 0)


def _compact(idxt, srcl, locl, lanes, lo, hi, srcbase, padsrc, padloc):

    def scan(j, cnt):
        v = idxt[pl.ds(16 * j, 16)]
        m = (v >= lo) & (v < hi)
        src = srcbase + 16 * j + lanes
        mi = m.astype(jnp.int32)
        pos = cnt + plsc.cumsum(mi) - 1
        plsc.store_scatter(srcl, [pos], src, mask=m)
        plsc.store_scatter(locl, [pos], v - lo, mask=m)
        return cnt + jnp.sum(mi)

    cnt = lax.fori_loop(0, NV, scan, jnp.int32(0))
    psrc = jnp.zeros((16,), jnp.int32) + padsrc
    ploc = jnp.zeros((16,), jnp.int32) + padloc
    for k in range(G // 16):
        srcl[pl.ds(cnt + 16 * k, 16)] = psrc
        locl[pl.ds(cnt + 16 * k, 16)] = ploc
    return (cnt + G - 1) // G


def _stage_idx(stage, lst, g):
    for k in range(G // 16):
        stage[0, pl.ds(16 * k, 16)] = lst[pl.ds(g * G + 16 * k, 16)]


def _zero_stag(stag):
    def zr(i, _):
        for k in range(NF // 16):
            stag[i, pl.ds(16 * k, 16)] = jnp.zeros((16,), jnp.float32)
        return 0

    lax.fori_loop(0, G, zr, 0)


def _pseudo_body(pil2, yh, xh, ch, out,
                 acc, yv, xv, cv, idxt, srcl, locl, sstage, lstage, stag, stag2):
    c = lax.axis_index("c")
    s = lax.axis_index("s")
    lanes = lax.iota(jnp.int32, 16)
    _load_indices(yh, xh, ch, yv, xv, cv, idxt, c * NPAD + s * PT,
                  jnp.int32(SENT))
    _zero_stag(stag)
    for k in range(ZPT // G):
        pltpu.sync_copy(stag, acc.at[pl.ds(s * ZPT + k * G, G)])
    pltpu.sync_copy(stag.at[pl.ds(0, ZPT % G)],
                    acc.at[pl.ds(s * ZPT + (ZPT // G) * G, ZPT % G)])
    plsc.subcore_barrier()

    def chunk(i, _):
        lo = i * CH
        ng = _compact(idxt, srcl, locl, lanes, lo, lo + CH,
                      c * NP + s * PT, c * NP + s, CH + s)

        def grp(g, _):
            _stage_idx(sstage, srcl, g)
            _stage_idx(lstage, locl, g)
            pltpu.sync_copy(pil2.at[sstage.at[0]], stag2)
            pltpu.sync_copy(stag2, acc.at[lstage.at[0]], add=True)
            return 0

        lax.fori_loop(0, ng, grp, 0)
        plsc.subcore_barrier()
        pltpu.sync_copy(acc.at[pl.ds(s * OUT_PT, OUT_PT)],
                        out.at[pl.ds(c * CPAD + lo + s * OUT_PT, OUT_PT)])
        plsc.subcore_barrier()
        _zero_stag(stag)

        def rz(g, _):
            _stage_idx(lstage, locl, g)
            pltpu.sync_copy(stag, acc.at[lstage.at[0]])
            return 0

        lax.fori_loop(0, ng, rz, 0)
        plsc.subcore_barrier()
        return 0

    lax.fori_loop(0, NCH, chunk, 0)


def _dyn_sc_body(dyn, yh, xh, ch, zh, out,
                 acc, yv, xv, cv, idxt, srcl, locl, sstage, lstage, stag, zstag):
    c = lax.axis_index("c")
    s = lax.axis_index("s")
    lanes = lax.iota(jnp.int32, 16)
    _load_indices(yh, xh, ch, yv, xv, cv, idxt, c * NPAD + s * PT,
                  jnp.int32(SENT))
    pltpu.sync_copy(zh, zstag)
    for k in range(26):
        pltpu.sync_copy(zstag, acc.at[pl.ds(s * DPT + k * 512, 512)])
    pltpu.sync_copy(zstag.at[pl.ds(0, DPT - 26 * 512)],
                    acc.at[pl.ds(s * DPT + 26 * 512, DPT - 26 * 512)])
    plsc.subcore_barrier()

    ng = _compact(idxt, srcl, locl, lanes, jnp.int32(0), jnp.int32(CELLS),
                  c * NP + s * PT, c * NP + s, CELLS + s)

    def grp(g, _):
        _stage_idx(sstage, srcl, g)
        _stage_idx(lstage, locl, g)
        pltpu.sync_copy(dyn.at[sstage.at[0]], stag)
        pltpu.sync_copy(stag, acc.at[lstage.at[0]], add=True)
        return 0

    lax.fori_loop(0, ng, grp, 0)
    plsc.subcore_barrier()
    pltpu.sync_copy(acc.at[pl.ds(s * DPT, DPT)],
                    out.at[pl.ds(c * DCH + s * DPT, DPT)])


def _sc_mesh():
    return plsc.VectorSubcoreMesh(core_axis_name="c", subcore_axis_name="s",
                                  num_cores=2, num_subcores=16)


def _idx_scratches():
    return [
        pltpu.VMEM((PT,), jnp.int32),
        pltpu.VMEM((PT,), jnp.int32),
        pltpu.VMEM((PT,), jnp.int32),
        pltpu.VMEM((PT,), jnp.int32),
        pltpu.VMEM((LCAP,), jnp.int32),
        pltpu.VMEM((LCAP,), jnp.int32),
        pltpu.VMEM((1, G), jnp.int32),
        pltpu.VMEM((1, G), jnp.int32),
    ]


def kernel(pillars, coord, contains_pillars, W, b):
    y = jnp.pad(coord[:, :, 1].astype(jnp.int32), ((0, 0), (0, NPAD - NP)))
    x = jnp.pad(coord[:, :, 2].astype(jnp.int32), ((0, 0), (0, NPAD - NP)))
    cont = jnp.pad(contains_pillars.astype(jnp.int32), ((0, 0), (0, NPAD - NP)))
    yf, xf, cf = y.reshape(-1), x.reshape(-1), cont.reshape(-1)
    pil2 = pillars.reshape(2 * NP, NF)

    dyn4 = _dyn_tc(pil2, W, b)

    outp = pl.kernel(
        _pseudo_body,
        out_type=jax.ShapeDtypeStruct((2 * CPAD, NF), jnp.float32),
        mesh=_sc_mesh(),
        compiler_params=pltpu.CompilerParams(needs_layout_passes=False, use_tc_tiling_on_sc=False),
        scratch_types=[pltpu.VMEM_SHARED((CH + 16, NF), jnp.float32)]
        + _idx_scratches()
        + [pltpu.VMEM((G, NF), jnp.float32),
           pltpu.VMEM((G, NF), jnp.float32)],
    )(pil2, yf, xf, cf)

    zeros_d = jnp.zeros((512, 8), jnp.float32)
    outd = pl.kernel(
        _dyn_sc_body,
        out_type=jax.ShapeDtypeStruct((2 * DCH, 8), jnp.float32),
        mesh=_sc_mesh(),
        compiler_params=pltpu.CompilerParams(needs_layout_passes=False, use_tc_tiling_on_sc=False),
        scratch_types=[pltpu.VMEM_SHARED((DCH, 8), jnp.float32)]
        + _idx_scratches()
        + [pltpu.VMEM((G, 8), jnp.float32),
           pltpu.VMEM((512, 8), jnp.float32)],
    )(dyn4, yf, xf, cf, zeros_d)

    pseudo = (outp.reshape(2, CPAD, NF)[:, :CELLS]
              .reshape(2, XS, YS, NF).transpose(0, 3, 1, 2))
    dynamic = (outd.reshape(2, DCH, 8)[:, :CELLS, :3]
               .reshape(2, XS, YS, 3).transpose(0, 3, 1, 2))
    return pseudo, dynamic

# --- scband reference (transcript-rebuilt; emitter-appended) ---
"""Pipeline reference for scband-pseudo-img-scatter-pillar-22342419873902 (READ-ONLY COPY).

The authoritative reference and input builder live on the scoring server;
editing this copy changes nothing except your own understanding.
"""

import jax, jax.numpy as jnp
import numpy as np

XSIZE = 432  # int(431) + 1
YSIZE = 496  # int(495) + 1
BATCH = 2
N_PILLARS = 25000
N_FEATURES = 64


def setup_inputs(seed: int = 0) -> dict:
    key = jax.random.key(seed)
    k1, k2, k3, k4 = jax.random.split(key, 4)
    pillars = jax.random.normal(k1, (BATCH, N_PILLARS, N_FEATURES), dtype=jnp.float32)
    coord = jax.random.randint(k2, (BATCH, N_PILLARS, 3), 0, XSIZE)
    contains_pillars = jax.random.randint(k3, (BATCH, N_PILLARS), 0, 2)
    # dynamic_layer = nn.Linear(64, 3)
    W = jax.random.normal(k4, (3, N_FEATURES), dtype=jnp.float32) * (1.0 / np.sqrt(N_FEATURES))
    b = jnp.zeros((3,), dtype=jnp.float32)
    return {"pillars": pillars, "coord": coord, "contains_pillars": contains_pillars, "W": W, "b": b}


def reference(pillars, coord, contains_pillars, W, b):
    batch, n_pillars, n_features = pillars.shape
    pseudo_img = jnp.zeros((batch, XSIZE * YSIZE, n_features), dtype=pillars.dtype)
    dynamic_img = jnp.zeros((batch, XSIZE * YSIZE, 3), dtype=pillars.dtype)
    # Equivalent to the torch mask-filter + cumsum-interval slicing: iterate batches,
    # select entries where contains_pillars == 1, scatter-add into the BEV grid.
    for bi in range(batch):
        mask = (contains_pillars[bi] == 1).astype(pillars.dtype)[:, None]
        this_coords = coord[bi]
        batch_pillar = pillars[bi] * mask
        indices = this_coords[:, 1] * XSIZE + this_coords[:, 2]
        dynamic_outs = jax.nn.softmax(pillars[bi] @ W.T + b, axis=1) * mask
        pseudo_img = pseudo_img.at[bi, indices].add(batch_pillar)
        dynamic_img = dynamic_img.at[bi, indices].add(dynamic_outs)
    pseudo_img = pseudo_img.reshape(batch, XSIZE, YSIZE, n_features).transpose(0, 3, 1, 2)
    dynamic_img = dynamic_img.reshape(batch, XSIZE, YSIZE, 3).transpose(0, 3, 1, 2)
    return pseudo_img, dynamic_img

if __name__ == "__main__":
    import jax
    _d = setup_inputs()
    print(jax.jit(kernel)(*tuple(_d.values())))

</pallas_src>

<mosaic_0001>
#map = affine_map<(d0, d1) -> (0, 0)>
#map1 = affine_map<(d0, d1) -> (0)>
module attributes {stable_mosaic.version = 14 : i64} {
  func.func @_dyn_sc_body(%arg0: i32, %arg1: i32, %arg2: memref<50000x8xf32, #tpu.memory_space<hbm>>, %arg3: memref<50176xi32, #tpu.memory_space<hbm>>, %arg4: memref<50176xi32, #tpu.memory_space<hbm>>, %arg5: memref<50176xi32, #tpu.memory_space<hbm>>, %arg6: memref<512x8xf32, #tpu.memory_space<hbm>>, %arg7: memref<428576x8xf32, #tpu.memory_space<hbm>>, %arg8: memref<214288x8xf32, #tpu.memory_space<vmem_shared>>, %arg9: memref<1568xi32, #tpu.memory_space<vmem>>, %arg10: memref<1568xi32, #tpu.memory_space<vmem>>, %arg11: memref<1568xi32, #tpu.memory_space<vmem>>, %arg12: memref<1568xi32, #tpu.memory_space<vmem>>, %arg13: memref<1648xi32, #tpu.memory_space<vmem>>, %arg14: memref<1648xi32, #tpu.memory_space<vmem>>, %arg15: memref<1x64xi32, #tpu.memory_space<vmem>>, %arg16: memref<1x64xi32, #tpu.memory_space<vmem>>, %arg17: memref<64x8xf32, #tpu.memory_space<vmem>>, %arg18: memref<512x8xf32, #tpu.memory_space<vmem>>) attributes {dimension_semantics = [#tpu.dimension_semantics<core_parallel>, #tpu.dimension_semantics<subcore_parallel>], iteration_bounds = array<i64: 2, 16>, scalar_prefetch = 0 : i64, scratch_operands = 11 : i64, tpu.core_type = #tpu.core_type<sc_vector_subcore>, window_params = [{transform_indices = #map}, {transform_indices = #map1}, {transform_indices = #map1}, {transform_indices = #map1}, {transform_indices = #map}, {transform_indices = #map}]} {
    %iota3A = tpu.iota {dimensions = array<i32: 0>} : vector<16xi32>
    %mul3A = arith.constant 25088 : i32
    %mul3A_0 = arith.muli %arg0, %mul3A : i32
    %mul3A_1 = arith.constant 1568 : i32
    %mul3A_2 = arith.muli %arg1, %mul3A_1 : i32
    %add3A = arith.addi %mul3A_0, %mul3A_2 : i32
    "tpu.region"() ({
      %run_scoped3A = tpu.sem_alloc : memref<!tpu.dma_semaphore, #tpu.memory_space<semaphore_mem>>
      %dma_start3A = tpu.memref_slice %arg3[%add3A] : memref<50176xi32, #tpu.memory_space<hbm>> -> memref<1568xi32, #tpu.memory_space<hbm>>
      %dma_start3A_214 = tpu.memref_slice %arg3[%add3A] : memref<50176xi32, #tpu.memory_space<hbm>> -> memref<1568xi32, #tpu.memory_space<hbm>>
      tpu.enqueue_dma source(%dma_start3A_214 : memref<1568xi32, #tpu.memory_space<hbm>>) target(%arg9 : memref<1568xi32, #tpu.memory_space<vmem>>) target_semaphore(%run_scoped3A : memref<!tpu.dma_semaphore, #tpu.memory_space<semaphore_mem>>)
      %dma_wait3A = tpu.memref_slice %arg3[%add3A] : memref<50176xi32, #tpu.memory_space<hbm>> -> memref<1568xi32, #tpu.memory_space<hbm>>
      %dma_wait3A_215 = tpu.memref_slice %arg3[%add3A] : memref<50176xi32, #tpu.memory_space<hbm>> -> memref<1568xi32, #tpu.memory_space<hbm>>
      tpu.wait_dma2 semaphore(%run_scoped3A : memref<!tpu.dma_semaphore, #tpu.memory_space<semaphore_mem>>) src(%dma_wait3A_215 : memref<1568xi32, #tpu.memory_space<hbm>>) dst(%arg9 : memref<1568xi32, #tpu.memory_space<vmem>>)
      tpu.yield
    }) : () -> ()
    "tpu.region"() ({
      %run_scoped3A = tpu.sem_alloc : memref<!tpu.dma_semaphore, #tpu.memory_space<semaphore_mem>>
      %dma_start3A = tpu.memref_slice %arg4[%add3A] : memref<50176xi32, #tpu.memory_space<hbm>> -> memref<1568xi32, #tpu.memory_space<hbm>>
      %dma_start3A_214 = tpu.memref_slice %arg4[%add3A] : memref<50176xi32, #tpu.memory_space<hbm>> -> memref<1568xi32, #tpu.memory_space<hbm>>
      tpu.enqueue_dma source(%dma_start3A_214 : memref<1568xi32, #tpu.memory_space<hbm>>) target(%arg10 : memref<1568xi32, #tpu.memory_space<vmem>>) target_semaphore(%run_scoped3A : memref<!tpu.dma_semaphore, #tpu.memory_space<semaphore_mem>>)
      %dma_wait3A = tpu.memref_slice %arg4[%add3A] : memref<50176xi32, #tpu.memory_space<hbm>> -> memref<1568xi32, #tpu.memory_space<hbm>>
      %dma_wait3A_215 = tpu.memref_slice %arg4[%add3A] : memref<50176xi32, #tpu.memory_space<hbm>> -> memref<1568xi32, #tpu.memory_space<hbm>>
      tpu.wait_dma2 semaphore(%run_scoped3A : memref<!tpu.dma_semaphore, #tpu.memory_space<semaphore_mem>>) src(%dma_wait3A_215 : memref<1568xi32, #tpu.memory_space<hbm>>) dst(%arg10 : memref<1568xi32, #tpu.memory_space<vmem>>)
      tpu.yield
    }) : () -> ()
    "tpu.region"() ({
      %run_scoped3A = tpu.sem_alloc : memref<!tpu.dma_semaphore, #tpu.memory_space<semaphore_mem>>
      %dma_start3A = tpu.memref_slice %arg5[%add3A] : memref<50176xi32, #tpu.memory_space<hbm>> -> memref<1568xi32, #tpu.memory_space<hbm>>
      %dma_start3A_214 = tpu.memref_slice %arg5[%add3A] : memref<50176xi32, #tpu.memory_space<hbm>> -> memref<1568xi32, #tpu.memory_space<hbm>>
      tpu.enqueue_dma source(%dma_start3A_214 : memref<1568xi32, #tpu.memory_space<hbm>>) target(%arg11 : memref<1568xi32, #tpu.memory_space<vmem>>) target_semaphore(%run_scoped3A : memref<!tpu.dma_semaphore, #tpu.memory_space<semaphore_mem>>)
      %dma_wait3A = tpu.memref_slice %arg5[%add3A] : memref<50176xi32, #tpu.memory_space<hbm>> -> memref<1568xi32, #tpu.memory_space<hbm>>
      %dma_wait3A_215 = tpu.memref_slice %arg5[%add3A] : memref<50176xi32, #tpu.memory_space<hbm>> -> memref<1568xi32, #tpu.memory_space<hbm>>
      tpu.wait_dma2 semaphore(%run_scoped3A : memref<!tpu.dma_semaphore, #tpu.memory_space<semaphore_mem>>) src(%dma_wait3A_215 : memref<1568xi32, #tpu.memory_space<hbm>>) dst(%arg11 : memref<1568xi32, #tpu.memory_space<vmem>>)
      tpu.yield
    }) : () -> ()
    %scan3A = arith.constant 2147483647 : i32
    %scan3A_3 = arith.constant 0 : i32
    %scan3A_4 = arith.constant 0 : i32
    %scan3A_5 = arith.constant 98 : i32
    %scan3A_6 = arith.addi %scan3A_4, %scan3A_5 : i32
    %scan3A_7 = arith.constant 1 : i32
    %scan3A_8 = scf.for %scan3A_214 = %scan3A_4 to %scan3A_6 step %scan3A_7 iter_args(%scan3A_215 = %scan3A_3) -> (i32)  : i32 {
      %mul3A_216 = arith.constant 16 : i32
      %mul3A_217 = arith.muli %mul3A_216, %scan3A_214 : i32
      %get3A = arith.index_cast %mul3A_217 : i32 to index
      %get3A_218 = tpu.vector_load %arg9[%get3A] {strides = array<i32>} : memref<1568xi32, #tpu.memory_space<vmem>>, vector<16xi32>,
      %mul3A_219 = arith.constant 432 : i32
      %mul3A_220 = vector.broadcast %mul3A_219 : i32 to vector<16xi32>
      %mul3A_221 = arith.muli %get3A_218, %mul3A_220 : vector<16xi32>
      %mul3A_222 = arith.constant 16 : i32
      %mul3A_223 = arith.muli %mul3A_222, %scan3A_214 : i32
      %get3A_224 = arith.index_cast %mul3A_223 : i32 to index
      %get3A_225 = tpu.vector_load %arg10[%get3A_224] {strides = array<i32>} : memref<1568xi32, #tpu.memory_space<vmem>>, vector<16xi32>,
      %add3A_226 = arith.addi %mul3A_221, %get3A_225 : vector<16xi32>
      %mul3A_227 = arith.constant 16 : i32
      %mul3A_228 = arith.muli %mul3A_227, %scan3A_214 : i32
      %get3A_229 = arith.index_cast %mul3A_228 : i32 to index
      %get3A_230 = tpu.vector_load %arg11[%get3A_229] {strides = array<i32>} : memref<1568xi32, #tpu.memory_space<vmem>>, vector<16xi32>,
      %eq3A = arith.constant 1 : i32
      %eq3A_231 = vector.broadcast %eq3A : i32 to vector<16xi32>
      %eq3A_232 = arith.cmpi eq, %get3A_230, %eq3A_231 : vector<16xi32>
      %broadcast_in_dim3A_233 = vector.broadcast %scan3A : i32 to vector<16xi32>
      %select_n3A_234 = arith.select %eq3A_232, %add3A_226, %broadcast_in_dim3A_233 : vector<16xi1>, vector<16xi32>
      %mul3A_235 = arith.constant 16 : i32
      %mul3A_236 = arith.muli %mul3A_235, %scan3A_214 : i32
      %swap3A_237 = arith.index_cast %mul3A_236 : i32 to index
      %swap3A_238 = tpu.vector_load %arg12[%swap3A_237] {strides = array<i32>} : memref<1568xi32, #tpu.memory_space<vmem>>, vector<16xi32>,
      tpu.vector_store %arg12[%swap3A_237], %select_n3A_234 {strides = array<i32>} : memref<1568xi32, #tpu.memory_space<vmem>>, vector<16xi32>,
      %scan3A_239 = arith.constant 0 : i32
      scf.yield %scan3A_239 : i32
    }
    %scan3A_9 = arith.constant 98 : i32
    "tpu.region"() ({
      %run_scoped3A = tpu.sem_alloc : memref<!tpu.dma_semaphore, #tpu.memory_space<semaphore_mem>>
      tpu.enqueue_dma source(%arg6 : memref<512x8xf32, #tpu.memory_space<hbm>>) target(%arg18 : memref<512x8xf32, #tpu.memory_space<vmem>>) target_semaphore(%run_scoped3A : memref<!tpu.dma_semaphore, #tpu.memory_space<semaphore_mem>>)
      tpu.wait_dma2 semaphore(%run_scoped3A : memref<!tpu.dma_semaphore, #tpu.memory_space<semaphore_mem>>) src(%arg6 : memref<512x8xf32, #tpu.memory_space<hbm>>) dst(%arg18 : memref<512x8xf32, #tpu.memory_space<vmem>>)
      tpu.yield
    }) : () -> ()
    %mul3A_10 = arith.constant 13393 : i32
    %mul3A_11 = arith.muli %arg1, %mul3A_10 : i32
    %add3A_12 = arith.constant 0 : i32
    %add3A_13 = arith.addi %mul3A_11, %add3A_12 : i32
    "tpu.region"() ({
      %run_scoped3A = tpu.sem_alloc : memref<!tpu.dma_semaphore, #tpu.memory_space<semaphore_mem>>
      %dma_start3A = arith.constant 0 : i32
      %dma_start3A_214 = tpu.memref_slice %arg8[%add3A_13, %dma_start3A] : memref<214288x8xf32, #tpu.memory_space<vmem_shared>> -> memref<512x8xf32, #tpu.memory_space<vmem_shared>>
      %dma_start3A_215 = arith.constant 0 : i32
      %dma_start3A_216 = tpu.memref_slice %arg8[%add3A_13, %dma_start3A_215] : memref<214288x8xf32, #tpu.memory_space<vmem_shared>> -> memref<512x8xf32, #tpu.memory_space<vmem_shared>>
      tpu.enqueue_dma source(%arg18 : memref<512x8xf32, #tpu.memory_space<vmem>>) target(%dma_start3A_216 : memref<512x8xf32, #tpu.memory_space<vmem_shared>>) target_semaphore(%run_scoped3A : memref<!tpu.dma_semaphore, #tpu.memory_space<semaphore_mem>>)
      %dma_wait3A = arith.constant 0 : i32
      %dma_wait3A_217 = tpu.memref_slice %arg8[%add3A_13, %dma_wait3A] : memref<214288x8xf32, #tpu.memory_space<vmem_shared>> -> memref<512x8xf32, #tpu.memory_space<vmem_shared>>
      %dma_wait3A_218 = arith.constant 0 : i32
      %dma_wait3A_219 = tpu.memref_slice %arg8[%add3A_13, %dma_wait3A_218] : memref<214288x8xf32, #tpu.memory_space<vmem_shared>> -> memref<512x8xf32, #tpu.memory_space<vmem_shared>>
      tpu.wait_dma2 semaphore(%run_scoped3A : memref<!tpu.dma_semaphore, #tpu.memory_space<semaphore_mem>>) src(%arg18 : memref<512x8xf32, #tpu.memory_space<vmem>>) dst(%dma_wait3A_219 : memref<512x8xf32, #tpu.memory_space<vmem_shared>>)
      tpu.yield
    }) : () -> ()
    %mul3A_14 = arith.constant 13393 : i32
    %mul3A_15 = arith.muli %arg1, %mul3A_14 : i32
    %add3A_16 = arith.constant 512 : i32
    %add3A_17 = arith.addi %mul3A_15, %add3A_16 : i32
    "tpu.region"() ({
      %run_scoped3A = tpu.sem_alloc : memref<!tpu.dma_semaphore, #tpu.memory_space<semaphore_mem>>
      %dma_start3A = arith.constant 0 : i32
      %dma_start3A_214 = tpu.memref_slice %arg8[%add3A_17, %dma_start3A] : memref<214288x8xf32, #tpu.memory_space<vmem_shared>> -> memref<512x8xf32, #tpu.memory_space<vmem_shared>>
      %dma_start3A_215 = arith.constant 0 : i32
      %dma_start3A_216 = tpu.memref_slice %arg8[%add3A_17, %dma_start3A_215] : memref<214288x8xf32, #tpu.memory_space<vmem_shared>> -> memref<512x8xf32, #tpu.memory_space<vmem_shared>>
      tpu.enqueue_dma source(%arg18 : memref<512x8xf32, #tpu.memory_space<vmem>>) target(%dma_start3A_216 : memref<512x8xf32, #tpu.memory_space<vmem_shared>>) target_semaphore(%run_scoped3A : memref<!tpu.dma_semaphore, #tpu.memory_space<semaphore_mem>>)
      %dma_wait3A = arith.constant 0 : i32
      %dma_wait3A_217 = tpu.memref_slice %arg8[%add3A_17, %dma_wait3A] : memref<214288x8xf32, #tpu.memory_space<vmem_shared>> -> memref<512x8xf32, #tpu.memory_space<vmem_shared>>
      %dma_wait3A_218 = arith.constant 0 : i32
      %dma_wait3A_219 = tpu.memref_slice %arg8[%add3A_17, %dma_wait3A_218] : memref<214288x8xf32, #tpu.memory_space<vmem_shared>> -> memref<512x8xf32, #tpu.memory_space<vmem_shared>>
      tpu.wait_dma2 semaphore(%run_scoped3A : memref<!tpu.dma_semaphore, #tpu.memory_space<semaphore_mem>>) src(%arg18 : memref<512x8xf32, #tpu.memory_space<vmem>>) dst(%dma_wait3A_219 : memref<512x8xf32, #tpu.memory_space<vmem_shared>>)
      tpu.yield
    }) : () -> ()
    %mul3A_18 = arith.constant 13393 : i32
    %mul3A_19 = arith.muli %arg1, %mul3A_18 : i32
    %add3A_20 = arith.constant 1024 : i32
    %add3A_21 = arith.addi %mul3A_19, %add3A_20 : i32
    "tpu.region"() ({
      %run_scoped3A = tpu.sem_alloc : memref<!tpu.dma_semaphore, #tpu.memory_space<semaphore_mem>>
      %dma_start3A = arith.constant 0 : i32
      %dma_start3A_214 = tpu.memref_slice %arg8[%add3A_21, %dma_start3A] : memref<214288x8xf32, #tpu.memory_space<vmem_shared>> -> memref<512x8xf32, #tpu.memory_space<vmem_shared>>
      %dma_start3A_215 = arith.constant 0 : i32
      %dma_start3A_216 = tpu.memref_slice %arg8[%add3A_21, %dma_start3A_215] : memref<214288x8xf32, #tpu.memory_space<vmem_shared>> -> memref<512x8xf32, #tpu.memory_space<vmem_shared>>
      tpu.enqueue_dma source(%arg18 : memref<512x8xf32, #tpu.memory_space<vmem>>) target(%dma_start3A_216 : memref<512x8xf32, #tpu.memory_space<vmem_shared>>) target_semaphore(%run_scoped3A : memref<!tpu.dma_semaphore, #tpu.memory_space<semaphore_mem>>)
      %dma_wait3A = arith.constant 0 : i32
      %dma_wait3A_217 = tpu.memref_slice %arg8[%add3A_21, %dma_wait3A] : memref<214288x8xf32, #tpu.memory_space<vmem_shared>> -> memref<512x8xf32, #tpu.memory_space<vmem_shared>>
      %dma_wait3A_218 = arith.constant 0 : i32
      %dma_wait3A_219 = tpu.memref_slice %arg8[%add3A_21, %dma_wait3A_218] : memref<214288x8xf32, #tpu.memory_space<vmem_shared>> -> memref<512x8xf32, #tpu.memory_space<vmem_shared>>
      tpu.wait_dma2 semaphore(%run_scoped3A : memref<!tpu.dma_semaphore, #tpu.memory_space<semaphore_mem>>) src(%arg18 : memref<512x8xf32, #tpu.memory_space<vmem>>) dst(%dma_wait3A_219 : memref<512x8xf32, #tpu.memory_space<vmem_shared>>)
      tpu.yield
    }) : () -> ()
    %mul3A_22 = arith.constant 13393 : i32
    %mul3A_23 = arith.muli %arg1, %mul3A_22 : i32
    %add3A_24 = arith.constant 1536 : i32
    %add3A_25 = arith.addi %mul3A_23, %add3A_24 : i32
    "tpu.region"() ({
      %run_scoped3A = tpu.sem_alloc : memref<!tpu.dma_semaphore, #tpu.memory_space<semaphore_mem>>
      %dma_start3A = arith.constant 0 : i32
      %dma_start3A_214 = tpu.memref_slice %arg8[%add3A_25, %dma_start3A] : memref<214288x8xf32, #tpu.memory_space<vmem_shared>> -> memref<512x8xf32, #tpu.memory_space<vmem_shared>>
      %dma_start3A_215 = arith.constant 0 : i32
      %dma_start3A_216 = tpu.memref_slice %arg8[%add3A_25, %dma_start3A_215] : memref<214288x8xf32, #tpu.memory_space<vmem_shared>> -> memref<512x8xf32, #tpu.memory_space<vmem_shared>>
      tpu.enqueue_dma source(%arg18 : memref<512x8xf32, #tpu.memory_space<vmem>>) target(%dma_start3A_216 : memref<512x8xf32, #tpu.memory_space<vmem_shared>>) target_semaphore(%run_scoped3A : memref<!tpu.dma_semaphore, #tpu.memory_space<semaphore_mem>>)
      %dma_wait3A = arith.constant 0 : i32
      %dma_wait3A_217 = tpu.memref_slice %arg8[%add3A_25, %dma_wait3A] : memref<214288x8xf32, #tpu.memory_space<vmem_shared>> -> memref<512x8xf32, #tpu.memory_space<vmem_shared>>
      %dma_wait3A_218 = arith.constant 0 : i32
      %dma_wait3A_219 = tpu.memref_slice %arg8[%add3A_25, %dma_wait3A_218] : memref<214288x8xf32, #tpu.memory_space<vmem_shared>> -> memref<512x8xf32, #tpu.memory_space<vmem_shared>>
      tpu.wait_dma2 semaphore(%run_scoped3A : memref<!tpu.dma_semaphore, #tpu.memory_space<semaphore_mem>>) src(%arg18 : memref<512x8xf32, #tpu.memory_space<vmem>>) dst(%dma_wait3A_219 : memref<512x8xf32, #tpu.memory_space<vmem_shared>>)
      tpu.yield
    }) : () -> ()
    %mul3A_26 = arith.constant 13393 : i32
    %mul3A_27 = arith.muli %arg1, %mul3A_26 : i32
    %add3A_28 = arith.constant 2048 : i32
    %add3A_29 = arith.addi %mul3A_27, %add3A_28 : i32
    "tpu.region"() ({
      %run_scoped3A = tpu.sem_alloc : memref<!tpu.dma_semaphore, #tpu.memory_space<semaphore_mem>>
      %dma_start3A = arith.constant 0 : i32
      %dma_start3A_214 = tpu.memref_slice %arg8[%add3A_29, %dma_start3A] : memref<214288x8xf32, #tpu.memory_space<vmem_shared>> -> memref<512x8xf32, #tpu.memory_space<vmem_shared>>
      %dma_start3A_215 = arith.constant 0 : i32
      %dma_start3A_216 = tpu.memref_slice %arg8[%add3A_29, %dma_start3A_215] : memref<214288x8xf32, #tpu.memory_space<vmem_shared>> -> memref<512x8xf32, #tpu.memory_space<vmem_shared>>
      tpu.enqueue_dma source(%arg18 : memref<512x8xf32, #tpu.memory_space<vmem>>) target(%dma_start3A_216 : memref<512x8xf32, #tpu.memory_space<vmem_shared>>) target_semaphore(%run_scoped3A : memref<!tpu.dma_semaphore, #tpu.memory_space<semaphore_mem>>)
      %dma_wait3A = arith.constant 0 : i32
      %dma_wait3A_217 = tpu.memref_slice %arg8[%add3A_29, %dma_wait3A] : memref<214288x8xf32, #tpu.memory_space<vmem_shared>> -> memref<512x8xf32, #tpu.memory_space<vmem_shared>>
      %dma_wait3A_218 = arith.constant 0 : i32
      %dma_wait3A_219 = tpu.memref_slice %arg8[%add3A_29, %dma_wait3A_218] : memref<214288x8xf32, #tpu.memory_space<vmem_shared>> -> memref<512x8xf32, #tpu.memory_space<vmem_shared>>
      tpu.wait_dma2 semaphore(%run_scoped3A : memref<!tpu.dma_semaphore, #tpu.memory_space<semaphore_mem>>) src(%arg18 : memref<512x8xf32, #tpu.memory_space<vmem>>) dst(%dma_wait3A_219 : memref<512x8xf32, #tpu.memory_space<vmem_shared>>)
      tpu.yield
    }) : () -> ()
    %mul3A_30 = arith.constant 13393 : i32
    %mul3A_31 = arith.muli %arg1, %mul3A_30 : i32
    %add3A_32 = arith.constant 2560 : i32
    %add3A_33 = arith.addi %mul3A_31, %add3A_32 : i32
    "tpu.region"() ({
      %run_scoped3A = tpu.sem_alloc : memref<!tpu.dma_semaphore, #tpu.memory_space<semaphore_mem>>
      %dma_start3A = arith.constant 0 : i32
      %dma_start3A_214 = tpu.memref_slice %arg8[%add3A_33, %dma_start3A] : memref<214288x8xf32, #tpu.memory_space<vmem_shared>> -> memref<512x8xf32, #tpu.memory_space<vmem_shared>>
      %dma_start3A_215 = arith.constant 0 : i32
      %dma_start3A_216 = tpu.memref_slice %arg8[%add3A_33, %dma_start3A_215] : memref<214288x8xf32, #tpu.memory_space<vmem_shared>> -> memref<512x8xf32, #tpu.memory_space<vmem_shared>>
      tpu.enqueue_dma source(%arg18 : memref<512x8xf32, #tpu.memory_space<vmem>>) target(%dma_start3A_216 : memref<512x8xf32, #tpu.memory_space<vmem_shared>>) target_semaphore(%run_scoped3A : memref<!tpu.dma_semaphore, #tpu.memory_space<semaphore_mem>>)
      %dma_wait3A = arith.constant 0 : i32
      %dma_wait3A_217 = tpu.memref_slice %arg8[%add3A_33, %dma_wait3A] : memref<214288x8xf32, #tpu.memory_space<vmem_shared>> -> memref<512x8xf32, #tpu.memory_space<vmem_shared>>
      %dma_wait3A_218 = arith.constant 0 : i32
      %dma_wait3A_219 = tpu.memref_slice %arg8[%add3A_33, %dma_wait3A_218] : memref<214288x8xf32, #tpu.memory_space<vmem_shared>> -> memref<512x8xf32, #tpu.memory_space<vmem_shared>>
      tpu.wait_dma2 semaphore(%run_scoped3A : memref<!tpu.dma_semaphore, #tpu.memory_space<semaphore_mem>>) src(%arg18 : memref<512x8xf32, #tpu.memory_space<vmem>>) dst(%dma_wait3A_219 : memref<512x8xf32, #tpu.memory_space<vmem_shared>>)
      tpu.yield
    }) : () -> ()
    %mul3A_34 = arith.constant 13393 : i32
    %mul3A_35 = arith.muli %arg1, %mul3A_34 : i32
    %add3A_36 = arith.constant 3072 : i32
    %add3A_37 = arith.addi %mul3A_35, %add3A_36 : i32
    "tpu.region"() ({
      %run_scoped3A = tpu.sem_alloc : memref<!tpu.dma_semaphore, #tpu.memory_space<semaphore_mem>>
      %dma_start3A = arith.constant 0 : i32
      %dma_start3A_214 = tpu.memref_slice %arg8[%add3A_37, %dma_start3A] : memref<214288x8xf32, #tpu.memory_space<vmem_shared>> -> memref<512x8xf32, #tpu.memory_space<vmem_shared>>
      %dma_start3A_215 = arith.constant 0 : i32
      %dma_start3A_216 = tpu.memref_slice %arg8[%add3A_37, %dma_start3A_215] : memref<214288x8xf32, #tpu.memory_space<vmem_shared>> -> memref<512x8xf32, #tpu.memory_space<vmem_shared>>
      tpu.enqueue_dma source(%arg18 : memref<512x8xf32, #tpu.memory_space<vmem>>) target(%dma_start3A_216 : memref<512x8xf32, #tpu.memory_space<vmem_shared>>) target_semaphore(%run_scoped3A : memref<!tpu.dma_semaphore, #tpu.memory_space<semaphore_mem>>)
      %dma_wait3A = arith.constant 0 : i32
      %dma_wait3A_217 = tpu.memref_slice %arg8[%add3A_37, %dma_wait3A] : memref<214288x8xf32, #tpu.memory_space<vmem_shared>> -> memref<512x8xf32, #tpu.memory_space<vmem_shared>>
      %dma_wait3A_218 = arith.constant 0 : i32
      %dma_wait3A_219 = tpu.memref_slice %arg8[%add3A_37, %dma_wait3A_218] : memref<214288x8xf32, #tpu.memory_space<vmem_shared>> -> memref<512x8xf32, #tpu.memory_space<vmem_shared>>
      tpu.wait_dma2 semaphore(%run_scoped3A : memref<!tpu.dma_semaphore, #tpu.memory_space<semaphore_mem>>) src(%arg18 : memref<512x8xf32, #tpu.memory_space<vmem>>) dst(%dma_wait3A_219 : memref<512x8xf32, #tpu.memory_space<vmem_shared>>)
      tpu.yield
    }) : () -> ()
    %mul3A_38 = arith.constant 13393 : i32
    %mul3A_39 = arith.muli %arg1, %mul3A_38 : i32
    %add3A_40 = arith.constant 3584 : i32
    %add3A_41 = arith.addi %mul3A_39, %add3A_40 : i32
    "tpu.region"() ({
      %run_scoped3A = tpu.sem_alloc : memref<!tpu.dma_semaphore, #tpu.memory_space<semaphore_mem>>
      %dma_start3A = arith.constant 0 : i32
      %dma_start3A_214 = tpu.memref_slice %arg8[%add3A_41, %dma_start3A] : memref<214288x8xf32, #tpu.memory_space<vmem_shared>> -> memref<512x8xf32, #tpu.memory_space<vmem_shared>>
      %dma_start3A_215 = arith.constant 0 : i32
      %dma_start3A_216 = tpu.memref_slice %arg8[%add3A_41, %dma_start3A_215] : memref<214288x8xf32, #tpu.memory_space<vmem_shared>> -> memref<512x8xf32, #tpu.memory_space<vmem_shared>>
      tpu.enqueue_dma source(%arg18 : memref<512x8xf32, #tpu.memory_space<vmem>>) target(%dma_start3A_216 : memref<512x8xf32, #tpu.memory_space<vmem_shared>>) target_semaphore(%run_scoped3A : memref<!tpu.dma_semaphore, #tpu.memory_space<semaphore_mem>>)
      %dma_wait3A = arith.constant 0 : i32
      %dma_wait3A_217 = tpu.memref_slice %arg8[%add3A_41, %dma_wait3A] : memref<214288x8xf32, #tpu.memory_space<vmem_shared>> -> memref<512x8xf32, #tpu.memory_space<vmem_shared>>
      %dma_wait3A_218 = arith.constant 0 : i32
      %dma_wait3A_219 = tpu.memref_slice %arg8[%add3A_41, %dma_wait3A_218] : memref<214288x8xf32, #tpu.memory_space<vmem_shared>> -> memref<512x8xf32, #tpu.memory_space<vmem_shared>>
      tpu.wait_dma2 semaphore(%run_scoped3A : memref<!tpu.dma_semaphore, #tpu.memory_space<semaphore_mem>>) src(%arg18 : memref<512x8xf32, #tpu.memory_space<vmem>>) dst(%dma_wait3A_219 : memref<512x8xf32, #tpu.memory_space<vmem_shared>>)
      tpu.yield
    }) : () -> ()
    %mul3A_42 = arith.constant 13393 : i32
    %mul3A_43 = arith.muli %arg1, %mul3A_42 : i32
    %add3A_44 = arith.constant 4096 : i32
    %add3A_45 = arith.addi %mul3A_43, %add3A_44 : i32
    "tpu.region"() ({
      %run_scoped3A = tpu.sem_alloc : memref<!tpu.dma_semaphore, #tpu.memory_space<semaphore_mem>>
      %dma_start3A = arith.constant 0 : i32
      %dma_start3A_214 = tpu.memref_slice %arg8[%add3A_45, %dma_start3A] : memref<214288x8xf32, #tpu.memory_space<vmem_shared>> -> memref<512x8xf32, #tpu.memory_space<vmem_shared>>
      %dma_start3A_215 = arith.constant 0 : i32
      %dma_start3A_216 = tpu.memref_slice %arg8[%add3A_45, %dma_start3A_215] : memref<214288x8xf32, #tpu.memory_space<vmem_shared>> -> memref<512x8xf32, #tpu.memory_space<vmem_shared>>
      tpu.enqueue_dma source(%arg18 : memref<512x8xf32, #tpu.memory_space<vmem>>) target(%dma_start3A_216 : memref<512x8xf32, #tpu.memory_space<vmem_shared>>) target_semaphore(%run_scoped3A : memref<!tpu.dma_semaphore, #tpu.memory_space<semaphore_mem>>)
      %dma_wait3A = arith.constant 0 : i32
      %dma_wait3A_217 = tpu.memref_slice %arg8[%add3A_45, %dma_wait3A] : memref<214288x8xf32, #tpu.memory_space<vmem_shared>> -> memref<512x8xf32, #tpu.memory_space<vmem_shared>>
      %dma_wait3A_218 = arith.constant 0 : i32
      %dma_wait3A_219 = tpu.memref_slice %arg8[%add3A_45, %dma_wait3A_218] : memref<214288x8xf32, #tpu.memory_space<vmem_shared>> -> memref<512x8xf32, #tpu.memory_space<vmem_shared>>
      tpu.wait_dma2 semaphore(%run_scoped3A : memref<!tpu.dma_semaphore, #tpu.memory_space<semaphore_mem>>) src(%arg18 : memref<512x8xf32, #tpu.memory_space<vmem>>) dst(%dma_wait3A_219 : memref<512x8xf32, #tpu.memory_space<vmem_shared>>)
      tpu.yield
    }) : () -> ()
    %mul3A_46 = arith.constant 13393 : i32
    %mul3A_47 = arith.muli %arg1, %mul3A_46 : i32
    %add3A_48 = arith.constant 4608 : i32
    %add3A_49 = arith.addi %mul3A_47, %add3A_48 : i32
    "tpu.region"() ({
      %run_scoped3A = tpu.sem_alloc : memref<!tpu.dma_semaphore, #tpu.memory_space<semaphore_mem>>
      %dma_start3A = arith.constant 0 : i32
      %dma_start3A_214 = tpu.memref_slice %arg8[%add3A_49, %dma_start3A] : memref<214288x8xf32, #tpu.memory_space<vmem_shared>> -> memref<512x8xf32, #tpu.memory_space<vmem_shared>>
      %dma_start3A_215 = arith.constant 0 : i32
      %dma_start3A_216 = tpu.memref_slice %arg8[%add3A_49, %dma_start3A_215] : memref<214288x8xf32, #tpu.memory_space<vmem_shared>> -> memref<512x8xf32, #tpu.memory_space<vmem_shared>>
      tpu.enqueue_dma source(%arg18 : memref<512x8xf32, #tpu.memory_space<vmem>>) target(%dma_start3A_216 : memref<512x8xf32, #tpu.memory_space<vmem_shared>>) target_semaphore(%run_scoped3A : memref<!tpu.dma_semaphore, #tpu.memory_space<semaphore_mem>>)
      %dma_wait3A = arith.constant 0 : i32
      %dma_wait3A_217 = tpu.memref_slice %arg8[%add3A_49, %dma_wait3A] : memref<214288x8xf32, #tpu.memory_space<vmem_shared>> -> memref<512x8xf32, #tpu.memory_space<vmem_shared>>
      %dma_wait3A_218 = arith.constant 0 : i32
      %dma_wait3A_219 = tpu.memref_slice %arg8[%add3A_49, %dma_wait3A_218] : memref<214288x8xf32, #tpu.memory_space<vmem_shared>> -> memref<512x8xf32, #tpu.memory_space<vmem_shared>>
      tpu.wait_dma2 semaphore(%run_scoped3A : memref<!tpu.dma_semaphore, #tpu.memory_space<semaphore_mem>>) src(%arg18 : memref<512x8xf32, #tpu.memory_space<vmem>>) dst(%dma_wait3A_219 : memref<512x8xf32, #tpu.memory_space<vmem_shared>>)
      tpu.yield
    }) : () -> ()
    %mul3A_50 = arith.constant 13393 : i32
    %mul3A_51 = arith.muli %arg1, %mul3A_50 : i32
    %add3A_52 = arith.constant 5120 : i32
    %add3A_53 = arith.addi %mul3A_51, %add3A_52 : i32
    "tpu.region"() ({
      %run_scoped3A = tpu.sem_alloc : memref<!tpu.dma_semaphore, #tpu.memory_space<semaphore_mem>>
      %dma_start3A = arith.constant 0 : i32
      %dma_start3A_214 = tpu.memref_slice %arg8[%add3A_53, %dma_start3A] : memref<214288x8xf32, #tpu.memory_space<vmem_shared>> -> memref<512x8xf32, #tpu.memory_space<vmem_shared>>
      %dma_start3A_215 = arith.constant 0 : i32
      %dma_start3A_216 = tpu.memref_slice %arg8[%add3A_53, %dma_start3A_215] : memref<214288x8xf32, #tpu.memory_space<vmem_shared>> -> memref<512x8xf32, #tpu.memory_space<vmem_shared>>
      tpu.enqueue_dma source(%arg18 : memref<512x8xf32, #tpu.memory_space<vmem>>) target(%dma_start3A_216 : memref<512x8xf32, #tpu.memory_space<vmem_shared>>) target_semaphore(%run_scoped3A : memref<!tpu.dma_semaphore, #tpu.memory_space<semaphore_mem>>)
      %dma_wait3A = arith.constant 0 : i32
      %dma_wait3A_217 = tpu.memref_slice %arg8[%add3A_53, %dma_wait3A] : memref<214288x8xf32, #tpu.memory_space<vmem_shared>> -> memref<512x8xf32, #tpu.memory_space<vmem_shared>>
      %dma_wait3A_218 = arith.constant 0 : i32
      %dma_wait3A_219 = tpu.memref_slice %arg8[%add3A_53, %dma_wait3A_218] : memref<214288x8xf32, #tpu.memory_space<vmem_shared>> -> memref<512x8xf32, #tpu.memory_space<vmem_shared>>
      tpu.wait_dma2 semaphore(%run_scoped3A : memref<!tpu.dma_semaphore, #tpu.memory_space<semaphore_mem>>) src(%arg18 : memref<512x8xf32, #tpu.memory_space<vmem>>) dst(%dma_wait3A_219 : memref<512x8xf32, #tpu.memory_space<vmem_shared>>)
      tpu.yield
    }) : () -> ()
    %mul3A_54 = arith.constant 13393 : i32
    %mul3A_55 = arith.muli %arg1, %mul3A_54 : i32
    %add3A_56 = arith.constant 5632 : i32
    %add3A_57 = arith.addi %mul3A_55, %add3A_56 : i32
    "tpu.region"() ({
      %run_scoped3A = tpu.sem_alloc : memref<!tpu.dma_semaphore, #tpu.memory_space<semaphore_mem>>
      %dma_start3A = arith.constant 0 : i32
      %dma_start3A_214 = tpu.memref_slice %arg8[%add3A_57, %dma_start3A] : memref<214288x8xf32, #tpu.memory_space<vmem_shared>> -> memref<512x8xf32, #tpu.memory_space<vmem_shared>>
      %dma_start3A_215 = arith.constant 0 : i32
      %dma_start3A_216 = tpu.memref_slice %arg8[%add3A_57, %dma_start3A_215] : memref<214288x8xf32, #tpu.memory_space<vmem_shared>> -> memref<512x8xf32, #tpu.memory_space<vmem_shared>>
      tpu.enqueue_dma source(%arg18 : memref<512x8xf32, #tpu.memory_space<vmem>>) target(%dma_start3A_216 : memref<512x8xf32, #tpu.memory_space<vmem_shared>>) target_semaphore(%run_scoped3A : memref<!tpu.dma_semaphore, #tpu.memory_space<semaphore_mem>>)
      %dma_wait3A = arith.constant 0 : i32
      %dma_wait3A_217 = tpu.memref_slice %arg8[%add3A_57, %dma_wait3A] : memref<214288x8xf32, #tpu.memory_space<vmem_shared>> -> memref<512x8xf32, #tpu.memory_space<vmem_shared>>
      %dma_wait3A_218 = arith.constant 0 : i32
      %dma_wait3A_219 = tpu.memref_slice %arg8[%add3A_57, %dma_wait3A_218] : memref<214288x8xf32, #tpu.memory_space<vmem_shared>> -> memref<512x8xf32, #tpu.memory_space<vmem_shared>>
      tpu.wait_dma2 semaphore(%run_scoped3A : memref<!tpu.dma_semaphore, #tpu.memory_space<semaphore_mem>>) src(%arg18 : memref<512x8xf32, #tpu.memory_space<vmem>>) dst(%dma_wait3A_219 : memref<512x8xf32, #tpu.memory_space<vmem_shared>>)
      tpu.yield
    }) : () -> ()
    %mul3A_58 = arith.constant 13393 : i32
    %mul3A_59 = arith.muli %arg1, %mul3A_58 : i32
    %add3A_60 = arith.constant 6144 : i32
    %add3A_61 = arith.addi %mul3A_59, %add3A_60 : i32
    "tpu.region"() ({
      %run_scoped3A = tpu.sem_alloc : memref<!tpu.dma_semaphore, #tpu.memory_space<semaphore_mem>>
      %dma_start3A = arith.constant 0 : i32
      %dma_start3A_214 = tpu.memref_slice %arg8[%add3A_61, %dma_start3A] : memref<214288x8xf32, #tpu.memory_space<vmem_shared>> -> memref<512x8xf32, #tpu.memory_space<vmem_shared>>
      %dma_start3A_215 = arith.constant 0 : i32
      %dma_start3A_216 = tpu.memref_slice %arg8[%add3A_61, %dma_start3A_215] : memref<214288x8xf32, #tpu.memory_space<vmem_shared>> -> memref<512x8xf32, #tpu.memory_space<vmem_shared>>
      tpu.enqueue_dma source(%arg18 : memref<512x8xf32, #tpu.memory_space<vmem>>) target(%dma_start3A_216 : memref<512x8xf32, #tpu.memory_space<vmem_shared>>) target_semaphore(%run_scoped3A : memref<!tpu.dma_semaphore, #tpu.memory_space<semaphore_mem>>)
      %dma_wait3A = arith.constant 0 : i32
      %dma_wait3A_217 = tpu.memref_slice %arg8[%add3A_61, %dma_wait3A] : memref<214288x8xf32, #tpu.memory_space<vmem_shared>> -> memref<512x8xf32, #tpu.memory_space<vmem_shared>>
      %dma_wait3A_218 = arith.constant 0 : i32
      %dma_wait3A_219 = tpu.memref_slice %arg8[%add3A_61, %dma_wait3A_218] : memref<214288x8xf32, #tpu.memory_space<vmem_shared>> -> memref<512x8xf32, #tpu.memory_space<vmem_shared>>
      tpu.wait_dma2 semaphore(%run_scoped3A : memref<!tpu.dma_semaphore, #tpu.memory_space<semaphore_mem>>) src(%arg18 : memref<512x8xf32, #tpu.memory_space<vmem>>) dst(%dma_wait3A_219 : memref<512x8xf32, #tpu.memory_space<vmem_shared>>)
      tpu.yield
    }) : () -> ()
    %mul3A_62 = arith.constant 13393 : i32
    %mul3A_63 = arith.muli %arg1, %mul3A_62 : i32
    %add3A_64 = arith.constant 6656 : i32
    %add3A_65 = arith.addi %mul3A_63, %add3A_64 : i32
    "tpu.region"() ({
      %run_scoped3A = tpu.sem_alloc : memref<!tpu.dma_semaphore, #tpu.memory_space<semaphore_mem>>
      %dma_start3A = arith.constant 0 : i32
      %dma_start3A_214 = tpu.memref_slice %arg8[%add3A_65, %dma_start3A] : memref<214288x8xf32, #tpu.memory_space<vmem_shared>> -> memref<512x8xf32, #tpu.memory_space<vmem_shared>>
      %dma_start3A_215 = arith.constant 0 : i32
      %dma_start3A_216 = tpu.memref_slice %arg8[%add3A_65, %dma_start3A_215] : memref<214288x8xf32, #tpu.memory_space<vmem_shared>> -> memref<512x8xf32, #tpu.memory_space<vmem_shared>>
      tpu.enqueue_dma source(%arg18 : memref<512x8xf32, #tpu.memory_space<vmem>>) target(%dma_start3A_216 : memref<512x8xf32, #tpu.memory_space<vmem_shared>>) target_semaphore(%run_scoped3A : memref<!tpu.dma_semaphore, #tpu.memory_space<semaphore_mem>>)
      %dma_wait3A = arith.constant 0 : i32
      %dma_wait3A_217 = tpu.memref_slice %arg8[%add3A_65, %dma_wait3A] : memref<214288x8xf32, #tpu.memory_space<vmem_shared>> -> memref<512x8xf32, #tpu.memory_space<vmem_shared>>
      %dma_wait3A_218 = arith.constant 0 : i32
      %dma_wait3A_219 = tpu.memref_slice %arg8[%add3A_65, %dma_wait3A_218] : memref<214288x8xf32, #tpu.memory_space<vmem_shared>> -> memref<512x8xf32, #tpu.memory_space<vmem_shared>>
      tpu.wait_dma2 semaphore(%run_scoped3A : memref<!tpu.dma_semaphore, #tpu.memory_space<semaphore_mem>>) src(%arg18 : memref<512x8xf32, #tpu.memory_space<vmem>>) dst(%dma_wait3A_219 : memref<512x8xf32, #tpu.memory_space<vmem_shared>>)
      tpu.yield
    }) : () -> ()
    %mul3A_66 = arith.constant 13393 : i32
    %mul3A_67 = arith.muli %arg1, %mul3A_66 : i32
    %add3A_68 = arith.constant 7168 : i32
    %add3A_69 = arith.addi %mul3A_67, %add3A_68 : i32
    "tpu.region"() ({
      %run_scoped3A = tpu.sem_alloc : memref<!tpu.dma_semaphore, #tpu.memory_space<semaphore_mem>>
      %dma_start3A = arith.constant 0 : i32
      %dma_start3A_214 = tpu.memref_slice %arg8[%add3A_69, %dma_start3A] : memref<214288x8xf32, #tpu.memory_space<vmem_shared>> -> memref<512x8xf32, #tpu.memory_space<vmem_shared>>
      %dma_start3A_215 = arith.constant 0 : i32
      %dma_start3A_216 = tpu.memref_slice %arg8[%add3A_69, %dma_start3A_215] : memref<214288x8xf32, #tpu.memory_space<vmem_shared>> -> memref<512x8xf32, #tpu.memory_space<vmem_shared>>
      tpu.enqueue_dma source(%arg18 : memref<512x8xf32, #tpu.memory_space<vmem>>) target(%dma_start3A_216 : memref<512x8xf32, #tpu.memory_space<vmem_shared>>) target_semaphore(%run_scoped3A : memref<!tpu.dma_semaphore, #tpu.memory_space<semaphore_mem>>)
      %dma_wait3A = arith.constant 0 : i32
      %dma_wait3A_217 = tpu.memref_slice %arg8[%add3A_69, %dma_wait3A] : memref<214288x8xf32, #tpu.memory_space<vmem_shared>> -> memref<512x8xf32, #tpu.memory_space<vmem_shared>>
      %dma_wait3A_218 = arith.constant 0 : i32
      %dma_wait3A_219 = tpu.memref_slice %arg8[%add3A_69, %dma_wait3A_218] : memref<214288x8xf32, #tpu.memory_space<vmem_shared>> -> memref<512x8xf32, #tpu.memory_space<vmem_shared>>
      tpu.wait_dma2 semaphore(%run_scoped3A : memref<!tpu.dma_semaphore, #tpu.memory_space<semaphore_mem>>) src(%arg18 : memref<512x8xf32, #tpu.memory_space<vmem>>) dst(%dma_wait3A_219 : memref<512x8xf32, #tpu.memory_space<vmem_shared>>)
      tpu.yield
    }) : () -> ()
    %mul3A_70 = arith.constant 13393 : i32
    %mul3A_71 = arith.muli %arg1, %mul3A_70 : i32
    %add3A_72 = arith.constant 7680 : i32
    %add3A_73 = arith.addi %mul3A_71, %add3A_72 : i32
    "tpu.region"() ({
      %run_scoped3A = tpu.sem_alloc : memref<!tpu.dma_semaphore, #tpu.memory_space<semaphore_mem>>
      %dma_start3A = arith.constant 0 : i32
      %dma_start3A_214 = tpu.memref_slice %arg8[%add3A_73, %dma_start3A] : memref<214288x8xf32, #tpu.memory_space<vmem_shared>> -> memref<512x8xf32, #tpu.memory_space<vmem_shared>>
      %dma_start3A_215 = arith.constant 0 : i32
      %dma_start3A_216 = tpu.memref_slice %arg8[%add3A_73, %dma_start3A_215] : memref<214288x8xf32, #tpu.memory_space<vmem_shared>> -> memref<512x8xf32, #tpu.memory_space<vmem_shared>>
      tpu.enqueue_dma source(%arg18 : memref<512x8xf32, #tpu.memory_space<vmem>>) target(%dma_start3A_216 : memref<512x8xf32, #tpu.memory_space<vmem_shared>>) target_semaphore(%run_scoped3A : memref<!tpu.dma_semaphore, #tpu.memory_space<semaphore_mem>>)
      %dma_wait3A = arith.constant 0 : i32
      %dma_wait3A_217 = tpu.memref_slice %arg8[%add3A_73, %dma_wait3A] : memref<214288x8xf32, #tpu.memory_space<vmem_shared>> -> memref<512x8xf32, #tpu.memory_space<vmem_shared>>
      %dma_wait3A_218 = arith.constant 0 : i32
      %dma_wait3A_219 = tpu.memref_slice %arg8[%add3A_73, %dma_wait3A_218] : memref<214288x8xf32, #tpu.memory_space<vmem_shared>> -> memref<512x8xf32, #tpu.memory_space<vmem_shared>>
      tpu.wait_dma2 semaphore(%run_scoped3A : memref<!tpu.dma_semaphore, #tpu.memory_space<semaphore_mem>>) src(%arg18 : memref<512x8xf32, #tpu.memory_space<vmem>>) dst(%dma_wait3A_219 : memref<512x8xf32, #tpu.memory_space<vmem_shared>>)
      tpu.yield
    }) : () -> ()
    %mul3A_74 = arith.constant 13393 : i32
    %mul3A_75 = arith.muli %arg1, %mul3A_74 : i32
    %add3A_76 = arith.constant 8192 : i32
    %add3A_77 = arith.addi %mul3A_75, %add3A_76 : i32
    "tpu.region"() ({
      %run_scoped3A = tpu.sem_alloc : memref<!tpu.dma_semaphore, #tpu.memory_space<semaphore_mem>>
      %dma_start3A = arith.constant 0 : i32
      %dma_start3A_214 = tpu.memref_slice %arg8[%add3A_77, %dma_start3A] : memref<214288x8xf32, #tpu.memory_space<vmem_shared>> -> memref<512x8xf32, #tpu.memory_space<vmem_shared>>
      %dma_start3A_215 = arith.constant 0 : i32
      %dma_start3A_216 = tpu.memref_slice %arg8[%add3A_77, %dma_start3A_215] : memref<214288x8xf32, #tpu.memory_space<vmem_shared>> -> memref<512x8xf32, #tpu.memory_space<vmem_shared>>
      tpu.enqueue_dma source(%arg18 : memref<512x8xf32, #tpu.memory_space<vmem>>) target(%dma_start3A_216 : memref<512x8xf32, #tpu.memory_space<vmem_shared>>) target_semaphore(%run_scoped3A : memref<!tpu.dma_semaphore, #tpu.memory_space<semaphore_mem>>)
      %dma_wait3A = arith.constant 0 : i32
      %dma_wait3A_217 = tpu.memref_slice %arg8[%add3A_77, %dma_wait3A] : memref<214288x8xf32, #tpu.memory_space<vmem_shared>> -> memref<512x8xf32, #tpu.memory_space<vmem_shared>>
      %dma_wait3A_218 = arith.constant 0 : i32
      %dma_wait3A_219 = tpu.memref_slice %arg8[%add3A_77, %dma_wait3A_218] : memref<214288x8xf32, #tpu.memory_space<vmem_shared>> -> memref<512x8xf32, #tpu.memory_space<vmem_shared>>
      tpu.wait_dma2 semaphore(%run_scoped3A : memref<!tpu.dma_semaphore, #tpu.memory_space<semaphore_mem>>) src(%arg18 : memref<512x8xf32, #tpu.memory_space<vmem>>) dst(%dma_wait3A_219 : memref<512x8xf32, #tpu.memory_space<vmem_shared>>)
      tpu.yield
    }) : () -> ()
    %mul3A_78 = arith.constant 13393 : i32
    %mul3A_79 = arith.muli %arg1, %mul3A_78 : i32
    %add3A_80 = arith.constant 8704 : i32
    %add3A_81 = arith.addi %mul3A_79, %add3A_80 : i32
    "tpu.region"() ({
      %run_scoped3A = tpu.sem_alloc : memref<!tpu.dma_semaphore, #tpu.memory_space<semaphore_mem>>
      %dma_start3A = arith.constant 0 : i32
      %dma_start3A_214 = tpu.memref_slice %arg8[%add3A_81, %dma_start3A] : memref<214288x8xf32, #tpu.memory_space<vmem_shared>> -> memref<512x8xf32, #tpu.memory_space<vmem_shared>>
      %dma_start3A_215 = arith.constant 0 : i32
      %dma_start3A_216 = tpu.memref_slice %arg8[%add3A_81, %dma_start3A_215] : memref<214288x8xf32, #tpu.memory_space<vmem_shared>> -> memref<512x8xf32, #tpu.memory_space<vmem_shared>>
      tpu.enqueue_dma source(%arg18 : memref<512x8xf32, #tpu.memory_space<vmem>>) target(%dma_start3A_216 : memref<512x8xf32, #tpu.memory_space<vmem_shared>>) target_semaphore(%run_scoped3A : memref<!tpu.dma_semaphore, #tpu.memory_space<semaphore_mem>>)
      %dma_wait3A = arith.constant 0 : i32
      %dma_wait3A_217 = tpu.memref_slice %arg8[%add3A_81, %dma_wait3A] : memref<214288x8xf32, #tpu.memory_space<vmem_shared>> -> memref<512x8xf32, #tpu.memory_space<vmem_shared>>
      %dma_wait3A_218 = arith.constant 0 : i32
      %dma_wait3A_219 = tpu.memref_slice %arg8[%add3A_81, %dma_wait3A_218] : memref<214288x8xf32, #tpu.memory_space<vmem_shared>> -> memref<512x8xf32, #tpu.memory_space<vmem_shared>>
      tpu.wait_dma2 semaphore(%run_scoped3A : memref<!tpu.dma_semaphore, #tpu.memory_space<semaphore_mem>>) src(%arg18 : memref<512x8xf32, #tpu.memory_space<vmem>>) dst(%dma_wait3A_219 : memref<512x8xf32, #tpu.memory_space<vmem_shared>>)
      tpu.yield
    }) : () -> ()
    %mul3A_82 = arith.constant 13393 : i32
    %mul3A_83 = arith.muli %arg1, %mul3A_82 : i32
    %add3A_84 = arith.constant 9216 : i32
    %add3A_85 = arith.addi %mul3A_83, %add3A_84 : i32
    "tpu.region"() ({
      %run_scoped3A = tpu.sem_alloc : memref<!tpu.dma_semaphore, #tpu.memory_space<semaphore_mem>>
      %dma_start3A = arith.constant 0 : i32
      %dma_start3A_214 = tpu.memref_slice %arg8[%add3A_85, %dma_start3A] : memref<214288x8xf32, #tpu.memory_space<vmem_shared>> -> memref<512x8xf32, #tpu.memory_space<vmem_shared>>
      %dma_start3A_215 = arith.constant 0 : i32
      %dma_start3A_216 = tpu.memref_slice %arg8[%add3A_85, %dma_start3A_215] : memref<214288x8xf32, #tpu.memory_space<vmem_shared>> -> memref<512x8xf32, #tpu.memory_space<vmem_shared>>
      tpu.enqueue_dma source(%arg18 : memref<512x8xf32, #tpu.memory_space<vmem>>) target(%dma_start3A_216 : memref<512x8xf32, #tpu.memory_space<vmem_shared>>) target_semaphore(%run_scoped3A : memref<!tpu.dma_semaphore, #tpu.memory_space<semaphore_mem>>)
      %dma_wait3A = arith.constant 0 : i32
      %dma_wait3A_217 = tpu.memref_slice %arg8[%add3A_85, %dma_wait3A] : memref<214288x8xf32, #tpu.memory_space<vmem_shared>> -> memref<512x8xf32, #tpu.memory_space<vmem_shared>>
      %dma_wait3A_218 = arith.constant 0 : i32
      %dma_wait3A_219 = tpu.memref_slice %arg8[%add3A_85, %dma_wait3A_218] : memref<214288x8xf32, #tpu.memory_space<vmem_shared>> -> memref<512x8xf32, #tpu.memory_space<vmem_shared>>
      tpu.wait_dma2 semaphore(%run_scoped3A : memref<!tpu.dma_semaphore, #tpu.memory_space<semaphore_mem>>) src(%arg18 : memref<512x8xf32, #tpu.memory_space<vmem>>) dst(%dma_wait3A_219 : memref<512x8xf32, #tpu.memory_space<vmem_shared>>)
      tpu.yield
    }) : () -> ()
    %mul3A_86 = arith.constant 13393 : i32
    %mul3A_87 = arith.muli %arg1, %mul3A_86 : i32
    %add3A_88 = arith.constant 9728 : i32
    %add3A_89 = arith.addi %mul3A_87, %add3A_88 : i32
    "tpu.region"() ({
      %run_scoped3A = tpu.sem_alloc : memref<!tpu.dma_semaphore, #tpu.memory_space<semaphore_mem>>
      %dma_start3A = arith.constant 0 : i32
      %dma_start3A_214 = tpu.memref_slice %arg8[%add3A_89, %dma_start3A] : memref<214288x8xf32, #tpu.memory_space<vmem_shared>> -> memref<512x8xf32, #tpu.memory_space<vmem_shared>>
      %dma_start3A_215 = arith.constant 0 : i32
      %dma_start3A_216 = tpu.memref_slice %arg8[%add3A_89, %dma_start3A_215] : memref<214288x8xf32, #tpu.memory_space<vmem_shared>> -> memref<512x8xf32, #tpu.memory_space<vmem_shared>>
      tpu.enqueue_dma source(%arg18 : memref<512x8xf32, #tpu.memory_space<vmem>>) target(%dma_start3A_216 : memref<512x8xf32, #tpu.memory_space<vmem_shared>>) target_semaphore(%run_scoped3A : memref<!tpu.dma_semaphore, #tpu.memory_space<semaphore_mem>>)
      %dma_wait3A = arith.constant 0 : i32
      %dma_wait3A_217 = tpu.memref_slice %arg8[%add3A_89, %dma_wait3A] : memref<214288x8xf32, #tpu.memory_space<vmem_shared>> -> memref<512x8xf32, #tpu.memory_space<vmem_shared>>
      %dma_wait3A_218 = arith.constant 0 : i32
      %dma_wait3A_219 = tpu.memref_slice %arg8[%add3A_89, %dma_wait3A_218] : memref<214288x8xf32, #tpu.memory_space<vmem_shared>> -> memref<512x8xf32, #tpu.memory_space<vmem_shared>>
      tpu.wait_dma2 semaphore(%run_scoped3A : memref<!tpu.dma_semaphore, #tpu.memory_space<semaphore_mem>>) src(%arg18 : memref<512x8xf32, #tpu.memory_space<vmem>>) dst(%dma_wait3A_219 : memref<512x8xf32, #tpu.memory_space<vmem_shared>>)
      tpu.yield
    }) : () -> ()
    %mul3A_90 = arith.constant 13393 : i32
    %mul3A_91 = arith.muli %arg1, %mul3A_90 : i32
    %add3A_92 = arith.constant 10240 : i32
    %add3A_93 = arith.addi %mul3A_91, %add3A_92 : i32
    "tpu.region"() ({
      %run_scoped3A = tpu.sem_alloc : memref<!tpu.dma_semaphore, #tpu.memory_space<semaphore_mem>>
      %dma_start3A = arith.constant 0 : i32
      %dma_start3A_214 = tpu.memref_slice %arg8[%add3A_93, %dma_start3A] : memref<214288x8xf32, #tpu.memory_space<vmem_shared>> -> memref<512x8xf32, #tpu.memory_space<vmem_shared>>
      %dma_start3A_215 = arith.constant 0 : i32
      %dma_start3A_216 = tpu.memref_slice %arg8[%add3A_93, %dma_start3A_215] : memref<214288x8xf32, #tpu.memory_space<vmem_shared>> -> memref<512x8xf32, #tpu.memory_space<vmem_shared>>
      tpu.enqueue_dma source(%arg18 : memref<512x8xf32, #tpu.memory_space<vmem>>) target(%dma_start3A_216 : memref<512x8xf32, #tpu.memory_space<vmem_shared>>) target_semaphore(%run_scoped3A : memref<!tpu.dma_semaphore, #tpu.memory_space<semaphore_mem>>)
      %dma_wait3A = arith.constant 0 : i32
      %dma_wait3A_217 = tpu.memref_slice %arg8[%add3A_93, %dma_wait3A] : memref<214288x8xf32, #tpu.memory_space<vmem_shared>> -> memref<512x8xf32, #tpu.memory_space<vmem_shared>>
      %dma_wait3A_218 = arith.constant 0 : i32
      %dma_wait3A_219 = tpu.memref_slice %arg8[%add3A_93, %dma_wait3A_218] : memref<214288x8xf32, #tpu.memory_space<vmem_shared>> -> memref<512x8xf32, #tpu.memory_space<vmem_shared>>
      tpu.wait_dma2 semaphore(%run_scoped3A : memref<!tpu.dma_semaphore, #tpu.memory_space<semaphore_mem>>) src(%arg18 : memref<512x8xf32, #tpu.memory_space<vmem>>) dst(%dma_wait3A_219 : memref<512x8xf32, #tpu.memory_space<vmem_shared>>)
      tpu.yield
    }) : () -> ()
    %mul3A_94 = arith.constant 13393 : i32
    %mul3A_95 = arith.muli %arg1, %mul3A_94 : i32
    %add3A_96 = arith.constant 10752 : i32
    %add3A_97 = arith.addi %mul3A_95, %add3A_96 : i32
    "tpu.region"() ({
      %run_scoped3A = tpu.sem_alloc : memref<!tpu.dma_semaphore, #tpu.memory_space<semaphore_mem>>
      %dma_start3A = arith.constant 0 : i32
      %dma_start3A_214 = tpu.memref_slice %arg8[%add3A_97, %dma_start3A] : memref<214288x8xf32, #tpu.memory_space<vmem_shared>> -> memref<512x8xf32, #tpu.memory_space<vmem_shared>>
      %dma_start3A_215 = arith.constant 0 : i32
      %dma_start3A_216 = tpu.memref_slice %arg8[%add3A_97, %dma_start3A_215] : memref<214288x8xf32, #tpu.memory_space<vmem_shared>> -> memref<512x8xf32, #tpu.memory_space<vmem_shared>>
      tpu.enqueue_dma source(%arg18 : memref<512x8xf32, #tpu.memory_space<vmem>>) target(%dma_start3A_216 : memref<512x8xf32, #tpu.memory_space<vmem_shared>>) target_semaphore(%run_scoped3A : memref<!tpu.dma_semaphore, #tpu.memory_space<semaphore_mem>>)
      %dma_wait3A = arith.constant 0 : i32
      %dma_wait3A_217 = tpu.memref_slice %arg8[%add3A_97, %dma_wait3A] : memref<214288x8xf32, #tpu.memory_space<vmem_shared>> -> memref<512x8xf32, #tpu.memory_space<vmem_shared>>
      %dma_wait3A_218 = arith.constant 0 : i32
      %dma_wait3A_219 = tpu.memref_slice %arg8[%add3A_97, %dma_wait3A_218] : memref<214288x8xf32, #tpu.memory_space<vmem_shared>> -> memref<512x8xf32, #tpu.memory_space<vmem_shared>>
      tpu.wait_dma2 semaphore(%run_scoped3A : memref<!tpu.dma_semaphore, #tpu.memory_space<semaphore_mem>>) src(%arg18 : memref<512x8xf32, #tpu.memory_space<vmem>>) dst(%dma_wait3A_219 : memref<512x8xf32, #tpu.memory_space<vmem_shared>>)
      tpu.yield
    }) : () -> ()
    %mul3A_98 = arith.constant 13393 : i32
    %mul3A_99 = arith.muli %arg1, %mul3A_98 : i32
    %add3A_100 = arith.constant 11264 : i32
    %add3A_101 = arith.addi %mul3A_99, %add3A_100 : i32
    "tpu.region"() ({
      %run_scoped3A = tpu.sem_alloc : memref<!tpu.dma_semaphore, #tpu.memory_space<semaphore_mem>>
      %dma_start3A = arith.constant 0 : i32
      %dma_start3A_214 = tpu.memref_slice %arg8[%add3A_101, %dma_start3A] : memref<214288x8xf32, #tpu.memory_space<vmem_shared>> -> memref<512x8xf32, #tpu.memory_space<vmem_shared>>
      %dma_start3A_215 = arith.constant 0 : i32
      %dma_start3A_216 = tpu.memref_slice %arg8[%add3A_101, %dma_start3A_215] : memref<214288x8xf32, #tpu.memory_space<vmem_shared>> -> memref<512x8xf32, #tpu.memory_space<vmem_shared>>
      tpu.enqueue_dma source(%arg18 : memref<512x8xf32, #tpu.memory_space<vmem>>) target(%dma_start3A_216 : memref<512x8xf32, #tpu.memory_space<vmem_shared>>) target_semaphore(%run_scoped3A : memref<!tpu.dma_semaphore, #tpu.memory_space<semaphore_mem>>)
      %dma_wait3A = arith.constant 0 : i32
      %dma_wait3A_217 = tpu.memref_slice %arg8[%add3A_101, %dma_wait3A] : memref<214288x8xf32, #tpu.memory_space<vmem_shared>> -> memref<512x8xf32, #tpu.memory_space<vmem_shared>>
      %dma_wait3A_218 = arith.constant 0 : i32
      %dma_wait3A_219 = tpu.memref_slice %arg8[%add3A_101, %dma_wait3A_218] : memref<214288x8xf32, #tpu.memory_space<vmem_shared>> -> memref<512x8xf32, #tpu.memory_space<vmem_shared>>
      tpu.wait_dma2 semaphore(%run_scoped3A : memref<!tpu.dma_semaphore, #tpu.memory_space<semaphore_mem>>) src(%arg18 : memref<512x8xf32, #tpu.memory_space<vmem>>) dst(%dma_wait3A_219 : memref<512x8xf32, #tpu.memory_space<vmem_shared>>)
      tpu.yield
    }) : () -> ()
    %mul3A_102 = arith.constant 13393 : i32
    %mul3A_103 = arith.muli %arg1, %mul3A_102 : i32
    %add3A_104 = arith.constant 11776 : i32
    %add3A_105 = arith.addi %mul3A_103, %add3A_104 : i32
    "tpu.region"() ({
      %run_scoped3A = tpu.sem_alloc : memref<!tpu.dma_semaphore, #tpu.memory_space<semaphore_mem>>
      %dma_start3A = arith.constant 0 : i32
      %dma_start3A_214 = tpu.memref_slice %arg8[%add3A_105, %dma_start3A] : memref<214288x8xf32, #tpu.memory_space<vmem_shared>> -> memref<512x8xf32, #tpu.memory_space<vmem_shared>>
      %dma_start3A_215 = arith.constant 0 : i32
      %dma_start3A_216 = tpu.memref_slice %arg8[%add3A_105, %dma_start3A_215] : memref<214288x8xf32, #tpu.memory_space<vmem_shared>> -> memref<512x8xf32, #tpu.memory_space<vmem_shared>>
      tpu.enqueue_dma source(%arg18 : memref<512x8xf32, #tpu.memory_space<vmem>>) target(%dma_start3A_216 : memref<512x8xf32, #tpu.memory_space<vmem_shared>>) target_semaphore(%run_scoped3A : memref<!tpu.dma_semaphore, #tpu.memory_space<semaphore_mem>>)
      %dma_wait3A = arith.constant 0 : i32
      %dma_wait3A_217 = tpu.memref_slice %arg8[%add3A_105, %dma_wait3A] : memref<214288x8xf32, #tpu.memory_space<vmem_shared>> -> memref<512x8xf32, #tpu.memory_space<vmem_shared>>
      %dma_wait3A_218 = arith.constant 0 : i32
      %dma_wait3A_219 = tpu.memref_slice %arg8[%add3A_105, %dma_wait3A_218] : memref<214288x8xf32, #tpu.memory_space<vmem_shared>> -> memref<512x8xf32, #tpu.memory_space<vmem_shared>>
      tpu.wait_dma2 semaphore(%run_scoped3A : memref<!tpu.dma_semaphore, #tpu.memory_space<semaphore_mem>>) src(%arg18 : memref<512x8xf32, #tpu.memory_space<vmem>>) dst(%dma_wait3A_219 : memref<512x8xf32, #tpu.memory_space<vmem_shared>>)
      tpu.yield
    }) : () -> ()
    %mul3A_106 = arith.constant 13393 : i32
    %mul3A_107 = arith.muli %arg1, %mul3A_106 : i32
    %add3A_108 = arith.constant 12288 : i32
    %add3A_109 = arith.addi %mul3A_107, %add3A_108 : i32
    "tpu.region"() ({
      %run_scoped3A = tpu.sem_alloc : memref<!tpu.dma_semaphore, #tpu.memory_space<semaphore_mem>>
      %dma_start3A = arith.constant 0 : i32
      %dma_start3A_214 = tpu.memref_slice %arg8[%add3A_109, %dma_start3A] : memref<214288x8xf32, #tpu.memory_space<vmem_shared>> -> memref<512x8xf32, #tpu.memory_space<vmem_shared>>
      %dma_start3A_215 = arith.constant 0 : i32
      %dma_start3A_216 = tpu.memref_slice %arg8[%add3A_109, %dma_start3A_215] : memref<214288x8xf32, #tpu.memory_space<vmem_shared>> -> memref<512x8xf32, #tpu.memory_space<vmem_shared>>
      tpu.enqueue_dma source(%arg18 : memref<512x8xf32, #tpu.memory_space<vmem>>) target(%dma_start3A_216 : memref<512x8xf32, #tpu.memory_space<vmem_shared>>) target_semaphore(%run_scoped3A : memref<!tpu.dma_semaphore, #tpu.memory_space<semaphore_mem>>)
      %dma_wait3A = arith.constant 0 : i32
      %dma_wait3A_217 = tpu.memref_slice %arg8[%add3A_109, %dma_wait3A] : memref<214288x8xf32, #tpu.memory_space<vmem_shared>> -> memref<512x8xf32, #tpu.memory_space<vmem_shared>>
      %dma_wait3A_218 = arith.constant 0 : i32
      %dma_wait3A_219 = tpu.memref_slice %arg8[%add3A_109, %dma_wait3A_218] : memref<214288x8xf32, #tpu.memory_space<vmem_shared>> -> memref<512x8xf32, #tpu.memory_space<vmem_shared>>
      tpu.wait_dma2 semaphore(%run_scoped3A : memref<!tpu.dma_semaphore, #tpu.memory_space<semaphore_mem>>) src(%arg18 : memref<512x8xf32, #tpu.memory_space<vmem>>) dst(%dma_wait3A_219 : memref<512x8xf32, #tpu.memory_space<vmem_shared>>)
      tpu.yield
    }) : () -> ()
    %mul3A_110 = arith.constant 13393 : i32
    %mul3A_111 = arith.muli %arg1, %mul3A_110 : i32
    %add3A_112 = arith.constant 12800 : i32
    %add3A_113 = arith.addi %mul3A_111, %add3A_112 : i32
    "tpu.region"() ({
      %run_scoped3A = tpu.sem_alloc : memref<!tpu.dma_semaphore, #tpu.memory_space<semaphore_mem>>
      %dma_start3A = arith.constant 0 : i32
      %dma_start3A_214 = tpu.memref_slice %arg8[%add3A_113, %dma_start3A] : memref<214288x8xf32, #tpu.memory_space<vmem_shared>> -> memref<512x8xf32, #tpu.memory_space<vmem_shared>>
      %dma_start3A_215 = arith.constant 0 : i32
      %dma_start3A_216 = tpu.memref_slice %arg8[%add3A_113, %dma_start3A_215] : memref<214288x8xf32, #tpu.memory_space<vmem_shared>> -> memref<512x8xf32, #tpu.memory_space<vmem_shared>>
      tpu.enqueue_dma source(%arg18 : memref<512x8xf32, #tpu.memory_space<vmem>>) target(%dma_start3A_216 : memref<512x8xf32, #tpu.memory_space<vmem_shared>>) target_semaphore(%run_scoped3A : memref<!tpu.dma_semaphore, #tpu.memory_space<semaphore_mem>>)
      %dma_wait3A = arith.constant 0 : i32
      %dma_wait3A_217 = tpu.memref_slice %arg8[%add3A_113, %dma_wait3A] : memref<214288x8xf32, #tpu.memory_space<vmem_shared>> -> memref<512x8xf32, #tpu.memory_space<vmem_shared>>
      %dma_wait3A_218 = arith.constant 0 : i32
      %dma_wait3A_219 = tpu.memref_slice %arg8[%add3A_113, %dma_wait3A_218] : memref<214288x8xf32, #tpu.memory_space<vmem_shared>> -> memref<512x8xf32, #tpu.memory_space<vmem_shared>>
      tpu.wait_dma2 semaphore(%run_scoped3A : memref<!tpu.dma_semaphore, #tpu.memory_space<semaphore_mem>>) src(%arg18 : memref<512x8xf32, #tpu.memory_space<vmem>>) dst(%dma_wait3A_219 : memref<512x8xf32, #tpu.memory_space<vmem_shared>>)
      tpu.yield
    }) : () -> ()
    %mul3A_114 = arith.constant 13393 : i32
    %mul3A_115 = arith.muli %arg1, %mul3A_114 : i32
    %add3A_116 = arith.constant 13312 : i32
    %add3A_117 = arith.addi %mul3A_115, %add3A_116 : i32
    "tpu.region"() ({
      %run_scoped3A = tpu.sem_alloc : memref<!tpu.dma_semaphore, #tpu.memory_space<semaphore_mem>>
      %dma_start3A = arith.constant 0 : i32
      %dma_start3A_214 = arith.constant 0 : i32
      %dma_start3A_215 = tpu.memref_slice %arg18[%dma_start3A, %dma_start3A_214] : memref<512x8xf32, #tpu.memory_space<vmem>> -> memref<81x8xf32, #tpu.memory_space<vmem>>
      %dma_start3A_216 = arith.constant 0 : i32
      %dma_start3A_217 = tpu.memref_slice %arg8[%add3A_117, %dma_start3A_216] : memref<214288x8xf32, #tpu.memory_space<vmem_shared>> -> memref<81x8xf32, #tpu.memory_space<vmem_shared>>
      %dma_start3A_218 = arith.constant 0 : i32
      %dma_start3A_219 = tpu.memref_slice %arg8[%add3A_117, %dma_start3A_218] : memref<214288x8xf32, #tpu.memory_space<vmem_shared>> -> memref<81x8xf32, #tpu.memory_space<vmem_shared>>
      %dma_start3A_220 = arith.constant 0 : i32
      %dma_start3A_221 = arith.constant 0 : i32
      %dma_start3A_222 = tpu.memref_slice %arg18[%dma_start3A_220, %dma_start3A_221] : memref<512x8xf32, #tpu.memory_space<vmem>> -> memref<81x8xf32, #tpu.memory_space<vmem>>
      tpu.enqueue_dma source(%dma_start3A_222 : memref<81x8xf32, #tpu.memory_space<vmem>>) target(%dma_start3A_219 : memref<81x8xf32, #tpu.memory_space<vmem_shared>>) target_semaphore(%run_scoped3A : memref<!tpu.dma_semaphore, #tpu.memory_space<semaphore_mem>>)
      %dma_wait3A = arith.constant 0 : i32
      %dma_wait3A_223 = arith.constant 0 : i32
      %dma_wait3A_224 = tpu.memref_slice %arg18[%dma_wait3A, %dma_wait3A_223] : memref<512x8xf32, #tpu.memory_space<vmem>> -> memref<81x8xf32, #tpu.memory_space<vmem>>
      %dma_wait3A_225 = arith.constant 0 : i32
      %dma_wait3A_226 = tpu.memref_slice %arg8[%add3A_117, %dma_wait3A_225] : memref<214288x8xf32, #tpu.memory_space<vmem_shared>> -> memref<81x8xf32, #tpu.memory_space<vmem_shared>>
      %dma_wait3A_227 = arith.constant 0 : i32
      %dma_wait3A_228 = tpu.memref_slice %arg8[%add3A_117, %dma_wait3A_227] : memref<214288x8xf32, #tpu.memory_space<vmem_shared>> -> memref<81x8xf32, #tpu.memory_space<vmem_shared>>
      %dma_wait3A_229 = arith.constant 0 : i32
      %dma_wait3A_230 = arith.constant 0 : i32
      %dma_wait3A_231 = tpu.memref_slice %arg18[%dma_wait3A_229, %dma_wait3A_230] : memref<512x8xf32, #tpu.memory_space<vmem>> -> memref<81x8xf32, #tpu.memory_space<vmem>>
      tpu.wait_dma2 semaphore(%run_scoped3A : memref<!tpu.dma_semaphore, #tpu.memory_space<semaphore_mem>>) src(%dma_wait3A_231 : memref<81x8xf32, #tpu.memory_space<vmem>>) dst(%dma_wait3A_228 : memref<81x8xf32, #tpu.memory_space<vmem_shared>>)
      tpu.yield
    }) : () -> ()
    %barrier3A = arith.constant 0 : index
    tpu.barrier barrier_id(%barrier3A)
    %mul3A_118 = arith.constant 25000 : i32
    %mul3A_119 = arith.muli %arg0, %mul3A_118 : i32
    %mul3A_120 = arith.constant 1568 : i32
    %mul3A_121 = arith.muli %arg1, %mul3A_120 : i32
    %add3A_122 = arith.addi %mul3A_119, %mul3A_121 : i32
    %mul3A_123 = arith.constant 25000 : i32
    %mul3A_124 = arith.muli %arg0, %mul3A_123 : i32
    %add3A_125 = arith.addi %mul3A_124, %arg1 : i32
    %add3A_126 = arith.constant 214272 : i32
    %add3A_127 = arith.addi %add3A_126, %arg1 : i32
    %scan3A_128 = arith.constant 0 : i32
    %scan3A_129 = arith.constant 214272 : i32
    %scan3A_130 = arith.constant 0 : i32
    %scan3A_131 = arith.constant 0 : i32
    %scan3A_132 = arith.constant 98 : i32
    %scan3A_133 = arith.addi %scan3A_131, %scan3A_132 : i32
    %scan3A_134 = arith.constant 1 : i32
    %scan3A_135 = scf.for %scan3A_214 = %scan3A_131 to %scan3A_133 step %scan3A_134 iter_args(%scan3A_215 = %scan3A_130) -> (i32)  : i32 {
      %mul3A_216 = arith.constant 16 : i32
      %mul3A_217 = arith.muli %mul3A_216, %scan3A_214 : i32
      %get3A = arith.index_cast %mul3A_217 : i32 to index
      %get3A_218 = tpu.vector_load %arg12[%get3A] {strides = array<i32>} : memref<1568xi32, #tpu.memory_space<vmem>>, vector<16xi32>,
      %ge3A = vector.broadcast %scan3A_128 : i32 to vector<16xi32>
      %ge3A_219 = arith.cmpi sge, %get3A_218, %ge3A : vector<16xi32>
      %lt3A = vector.broadcast %scan3A_129 : i32 to vector<16xi32>
      %lt3A_220 = arith.cmpi slt, %get3A_218, %lt3A : vector<16xi32>
      %and3A_221 = arith.andi %ge3A_219, %lt3A_220 : vector<16xi1>
      %mul3A_222 = arith.constant 16 : i32
      %mul3A_223 = arith.muli %mul3A_222, %scan3A_214 : i32
      %add3A_224 = arith.addi %add3A_122, %mul3A_223 : i32
      %add3A_225 = vector.broadcast %add3A_224 : i32 to vector<16xi32>
      %add3A_226 = arith.addi %add3A_225, %iota3A : vector<16xi32>
      %convert_element_type3A = arith.extui %and3A_221 : vector<16xi1> to vector<16xi32>
      %broadcast_in_dim3A_227 = arith.constant true
      %broadcast_in_dim3A_228 = vector.broadcast %broadcast_in_dim3A_227 : i1 to vector<16xi1>
      %masked_cumsum3A = tpu.scan <sum>, %convert_element_type3A masked %broadcast_in_dim3A_228 : vector<16xi32>, vector<16xi1> -> vector<16xi32>
      %add3A_229 = vector.broadcast %scan3A_215 : i32 to vector<16xi32>
      %add3A_230 = arith.addi %add3A_229, %masked_cumsum3A : vector<16xi32>
      %sub3A_231 = arith.constant 1 : i32
      %sub3A_232 = vector.broadcast %sub3A_231 : i32 to vector<16xi32>
      %sub3A_233 = arith.subi %add3A_230, %sub3A_232 : vector<16xi32>
      tpu.vector_store_idx %arg13[%sub3A_233], %add3A_226 masked %and3A_221 : memref<1648xi32, #tpu.memory_space<vmem>>[vector<16xi32>], vector<16xi32>, vector<16xi1>
      %sub3A_234 = vector.broadcast %scan3A_128 : i32 to vector<16xi32>
      %sub3A_235 = arith.subi %get3A_218, %sub3A_234 : vector<16xi32>
      tpu.vector_store_idx %arg14[%sub3A_233], %sub3A_235 masked %and3A_221 : memref<1648xi32, #tpu.memory_space<vmem>>[vector<16xi32>], vector<16xi32>, vector<16xi1>
      %reduce_sum3A = arith.constant true
      %reduce_sum3A_236 = vector.broadcast %reduce_sum3A : i1 to vector<16xi1>
      %reduce_sum3A_237 = tpu.scan <sum>, %convert_element_type3A masked %reduce_sum3A_236 : vector<16xi32>, vector<16xi1> -> vector<16xi32>
      %reduce_sum3A_238 = vector.extract %reduce_sum3A_237[15] : i32 from vector<16xi32>
      %add3A_239 = arith.addi %scan3A_215, %reduce_sum3A_238 : i32
      scf.yield %add3A_239 : i32
    }
    %scan3A_136 = arith.constant 98 : i32
    %broadcast_in_dim3A = arith.constant 0 : i32
    %broadcast_in_dim3A_137 = vector.broadcast %broadcast_in_dim3A : i32 to vector<16xi32>
    %add3A_138 = vector.broadcast %add3A_125 : i32 to vector<16xi32>
    %add3A_139 = arith.addi %broadcast_in_dim3A_137, %add3A_138 : vector<16xi32>
    %broadcast_in_dim3A_140 = arith.constant 0 : i32
    %broadcast_in_dim3A_141 = vector.broadcast %broadcast_in_dim3A_140 : i32 to vector<16xi32>
    %add3A_142 = vector.broadcast %add3A_127 : i32 to vector<16xi32>
    %add3A_143 = arith.addi %broadcast_in_dim3A_141, %add3A_142 : vector<16xi32>
    %add3A_144 = arith.constant 0 : i32
    %add3A_145 = arith.addi %scan3A_135, %add3A_144 : i32
    %swap3A = arith.index_cast %add3A_145 : i32 to index
    %swap3A_146 = tpu.vector_load %arg13[%swap3A] {strides = array<i32>} : memref<1648xi32, #tpu.memory_space<vmem>>, vector<16xi32>,
    tpu.vector_store %arg13[%swap3A], %add3A_139 {strides = array<i32>} : memref<1648xi32, #tpu.memory_space<vmem>>, vector<16xi32>,
    %add3A_147 = arith.constant 0 : i32
    %add3A_148 = arith.addi %scan3A_135, %add3A_147 : i32
    %swap3A_149 = arith.index_cast %add3A_148 : i32 to index
    %swap3A_150 = tpu.vector_load %arg14[%swap3A_149] {strides = array<i32>} : memref<1648xi32, #tpu.memory_space<vmem>>, vector<16xi32>,
    tpu.vector_store %arg14[%swap3A_149], %add3A_143 {strides = array<i32>} : memref<1648xi32, #tpu.memory_space<vmem>>, vector<16xi32>,
    %add3A_151 = arith.constant 16 : i32
    %add3A_152 = arith.addi %scan3A_135, %add3A_151 : i32
    %swap3A_153 = arith.index_cast %add3A_152 : i32 to index
    %swap3A_154 = tpu.vector_load %arg13[%swap3A_153] {strides = array<i32>} : memref<1648xi32, #tpu.memory_space<vmem>>, vector<16xi32>,
    tpu.vector_store %arg13[%swap3A_153], %add3A_139 {strides = array<i32>} : memref<1648xi32, #tpu.memory_space<vmem>>, vector<16xi32>,
    %add3A_155 = arith.constant 16 : i32
    %add3A_156 = arith.addi %scan3A_135, %add3A_155 : i32
    %swap3A_157 = arith.index_cast %add3A_156 : i32 to index
    %swap3A_158 = tpu.vector_load %arg14[%swap3A_157] {strides = array<i32>} : memref<1648xi32, #tpu.memory_space<vmem>>, vector<16xi32>,
    tpu.vector_store %arg14[%swap3A_157], %add3A_143 {strides = array<i32>} : memref<1648xi32, #tpu.memory_space<vmem>>, vector<16xi32>,
    %add3A_159 = arith.constant 32 : i32
    %add3A_160 = arith.addi %scan3A_135, %add3A_159 : i32
    %swap3A_161 = arith.index_cast %add3A_160 : i32 to index
    %swap3A_162 = tpu.vector_load %arg13[%swap3A_161] {strides = array<i32>} : memref<1648xi32, #tpu.memory_space<vmem>>, vector<16xi32>,
    tpu.vector_store %arg13[%swap3A_161], %add3A_139 {strides = array<i32>} : memref<1648xi32, #tpu.memory_space<vmem>>, vector<16xi32>,
    %add3A_163 = arith.constant 32 : i32
    %add3A_164 = arith.addi %scan3A_135, %add3A_163 : i32
    %swap3A_165 = arith.index_cast %add3A_164 : i32 to index
    %swap3A_166 = tpu.vector_load %arg14[%swap3A_165] {strides = array<i32>} : memref<1648xi32, #tpu.memory_space<vmem>>, vector<16xi32>,
    tpu.vector_store %arg14[%swap3A_165], %add3A_143 {strides = array<i32>} : memref<1648xi32, #tpu.memory_space<vmem>>, vector<16xi32>,
    %add3A_167 = arith.constant 48 : i32
    %add3A_168 = arith.addi %scan3A_135, %add3A_167 : i32
    %swap3A_169 = arith.index_cast %add3A_168 : i32 to index
    %swap3A_170 = tpu.vector_load %arg13[%swap3A_169] {strides = array<i32>} : memref<1648xi32, #tpu.memory_space<vmem>>, vector<16xi32>,
    tpu.vector_store %arg13[%swap3A_169], %add3A_139 {strides = array<i32>} : memref<1648xi32, #tpu.memory_space<vmem>>, vector<16xi32>,
    %add3A_171 = arith.constant 48 : i32
    %add3A_172 = arith.addi %scan3A_135, %add3A_171 : i32
    %swap3A_173 = arith.index_cast %add3A_172 : i32 to index
    %swap3A_174 = tpu.vector_load %arg14[%swap3A_173] {strides = array<i32>} : memref<1648xi32, #tpu.memory_space<vmem>>, vector<16xi32>,
    tpu.vector_store %arg14[%swap3A_173], %add3A_143 {strides = array<i32>} : memref<1648xi32, #tpu.memory_space<vmem>>, vector<16xi32>,
    %add3A_175 = arith.constant 64 : i32
    %add3A_176 = arith.addi %scan3A_135, %add3A_175 : i32
    %sub3A = arith.constant 1 : i32
    %sub3A_177 = arith.subi %add3A_176, %sub3A : i32
    %jit3A = arith.constant 64 : i32
    %div3A = arith.divsi %sub3A_177, %jit3A : i32
    %sign3A = arith.constant 0 : i32
    %sign3A_178 = arith.cmpi sgt, %sub3A_177, %sign3A : i32
    %sign3A_179 = arith.extui %sign3A_178 : i1 to i32
    %sign3A_180 = arith.constant 0 : i32
    %sign3A_181 = arith.cmpi slt, %sub3A_177, %sign3A_180 : i32
    %sign3A_182 = arith.extui %sign3A_181 : i1 to i32
    %sign3A_183 = arith.subi %sign3A_179, %sign3A_182 : i32
    %sign3A_184 = arith.constant 0 : i32
    %sign3A_185 = arith.cmpi sgt, %jit3A, %sign3A_184 : i32
    %sign3A_186 = arith.extui %sign3A_185 : i1 to i32
    %sign3A_187 = arith.constant 0 : i32
    %sign3A_188 = arith.cmpi slt, %jit3A, %sign3A_187 : i32
    %sign3A_189 = arith.extui %sign3A_188 : i1 to i32
    %sign3A_190 = arith.subi %sign3A_186, %sign3A_189 : i32
    %ne3A = arith.cmpi ne, %sign3A_183, %sign3A_190 : i32
    %rem3A = arith.remsi %sub3A_177, %jit3A : i32
    %ne3A_191 = arith.constant 0 : i32
    %ne3A_192 = arith.cmpi ne, %rem3A, %ne3A_191 : i32
    %and3A = arith.andi %ne3A, %ne3A_192 : i1
    %sub3A_193 = arith.constant 1 : i32
    %sub3A_194 = arith.subi %div3A, %sub3A_193 : i32
    %select_n3A = arith.select %and3A, %sub3A_194, %div3A : i32
    %while3A = arith.constant 0 : i32
    %while3A_195 = arith.constant 0 : i32
    %while3A_196 = arith.subi %select_n3A, %while3A : i32
    %while3A_197 = arith.addi %while3A, %while3A_196 : i32
    %while3A_198 = arith.constant 1 : i32
    %while3A_199 = arith.divsi %while3A_196, %while3A_198 : i32
    %while3A_200 = arith.muli %while3A_199, %while3A_198 : i32
    %while3A_201 = arith.addi %while3A, %while3A_200 : i32
    %while3A_202 = arith.constant 1 : i32
    %while3A_203 = scf.for %while3A_214 = %while3A to %while3A_201 step %while3A_202 iter_args(%while3A_215 = %while3A_195) -> (i32)  : i32 {
      %mul3A_216 = arith.constant 64 : i32
      %mul3A_217 = arith.muli %while3A_214, %mul3A_216 : i32
      %add3A_218 = arith.constant 0 : i32
      %add3A_219 = arith.addi %mul3A_217, %add3A_218 : i32
      %get3A = arith.index_cast %add3A_219 : i32 to index
      %get3A_220 = tpu.vector_load %arg13[%get3A] {strides = array<i32>} : memref<1648xi32, #tpu.memory_space<vmem>>, vector<16xi32>,
      %swap3A_221 = arith.constant 0 : i32
      %swap3A_222 = arith.index_cast %swap3A_221 : i32 to index
      %swap3A_223 = arith.constant 0 : index
      %swap3A_224 = tpu.vector_load %arg15[%swap3A_222, %swap3A_223] {strides = array<i32>} : memref<1x64xi32, #tpu.memory_space<vmem>>, vector<16xi32>,
      tpu.vector_store %arg15[%swap3A_222, %swap3A_223], %get3A_220 {strides = array<i32>} : memref<1x64xi32, #tpu.memory_space<vmem>>, vector<16xi32>,
      %mul3A_225 = arith.constant 64 : i32
      %mul3A_226 = arith.muli %while3A_214, %mul3A_225 : i32
      %add3A_227 = arith.constant 16 : i32
      %add3A_228 = arith.addi %mul3A_226, %add3A_227 : i32
      %get3A_229 = arith.index_cast %add3A_228 : i32 to index
      %get3A_230 = tpu.vector_load %arg13[%get3A_229] {strides = array<i32>} : memref<1648xi32, #tpu.memory_space<vmem>>, vector<16xi32>,
      %swap3A_231 = arith.constant 0 : i32
      %swap3A_232 = arith.index_cast %swap3A_231 : i32 to index
      %swap3A_233 = arith.constant 16 : index
      %swap3A_234 = tpu.vector_load %arg15[%swap3A_232, %swap3A_233] {strides = array<i32>} : memref<1x64xi32, #tpu.memory_space<vmem>>, vector<16xi32>,
      tpu.vector_store %arg15[%swap3A_232, %swap3A_233], %get3A_230 {strides = array<i32>} : memref<1x64xi32, #tpu.memory_space<vmem>>, vector<16xi32>,
      %mul3A_235 = arith.constant 64 : i32
      %mul3A_236 = arith.muli %while3A_214, %mul3A_235 : i32
      %add3A_237 = arith.constant 32 : i32
      %add3A_238 = arith.addi %mul3A_236, %add3A_237 : i32
      %get3A_239 = arith.index_cast %add3A_238 : i32 to index
      %get3A_240 = tpu.vector_load %arg13[%get3A_239] {strides = array<i32>} : memref<1648xi32, #tpu.memory_space<vmem>>, vector<16xi32>,
      %swap3A_241 = arith.constant 0 : i32
      %swap3A_242 = arith.index_cast %swap3A_241 : i32 to index
      %swap3A_243 = arith.constant 32 : index
      %swap3A_244 = tpu.vector_load %arg15[%swap3A_242, %swap3A_243] {strides = array<i32>} : memref<1x64xi32, #tpu.memory_space<vmem>>, vector<16xi32>,
      tpu.vector_store %arg15[%swap3A_242, %swap3A_243], %get3A_240 {strides = array<i32>} : memref<1x64xi32, #tpu.memory_space<vmem>>, vector<16xi32>,
      %mul3A_245 = arith.constant 64 : i32
      %mul3A_246 = arith.muli %while3A_214, %mul3A_245 : i32
      %add3A_247 = arith.constant 48 : i32
      %add3A_248 = arith.addi %mul3A_246, %add3A_247 : i32
      %get3A_249 = arith.index_cast %add3A_248 : i32 to index
      %get3A_250 = tpu.vector_load %arg13[%get3A_249] {strides = array<i32>} : memref<1648xi32, #tpu.memory_space<vmem>>, vector<16xi32>,
      %swap3A_251 = arith.constant 0 : i32
      %swap3A_252 = arith.index_cast %swap3A_251 : i32 to index
      %swap3A_253 = arith.constant 48 : index
      %swap3A_254 = tpu.vector_load %arg15[%swap3A_252, %swap3A_253] {strides = array<i32>} : memref<1x64xi32, #tpu.memory_space<vmem>>, vector<16xi32>,
      tpu.vector_store %arg15[%swap3A_252, %swap3A_253], %get3A_250 {strides = array<i32>} : memref<1x64xi32, #tpu.memory_space<vmem>>, vector<16xi32>,
      %mul3A_255 = arith.constant 64 : i32
      %mul3A_256 = arith.muli %while3A_214, %mul3A_255 : i32
      %add3A_257 = arith.constant 0 : i32
      %add3A_258 = arith.addi %mul3A_256, %add3A_257 : i32
      %get3A_259 = arith.index_cast %add3A_258 : i32 to index
      %get3A_260 = tpu.vector_load %arg14[%get3A_259] {strides = array<i32>} : memref<1648xi32, #tpu.memory_space<vmem>>, vector<16xi32>,
      %swap3A_261 = arith.constant 0 : i32
      %swap3A_262 = arith.index_cast %swap3A_261 : i32 to index
      %swap3A_263 = arith.constant 0 : index
      %swap3A_264 = tpu.vector_load %arg16[%swap3A_262, %swap3A_263] {strides = array<i32>} : memref<1x64xi32, #tpu.memory_space<vmem>>, vector<16xi32>,
      tpu.vector_store %arg16[%swap3A_262, %swap3A_263], %get3A_260 {strides = array<i32>} : memref<1x64xi32, #tpu.memory_space<vmem>>, vector<16xi32>,
      %mul3A_265 = arith.constant 64 : i32
      %mul3A_266 = arith.muli %while3A_214, %mul3A_265 : i32
      %add3A_267 = arith.constant 16 : i32
      %add3A_268 = arith.addi %mul3A_266, %add3A_267 : i32
      %get3A_269 = arith.index_cast %add3A_268 : i32 to index
      %get3A_270 = tpu.vector_load %arg14[%get3A_269] {strides = array<i32>} : memref<1648xi32, #tpu.memory_space<vmem>>, vector<16xi32>,
      %swap3A_271 = arith.constant 0 : i32
      %swap3A_272 = arith.index_cast %swap3A_271 : i32 to index
      %swap3A_273 = arith.constant 16 : index
      %swap3A_274 = tpu.vector_load %arg16[%swap3A_272, %swap3A_273] {strides = array<i32>} : memref<1x64xi32, #tpu.memory_space<vmem>>, vector<16xi32>,
      tpu.vector_store %arg16[%swap3A_272, %swap3A_273], %get3A_270 {strides = array<i32>} : memref<1x64xi32, #tpu.memory_space<vmem>>, vector<16xi32>,
      %mul3A_275 = arith.constant 64 : i32
      %mul3A_276 = arith.muli %while3A_214, %mul3A_275 : i32
      %add3A_277 = arith.constant 32 : i32
      %add3A_278 = arith.addi %mul3A_276, %add3A_277 : i32
      %get3A_279 = arith.index_cast %add3A_278 : i32 to index
      %get3A_280 = tpu.vector_load %arg14[%get3A_279] {strides = array<i32>} : memref<1648xi32, #tpu.memory_space<vmem>>, vector<16xi32>,
      %swap3A_281 = arith.constant 0 : i32
      %swap3A_282 = arith.index_cast %swap3A_281 : i32 to index
      %swap3A_283 = arith.constant 32 : index
      %swap3A_284 = tpu.vector_load %arg16[%swap3A_282, %swap3A_283] {strides = array<i32>} : memref<1x64xi32, #tpu.memory_space<vmem>>, vector<16xi32>,
      tpu.vector_store %arg16[%swap3A_282, %swap3A_283], %get3A_280 {strides = array<i32>} : memref<1x64xi32, #tpu.memory_space<vmem>>, vector<16xi32>,
      %mul3A_285 = arith.constant 64 : i32
      %mul3A_286 = arith.muli %while3A_214, %mul3A_285 : i32
      %add3A_287 = arith.constant 48 : i32
      %add3A_288 = arith.addi %mul3A_286, %add3A_287 : i32
      %get3A_289 = arith.index_cast %add3A_288 : i32 to index
      %get3A_290 = tpu.vector_load %arg14[%get3A_289] {strides = array<i32>} : memref<1648xi32, #tpu.memory_space<vmem>>, vector<16xi32>,
      %swap3A_291 = arith.constant 0 : i32
      %swap3A_292 = arith.index_cast %swap3A_291 : i32 to index
      %swap3A_293 = arith.constant 48 : index
      %swap3A_294 = tpu.vector_load %arg16[%swap3A_292, %swap3A_293] {strides = array<i32>} : memref<1x64xi32, #tpu.memory_space<vmem>>, vector<16xi32>,
      tpu.vector_store %arg16[%swap3A_292, %swap3A_293], %get3A_290 {strides = array<i32>} : memref<1x64xi32, #tpu.memory_space<vmem>>, vector<16xi32>,
      %run_scoped3A = arith.constant 0 : i32
      "tpu.region"() ({
        %run_scoped3A_297 = tpu.sem_alloc : memref<!tpu.dma_semaphore, #tpu.memory_space<semaphore_mem>>
        %dma_start3A = arith.constant 0 : i32
        %dma_start3A_298 = tpu.memref_slice %arg15[%run_scoped3A, %dma_start3A] : memref<1x64xi32, #tpu.memory_space<vmem>> -> memref<1x64xi32, #tpu.memory_space<vmem>>
        %dma_start3A_299 = tpu.memref_squeeze %dma_start3A_298 : memref<1x64xi32, #tpu.memory_space<vmem>> -> memref<64xi32, #tpu.memory_space<vmem>>
        %dma_start3A_300 = arith.constant 0 : i32
        %dma_start3A_301 = arith.constant 0 : i32
        %dma_start3A_302 = tpu.memref_slice %arg2[%dma_start3A_300, %dma_start3A_301] : memref<50000x8xf32, #tpu.memory_space<hbm>> -> memref<50000x8xf32, #tpu.memory_space<hbm>>
        tpu.enqueue_indirect_dma source(%dma_start3A_302 : memref<50000x8xf32, #tpu.memory_space<hbm>>) target(%arg17 : memref<64x8xf32, #tpu.memory_space<vmem>>) offsets(%dma_start3A_299 : memref<64xi32, #tpu.memory_space<vmem>>) semaphore(%run_scoped3A_297 : memref<!tpu.dma_semaphore, #tpu.memory_space<semaphore_mem>>)
        %dma_wait3A = arith.constant 0 : i32
        %dma_wait3A_303 = tpu.memref_slice %arg15[%run_scoped3A, %dma_wait3A] : memref<1x64xi32, #tpu.memory_space<vmem>> -> memref<1x64xi32, #tpu.memory_space<vmem>>
        %dma_wait3A_304 = tpu.memref_squeeze %dma_wait3A_303 : memref<1x64xi32, #tpu.memory_space<vmem>> -> memref<64xi32, #tpu.memory_space<vmem>>
        %dma_wait3A_305 = arith.constant 0 : i32
        %dma_wait3A_306 = arith.constant 0 : i32
        %dma_wait3A_307 = tpu.memref_slice %arg2[%dma_wait3A_305, %dma_wait3A_306] : memref<50000x8xf32, #tpu.memory_space<hbm>> -> memref<50000x8xf32, #tpu.memory_space<hbm>>
        tpu.wait_indirect_dma semaphore(%run_scoped3A_297 : memref<!tpu.dma_semaphore, #tpu.memory_space<semaphore_mem>>) src(%dma_wait3A_307 : memref<50000x8xf32, #tpu.memory_space<hbm>>) dst(%arg17 : memref<64x8xf32, #tpu.memory_space<vmem>>)
        tpu.yield
      }) : () -> ()
      %run_scoped3A_295 = arith.constant 0 : i32
      "tpu.region"() ({
        %run_scoped3A_297 = tpu.sem_alloc : memref<!tpu.dma_semaphore, #tpu.memory_space<semaphore_mem>>
        %dma_start3A = arith.constant 0 : i32
        %dma_start3A_298 = tpu.memref_slice %arg16[%run_scoped3A_295, %dma_start3A] : memref<1x64xi32, #tpu.memory_space<vmem>> -> memref<1x64xi32, #tpu.memory_space<vmem>>
        %dma_start3A_299 = tpu.memref_squeeze %dma_start3A_298 : memref<1x64xi32, #tpu.memory_space<vmem>> -> memref<64xi32, #tpu.memory_space<vmem>>
        %dma_start3A_300 = arith.constant 0 : i32
        %dma_start3A_301 = arith.constant 0 : i32
        %dma_start3A_302 = tpu.memref_slice %arg8[%dma_start3A_300, %dma_start3A_301] : memref<214288x8xf32, #tpu.memory_space<vmem_shared>> -> memref<214288x8xf32, #tpu.memory_space<vmem_shared>>
        tpu.enqueue_indirect_dma source(%arg17 : memref<64x8xf32, #tpu.memory_space<vmem>>) target(%dma_start3A_302 : memref<214288x8xf32, #tpu.memory_space<vmem_shared>>) offsets(%dma_start3A_299 : memref<64xi32, #tpu.memory_space<vmem>>) semaphore(%run_scoped3A_297 : memref<!tpu.dma_semaphore, #tpu.memory_space<semaphore_mem>>) {add = true}
        %dma_wait3A = arith.constant 0 : i32
        %dma_wait3A_303 = tpu.memref_slice %arg16[%run_scoped3A_295, %dma_wait3A] : memref<1x64xi32, #tpu.memory_space<vmem>> -> memref<1x64xi32, #tpu.memory_space<vmem>>
        %dma_wait3A_304 = tpu.memref_squeeze %dma_wait3A_303 : memref<1x64xi32, #tpu.memory_space<vmem>> -> memref<64xi32, #tpu.memory_space<vmem>>
        %dma_wait3A_305 = arith.constant 0 : i32
        %dma_wait3A_306 = arith.constant 0 : i32
        %dma_wait3A_307 = tpu.memref_slice %arg8[%dma_wait3A_305, %dma_wait3A_306] : memref<214288x8xf32, #tpu.memory_space<vmem_shared>> -> memref<214288x8xf32, #tpu.memory_space<vmem_shared>>
        tpu.wait_indirect_dma semaphore(%run_scoped3A_297 : memref<!tpu.dma_semaphore, #tpu.memory_space<semaphore_mem>>) src(%arg17 : memref<64x8xf32, #tpu.memory_space<vmem>>) dst(%dma_wait3A_307 : memref<214288x8xf32, #tpu.memory_space<vmem_shared>>)
        tpu.yield
      }) : () -> ()
      %while3A_296 = arith.constant 0 : i32
      scf.yield %while3A_296 : i32
    }
    %while3A_204 = arith.constant 1 : i32
    %while3A_205 = scf.for %while3A_214 = %while3A_201 to %while3A_197 step %while3A_204 iter_args(%while3A_215 = %while3A_203) -> (i32)  : i32 {
      %mul3A_216 = arith.constant 64 : i32
      %mul3A_217 = arith.muli %while3A_214, %mul3A_216 : i32
      %add3A_218 = arith.constant 0 : i32
      %add3A_219 = arith.addi %mul3A_217, %add3A_218 : i32
      %get3A = arith.index_cast %add3A_219 : i32 to index
      %get3A_220 = tpu.vector_load %arg13[%get3A] {strides = array<i32>} : memref<1648xi32, #tpu.memory_space<vmem>>, vector<16xi32>,
      %swap3A_221 = arith.constant 0 : i32
      %swap3A_222 = arith.index_cast %swap3A_221 : i32 to index
      %swap3A_223 = arith.constant 0 : index
      %swap3A_224 = tpu.vector_load %arg15[%swap3A_222, %swap3A_223] {strides = array<i32>} : memref<1x64xi32, #tpu.memory_space<vmem>>, vector<16xi32>,
      tpu.vector_store %arg15[%swap3A_222, %swap3A_223], %get3A_220 {strides = array<i32>} : memref<1x64xi32, #tpu.memory_space<vmem>>, vector<16xi32>,
      %mul3A_225 = arith.constant 64 : i32
      %mul3A_226 = arith.muli %while3A_214, %mul3A_225 : i32
      %add3A_227 = arith.constant 16 : i32
      %add3A_228 = arith.addi %mul3A_226, %add3A_227 : i32
      %get3A_229 = arith.index_cast %add3A_228 : i32 to index
      %get3A_230 = tpu.vector_load %arg13[%get3A_229] {strides = array<i32>} : memref<1648xi32, #tpu.memory_space<vmem>>, vector<16xi32>,
      %swap3A_231 = arith.constant 0 : i32
      %swap3A_232 = arith.index_cast %swap3A_231 : i32 to index
      %swap3A_233 = arith.constant 16 : index
      %swap3A_234 = tpu.vector_load %arg15[%swap3A_232, %swap3A_233] {strides = array<i32>} : memref<1x64xi32, #tpu.memory_space<vmem>>, vector<16xi32>,
      tpu.vector_store %arg15[%swap3A_232, %swap3A_233], %get3A_230 {strides = array<i32>} : memref<1x64xi32, #tpu.memory_space<vmem>>, vector<16xi32>,
      %mul3A_235 = arith.constant 64 : i32
      %mul3A_236 = arith.muli %while3A_214, %mul3A_235 : i32
      %add3A_237 = arith.constant 32 : i32
      %add3A_238 = arith.addi %mul3A_236, %add3A_237 : i32
      %get3A_239 = arith.index_cast %add3A_238 : i32 to index
      %get3A_240 = tpu.vector_load %arg13[%get3A_239] {strides = array<i32>} : memref<1648xi32, #tpu.memory_space<vmem>>, vector<16xi32>,
      %swap3A_241 = arith.constant 0 : i32
      %swap3A_242 = arith.index_cast %swap3A_241 : i32 to index
      %swap3A_243 = arith.constant 32 : index
      %swap3A_244 = tpu.vector_load %arg15[%swap3A_242, %swap3A_243] {strides = array<i32>} : memref<1x64xi32, #tpu.memory_space<vmem>>, vector<16xi32>,
      tpu.vector_store %arg15[%swap3A_242, %swap3A_243], %get3A_240 {strides = array<i32>} : memref<1x64xi32, #tpu.memory_space<vmem>>, vector<16xi32>,
      %mul3A_245 = arith.constant 64 : i32
      %mul3A_246 = arith.muli %while3A_214, %mul3A_245 : i32
      %add3A_247 = arith.constant 48 : i32
      %add3A_248 = arith.addi %mul3A_246, %add3A_247 : i32
      %get3A_249 = arith.index_cast %add3A_248 : i32 to index
      %get3A_250 = tpu.vector_load %arg13[%get3A_249] {strides = array<i32>} : memref<1648xi32, #tpu.memory_space<vmem>>, vector<16xi32>,
      %swap3A_251 = arith.constant 0 : i32
      %swap3A_252 = arith.index_cast %swap3A_251 : i32 to index
      %swap3A_253 = arith.constant 48 : index
      %swap3A_254 = tpu.vector_load %arg15[%swap3A_252, %swap3A_253] {strides = array<i32>} : memref<1x64xi32, #tpu.memory_space<vmem>>, vector<16xi32>,
      tpu.vector_store %arg15[%swap3A_252, %swap3A_253], %get3A_250 {strides = array<i32>} : memref<1x64xi32, #tpu.memory_space<vmem>>, vector<16xi32>,
      %mul3A_255 = arith.constant 64 : i32
      %mul3A_256 = arith.muli %while3A_214, %mul3A_255 : i32
      %add3A_257 = arith.constant 0 : i32
      %add3A_258 = arith.addi %mul3A_256, %add3A_257 : i32
      %get3A_259 = arith.index_cast %add3A_258 : i32 to index
      %get3A_260 = tpu.vector_load %arg14[%get3A_259] {strides = array<i32>} : memref<1648xi32, #tpu.memory_space<vmem>>, vector<16xi32>,
      %swap3A_261 = arith.constant 0 : i32
      %swap3A_262 = arith.index_cast %swap3A_261 : i32 to index
      %swap3A_263 = arith.constant 0 : index
      %swap3A_264 = tpu.vector_load %arg16[%swap3A_262, %swap3A_263] {strides = array<i32>} : memref<1x64xi32, #tpu.memory_space<vmem>>, vector<16xi32>,
      tpu.vector_store %arg16[%swap3A_262, %swap3A_263], %get3A_260 {strides = array<i32>} : memref<1x64xi32, #tpu.memory_space<vmem>>, vector<16xi32>,
      %mul3A_265 = arith.constant 64 : i32
      %mul3A_266 = arith.muli %while3A_214, %mul3A_265 : i32
      %add3A_267 = arith.constant 16 : i32
      %add3A_268 = arith.addi %mul3A_266, %add3A_267 : i32
      %get3A_269 = arith.index_cast %add3A_268 : i32 to index
      %get3A_270 = tpu.vector_load %arg14[%get3A_269] {strides = array<i32>} : memref<1648xi32, #tpu.memory_space<vmem>>, vector<16xi32>,
      %swap3A_271 = arith.constant 0 : i32
      %swap3A_272 = arith.index_cast %swap3A_271 : i32 to index
      %swap3A_273 = arith.constant 16 : index
      %swap3A_274 = tpu.vector_load %arg16[%swap3A_272, %swap3A_273] {strides = array<i32>} : memref<1x64xi32, #tpu.memory_space<vmem>>, vector<16xi32>,
      tpu.vector_store %arg16[%swap3A_272, %swap3A_273], %get3A_270 {strides = array<i32>} : memref<1x64xi32, #tpu.memory_space<vmem>>, vector<16xi32>,
      %mul3A_275 = arith.constant 64 : i32
      %mul3A_276 = arith.muli %while3A_214, %mul3A_275 : i32
      %add3A_277 = arith.constant 32 : i32
      %add3A_278 = arith.addi %mul3A_276, %add3A_277 : i32
      %get3A_279 = arith.index_cast %add3A_278 : i32 to index
      %get3A_280 = tpu.vector_load %arg14[%get3A_279] {strides = array<i32>} : memref<1648xi32, #tpu.memory_space<vmem>>, vector<16xi32>,
      %swap3A_281 = arith.constant 0 : i32
      %swap3A_282 = arith.index_cast %swap3A_281 : i32 to index
      %swap3A_283 = arith.constant 32 : index
      %swap3A_284 = tpu.vector_load %arg16[%swap3A_282, %swap3A_283] {strides = array<i32>} : memref<1x64xi32, #tpu.memory_space<vmem>>, vector<16xi32>,
      tpu.vector_store %arg16[%swap3A_282, %swap3A_283], %get3A_280 {strides = array<i32>} : memref<1x64xi32, #tpu.memory_space<vmem>>, vector<16xi32>,
      %mul3A_285 = arith.constant 64 : i32
      %mul3A_286 = arith.muli %while3A_214, %mul3A_285 : i32
      %add3A_287 = arith.constant 48 : i32
      %add3A_288 = arith.addi %mul3A_286, %add3A_287 : i32
      %get3A_289 = arith.index_cast %add3A_288 : i32 to index
      %get3A_290 = tpu.vector_load %arg14[%get3A_289] {strides = array<i32>} : memref<1648xi32, #tpu.memory_space<vmem>>, vector<16xi32>,
      %swap3A_291 = arith.constant 0 : i32
      %swap3A_292 = arith.index_cast %swap3A_291 : i32 to index
      %swap3A_293 = arith.constant 48 : index
      %swap3A_294 = tpu.vector_load %arg16[%swap3A_292, %swap3A_293] {strides = array<i32>} : memref<1x64xi32, #tpu.memory_space<vmem>>, vector<16xi32>,
      tpu.vector_store %arg16[%swap3A_292, %swap3A_293], %get3A_290 {strides = array<i32>} : memref<1x64xi32, #tpu.memory_space<vmem>>, vector<16xi32>,
      %run_scoped3A = arith.constant 0 : i32
      "tpu.region"() ({
        %run_scoped3A_297 = tpu.sem_alloc : memref<!tpu.dma_semaphore, #tpu.memory_space<semaphore_mem>>
        %dma_start3A = arith.constant 0 : i32
        %dma_start3A_298 = tpu.memref_slice %arg15[%run_scoped3A, %dma_start3A] : memref<1x64xi32, #tpu.memory_space<vmem>> -> memref<1x64xi32, #tpu.memory_space<vmem>>
        %dma_start3A_299 = tpu.memref_squeeze %dma_start3A_298 : memref<1x64xi32, #tpu.memory_space<vmem>> -> memref<64xi32, #tpu.memory_space<vmem>>
        %dma_start3A_300 = arith.constant 0 : i32
        %dma_start3A_301 = arith.constant 0 : i32
        %dma_start3A_302 = tpu.memref_slice %arg2[%dma_start3A_300, %dma_start3A_301] : memref<50000x8xf32, #tpu.memory_space<hbm>> -> memref<50000x8xf32, #tpu.memory_space<hbm>>
        tpu.enqueue_indirect_dma source(%dma_start3A_302 : memref<50000x8xf32, #tpu.memory_space<hbm>>) target(%arg17 : memref<64x8xf32, #tpu.memory_space<vmem>>) offsets(%dma_start3A_299 : memref<64xi32, #tpu.memory_space<vmem>>) semaphore(%run_scoped3A_297 : memref<!tpu.dma_semaphore, #tpu.memory_space<semaphore_mem>>)
        %dma_wait3A = arith.constant 0 : i32
        %dma_wait3A_303 = tpu.memref_slice %arg15[%run_scoped3A, %dma_wait3A] : memref<1x64xi32, #tpu.memory_space<vmem>> -> memref<1x64xi32, #tpu.memory_space<vmem>>
        %dma_wait3A_304 = tpu.memref_squeeze %dma_wait3A_303 : memref<1x64xi32, #tpu.memory_space<vmem>> -> memref<64xi32, #tpu.memory_space<vmem>>
        %dma_wait3A_305 = arith.constant 0 : i32
        %dma_wait3A_306 = arith.constant 0 : i32
        %dma_wait3A_307 = tpu.memref_slice %arg2[%dma_wait3A_305, %dma_wait3A_306] : memref<50000x8xf32, #tpu.memory_space<hbm>> -> memref<50000x8xf32, #tpu.memory_space<hbm>>
        tpu.wait_indirect_dma semaphore(%run_scoped3A_297 : memref<!tpu.dma_semaphore, #tpu.memory_space<semaphore_mem>>) src(%dma_wait3A_307 : memref<50000x8xf32, #tpu.memory_space<hbm>>) dst(%arg17 : memref<64x8xf32, #tpu.memory_space<vmem>>)
        tpu.yield
      }) : () -> ()
      %run_scoped3A_295 = arith.constant 0 : i32
      "tpu.region"() ({
        %run_scoped3A_297 = tpu.sem_alloc : memref<!tpu.dma_semaphore, #tpu.memory_space<semaphore_mem>>
        %dma_start3A = arith.constant 0 : i32
        %dma_start3A_298 = tpu.memref_slice %arg16[%run_scoped3A_295, %dma_start3A] : memref<1x64xi32, #tpu.memory_space<vmem>> -> memref<1x64xi32, #tpu.memory_space<vmem>>
        %dma_start3A_299 = tpu.memref_squeeze %dma_start3A_298 : memref<1x64xi32, #tpu.memory_space<vmem>> -> memref<64xi32, #tpu.memory_space<vmem>>
        %dma_start3A_300 = arith.constant 0 : i32
        %dma_start3A_301 = arith.constant 0 : i32
        %dma_start3A_302 = tpu.memref_slice %arg8[%dma_start3A_300, %dma_start3A_301] : memref<214288x8xf32, #tpu.memory_space<vmem_shared>> -> memref<214288x8xf32, #tpu.memory_space<vmem_shared>>
        tpu.enqueue_indirect_dma source(%arg17 : memref<64x8xf32, #tpu.memory_space<vmem>>) target(%dma_start3A_302 : memref<214288x8xf32, #tpu.memory_space<vmem_shared>>) offsets(%dma_start3A_299 : memref<64xi32, #tpu.memory_space<vmem>>) semaphore(%run_scoped3A_297 : memref<!tpu.dma_semaphore, #tpu.memory_space<semaphore_mem>>) {add = true}
        %dma_wait3A = arith.constant 0 : i32
        %dma_wait3A_303 = tpu.memref_slice %arg16[%run_scoped3A_295, %dma_wait3A] : memref<1x64xi32, #tpu.memory_space<vmem>> -> memref<1x64xi32, #tpu.memory_space<vmem>>
        %dma_wait3A_304 = tpu.memref_squeeze %dma_wait3A_303 : memref<1x64xi32, #tpu.memory_space<vmem>> -> memref<64xi32, #tpu.memory_space<vmem>>
        %dma_wait3A_305 = arith.constant 0 : i32
        %dma_wait3A_306 = arith.constant 0 : i32
        %dma_wait3A_307 = tpu.memref_slice %arg8[%dma_wait3A_305, %dma_wait3A_306] : memref<214288x8xf32, #tpu.memory_space<vmem_shared>> -> memref<214288x8xf32, #tpu.memory_space<vmem_shared>>
        tpu.wait_indirect_dma semaphore(%run_scoped3A_297 : memref<!tpu.dma_semaphore, #tpu.memory_space<semaphore_mem>>) src(%arg17 : memref<64x8xf32, #tpu.memory_space<vmem>>) dst(%dma_wait3A_307 : memref<214288x8xf32, #tpu.memory_space<vmem_shared>>)
        tpu.yield
      }) : () -> ()
      %while3A_296 = arith.constant 0 : i32
      scf.yield %while3A_296 : i32
    }
    %barrier3A_206 = arith.constant 0 : index
    tpu.barrier barrier_id(%barrier3A_206)
    %mul3A_207 = arith.constant 13393 : i32
    %mul3A_208 = arith.muli %arg1, %mul3A_207 : i32
    %mul3A_209 = arith.constant 214288 : i32
    %mul3A_210 = arith.muli %arg0, %mul3A_209 : i32
    %mul3A_211 = arith.constant 13393 : i32
    %mul3A_212 = arith.muli %arg1, %mul3A_211 : i32
    %add3A_213 = arith.addi %mul3A_210, %mul3A_212 : i32
    "tpu.region"() ({
      %run_scoped3A = tpu.sem_alloc : memref<!tpu.dma_semaphore, #tpu.memory_space<semaphore_mem>>
      %dma_start3A = arith.constant 0 : i32
      %dma_start3A_214 = tpu.memref_slice %arg7[%add3A_213, %dma_start3A] : memref<428576x8xf32, #tpu.memory_space<hbm>> -> memref<13393x8xf32, #tpu.memory_space<hbm>>
      %dma_start3A_215 = arith.constant 0 : i32
      %dma_start3A_216 = tpu.memref_slice %arg8[%mul3A_208, %dma_start3A_215] : memref<214288x8xf32, #tpu.memory_space<vmem_shared>> -> memref<13393x8xf32, #tpu.memory_space<vmem_shared>>
      tpu.enqueue_dma source(%dma_start3A_216 : memref<13393x8xf32, #tpu.memory_space<vmem_shared>>) target(%dma_start3A_214 : memref<13393x8xf32, #tpu.memory_space<hbm>>) target_semaphore(%run_scoped3A : memref<!tpu.dma_semaphore, #tpu.memory_space<semaphore_mem>>)
      %dma_wait3A = arith.constant 0 : i32
      %dma_wait3A_217 = tpu.memref_slice %arg7[%add3A_213, %dma_wait3A] : memref<428576x8xf32, #tpu.memory_space<hbm>> -> memref<13393x8xf32, #tpu.memory_space<hbm>>
      %dma_wait3A_218 = arith.constant 0 : i32
      %dma_wait3A_219 = tpu.memref_slice %arg8[%mul3A_208, %dma_wait3A_218] : memref<214288x8xf32, #tpu.memory_space<vmem_shared>> -> memref<13393x8xf32, #tpu.memory_space<vmem_shared>>
      tpu.wait_dma2 semaphore(%run_scoped3A : memref<!tpu.dma_semaphore, #tpu.memory_space<semaphore_mem>>) src(%dma_wait3A_219 : memref<13393x8xf32, #tpu.memory_space<vmem_shared>>) dst(%dma_wait3A_217 : memref<13393x8xf32, #tpu.memory_space<hbm>>)
      tpu.yield
    }) : () -> ()
    return
  }
}

#map = affine_map<(d0, d1) -> (0, 0)>
#map1 = affine_map<(d0, d1) -> (0)>
module attributes {stable_mosaic.version = 14 : i64} {
  func.func @_pseudo_body(%arg0: i32, %arg1: i32, %arg2: memref<50000x64xf32, #tpu.memory_space<hbm>>, %arg3: memref<50176xi32, #tpu.memory_space<hbm>>, %arg4: memref<50176xi32, #tpu.memory_space<hbm>>, %arg5: memref<50176xi32, #tpu.memory_space<hbm>>, %arg6: memref<428544x64xf32, #tpu.memory_space<hbm>>, %arg7: memref<26800x64xf32, #tpu.memory_space<vmem_shared>>, %arg8: memref<1568xi32, #tpu.memory_space<vmem>>, %arg9: memref<1568xi32, #tpu.memory_space<vmem>>, %arg10: memref<1568xi32, #tpu.memory_space<vmem>>, %arg11: memref<1568xi32, #tpu.memory_space<vmem>>, %arg12: memref<1648xi32, #tpu.memory_space<vmem>>, %arg13: memref<1648xi32, #tpu.memory_space<vmem>>, %arg14: memref<1x64xi32, #tpu.memory_space<vmem>>, %arg15: memref<1x64xi32, #tpu.memory_space<vmem>>, %arg16: memref<64x64xf32, #tpu.memory_space<vmem>>, %arg17: memref<64x64xf32, #tpu.memory_space<vmem>>) attributes {dimension_semantics = [#tpu.dimension_semantics<core_parallel>, #tpu.dimension_semantics<subcore_parallel>], iteration_bounds = array<i64: 2, 16>, scalar_prefetch = 0 : i64, scratch_operands = 11 : i64, tpu.core_type = #tpu.core_type<sc_vector_subcore>, window_params = [{transform_indices = #map}, {transform_indices = #map1}, {transform_indices = #map1}, {transform_indices = #map1}, {transform_indices = #map}]} {
    %iota3A = tpu.iota {dimensions = array<i32: 0>} : vector<16xi32>
    %mul3A = arith.constant 25088 : i32
    %mul3A_0 = arith.muli %arg0, %mul3A : i32
    %mul3A_1 = arith.constant 1568 : i32
    %mul3A_2 = arith.muli %arg1, %mul3A_1 : i32
    %add3A = arith.addi %mul3A_0, %mul3A_2 : i32
    "tpu.region"() ({
      %run_scoped3A = tpu.sem_alloc : memref<!tpu.dma_semaphore, #tpu.memory_space<semaphore_mem>>
      %dma_start3A = tpu.memref_slice %arg3[%add3A] : memref<50176xi32, #tpu.memory_space<hbm>> -> memref<1568xi32, #tpu.memory_space<hbm>>
      %dma_start3A_132 = tpu.memref_slice %arg3[%add3A] : memref<50176xi32, #tpu.memory_space<hbm>> -> memref<1568xi32, #tpu.memory_space<hbm>>
      tpu.enqueue_dma source(%dma_start3A_132 : memref<1568xi32, #tpu.memory_space<hbm>>) target(%arg8 : memref<1568xi32, #tpu.memory_space<vmem>>) target_semaphore(%run_scoped3A : memref<!tpu.dma_semaphore, #tpu.memory_space<semaphore_mem>>)
      %dma_wait3A = tpu.memref_slice %arg3[%add3A] : memref<50176xi32, #tpu.memory_space<hbm>> -> memref<1568xi32, #tpu.memory_space<hbm>>
      %dma_wait3A_133 = tpu.memref_slice %arg3[%add3A] : memref<50176xi32, #tpu.memory_space<hbm>> -> memref<1568xi32, #tpu.memory_space<hbm>>
      tpu.wait_dma2 semaphore(%run_scoped3A : memref<!tpu.dma_semaphore, #tpu.memory_space<semaphore_mem>>) src(%dma_wait3A_133 : memref<1568xi32, #tpu.memory_space<hbm>>) dst(%arg8 : memref<1568xi32, #tpu.memory_space<vmem>>)
      tpu.yield
    }) : () -> ()
    "tpu.region"() ({
      %run_scoped3A = tpu.sem_alloc : memref<!tpu.dma_semaphore, #tpu.memory_space<semaphore_mem>>
      %dma_start3A = tpu.memref_slice %arg4[%add3A] : memref<50176xi32, #tpu.memory_space<hbm>> -> memref<1568xi32, #tpu.memory_space<hbm>>
      %dma_start3A_132 = tpu.memref_slice %arg4[%add3A] : memref<50176xi32, #tpu.memory_space<hbm>> -> memref<1568xi32, #tpu.memory_space<hbm>>
      tpu.enqueue_dma source(%dma_start3A_132 : memref<1568xi32, #tpu.memory_space<hbm>>) target(%arg9 : memref<1568xi32, #tpu.memory_space<vmem>>) target_semaphore(%run_scoped3A : memref<!tpu.dma_semaphore, #tpu.memory_space<semaphore_mem>>)
      %dma_wait3A = tpu.memref_slice %arg4[%add3A] : memref<50176xi32, #tpu.memory_space<hbm>> -> memref<1568xi32, #tpu.memory_space<hbm>>
      %dma_wait3A_133 = tpu.memref_slice %arg4[%add3A] : memref<50176xi32, #tpu.memory_space<hbm>> -> memref<1568xi32, #tpu.memory_space<hbm>>
      tpu.wait_dma2 semaphore(%run_scoped3A : memref<!tpu.dma_semaphore, #tpu.memory_space<semaphore_mem>>) src(%dma_wait3A_133 : memref<1568xi32, #tpu.memory_space<hbm>>) dst(%arg9 : memref<1568xi32, #tpu.memory_space<vmem>>)
      tpu.yield
    }) : () -> ()
    "tpu.region"() ({
      %run_scoped3A = tpu.sem_alloc : memref<!tpu.dma_semaphore, #tpu.memory_space<semaphore_mem>>
      %dma_start3A = tpu.memref_slice %arg5[%add3A] : memref<50176xi32, #tpu.memory_space<hbm>> -> memref<1568xi32, #tpu.memory_space<hbm>>
      %dma_start3A_132 = tpu.memref_slice %arg5[%add3A] : memref<50176xi32, #tpu.memory_space<hbm>> -> memref<1568xi32, #tpu.memory_space<hbm>>
      tpu.enqueue_dma source(%dma_start3A_132 : memref<1568xi32, #tpu.memory_space<hbm>>) target(%arg10 : memref<1568xi32, #tpu.memory_space<vmem>>) target_semaphore(%run_scoped3A : memref<!tpu.dma_semaphore, #tpu.memory_space<semaphore_mem>>)
      %dma_wait3A = tpu.memref_slice %arg5[%add3A] : memref<50176xi32, #tpu.memory_space<hbm>> -> memref<1568xi32, #tpu.memory_space<hbm>>
      %dma_wait3A_133 = tpu.memref_slice %arg5[%add3A] : memref<50176xi32, #tpu.memory_space<hbm>> -> memref<1568xi32, #tpu.memory_space<hbm>>
      tpu.wait_dma2 semaphore(%run_scoped3A : memref<!tpu.dma_semaphore, #tpu.memory_space<semaphore_mem>>) src(%dma_wait3A_133 : memref<1568xi32, #tpu.memory_space<hbm>>) dst(%arg10 : memref<1568xi32, #tpu.memory_space<vmem>>)
      tpu.yield
    }) : () -> ()
    %scan3A = arith.constant 2147483647 : i32
    %scan3A_3 = arith.constant 0 : i32
    %scan3A_4 = arith.constant 0 : i32
    %scan3A_5 = arith.constant 98 : i32
    %scan3A_6 = arith.addi %scan3A_4, %scan3A_5 : i32
    %scan3A_7 = arith.constant 1 : i32
    %scan3A_8 = scf.for %scan3A_132 = %scan3A_4 to %scan3A_6 step %scan3A_7 iter_args(%scan3A_133 = %scan3A_3) -> (i32)  : i32 {
      %mul3A_134 = arith.constant 16 : i32
      %mul3A_135 = arith.muli %mul3A_134, %scan3A_132 : i32
      %get3A = arith.index_cast %mul3A_135 : i32 to index
      %get3A_136 = tpu.vector_load %arg8[%get3A] {strides = array<i32>} : memref<1568xi32, #tpu.memory_space<vmem>>, vector<16xi32>,
      %mul3A_137 = arith.constant 432 : i32
      %mul3A_138 = vector.broadcast %mul3A_137 : i32 to vector<16xi32>
      %mul3A_139 = arith.muli %get3A_136, %mul3A_138 : vector<16xi32>
      %mul3A_140 = arith.constant 16 : i32
      %mul3A_141 = arith.muli %mul3A_140, %scan3A_132 : i32
      %get3A_142 = arith.index_cast %mul3A_141 : i32 to index
      %get3A_143 = tpu.vector_load %arg9[%get3A_142] {strides = array<i32>} : memref<1568xi32, #tpu.memory_space<vmem>>, vector<16xi32>,
      %add3A_144 = arith.addi %mul3A_139, %get3A_143 : vector<16xi32>
      %mul3A_145 = arith.constant 16 : i32
      %mul3A_146 = arith.muli %mul3A_145, %scan3A_132 : i32
      %get3A_147 = arith.index_cast %mul3A_146 : i32 to index
      %get3A_148 = tpu.vector_load %arg10[%get3A_147] {strides = array<i32>} : memref<1568xi32, #tpu.memory_space<vmem>>, vector<16xi32>,
      %eq3A = arith.constant 1 : i32
      %eq3A_149 = vector.broadcast %eq3A : i32 to vector<16xi32>
      %eq3A_150 = arith.cmpi eq, %get3A_148, %eq3A_149 : vector<16xi32>
      %broadcast_in_dim3A = vector.broadcast %scan3A : i32 to vector<16xi32>
      %select_n3A = arith.select %eq3A_150, %add3A_144, %broadcast_in_dim3A : vector<16xi1>, vector<16xi32>
      %mul3A_151 = arith.constant 16 : i32
      %mul3A_152 = arith.muli %mul3A_151, %scan3A_132 : i32
      %swap3A = arith.index_cast %mul3A_152 : i32 to index
      %swap3A_153 = tpu.vector_load %arg11[%swap3A] {strides = array<i32>} : memref<1568xi32, #tpu.memory_space<vmem>>, vector<16xi32>,
      tpu.vector_store %arg11[%swap3A], %select_n3A {strides = array<i32>} : memref<1568xi32, #tpu.memory_space<vmem>>, vector<16xi32>,
      %scan3A_154 = arith.constant 0 : i32
      scf.yield %scan3A_154 : i32
    }
    %scan3A_9 = arith.constant 98 : i32
    %scan3A_10 = arith.constant 0 : i32
    %scan3A_11 = arith.constant 0 : i32
    %scan3A_12 = arith.constant 64 : i32
    %scan3A_13 = arith.addi %scan3A_11, %scan3A_12 : i32
    %scan3A_14 = arith.constant 1 : i32
    %scan3A_15 = scf.for %scan3A_132 = %scan3A_11 to %scan3A_13 step %scan3A_14 iter_args(%scan3A_133 = %scan3A_10) -> (i32)  : i32 {
      %broadcast_in_dim3A = arith.constant 0.000000e+00 : f32
      %broadcast_in_dim3A_134 = vector.broadcast %broadcast_in_dim3A : f32 to vector<16xf32>
      %swap3A = arith.index_cast %scan3A_132 : i32 to index
      %swap3A_135 = arith.constant 0 : index
      %swap3A_136 = tpu.vector_load %arg16[%swap3A, %swap3A_135] {strides = array<i32>} : memref<64x64xf32, #tpu.memory_space<vmem>>, vector<16xf32>,
      tpu.vector_store %arg16[%swap3A, %swap3A_135], %broadcast_in_dim3A_134 {strides = array<i32>} : memref<64x64xf32, #tpu.memory_space<vmem>>, vector<16xf32>,
      %broadcast_in_dim3A_137 = arith.constant 0.000000e+00 : f32
      %broadcast_in_dim3A_138 = vector.broadcast %broadcast_in_dim3A_137 : f32 to vector<16xf32>
      %swap3A_139 = arith.index_cast %scan3A_132 : i32 to index
      %swap3A_140 = arith.constant 16 : index
      %swap3A_141 = tpu.vector_load %arg16[%swap3A_139, %swap3A_140] {strides = array<i32>} : memref<64x64xf32, #tpu.memory_space<vmem>>, vector<16xf32>,
      tpu.vector_store %arg16[%swap3A_139, %swap3A_140], %broadcast_in_dim3A_138 {strides = array<i32>} : memref<64x64xf32, #tpu.memory_space<vmem>>, vector<16xf32>,
      %broadcast_in_dim3A_142 = arith.constant 0.000000e+00 : f32
      %broadcast_in_dim3A_143 = vector.broadcast %broadcast_in_dim3A_142 : f32 to vector<16xf32>
      %swap3A_144 = arith.index_cast %scan3A_132 : i32 to index
      %swap3A_145 = arith.constant 32 : index
      %swap3A_146 = tpu.vector_load %arg16[%swap3A_144, %swap3A_145] {strides = array<i32>} : memref<64x64xf32, #tpu.memory_space<vmem>>, vector<16xf32>,
      tpu.vector_store %arg16[%swap3A_144, %swap3A_145], %broadcast_in_dim3A_143 {strides = array<i32>} : memref<64x64xf32, #tpu.memory_space<vmem>>, vector<16xf32>,
      %broadcast_in_dim3A_147 = arith.constant 0.000000e+00 : f32
      %broadcast_in_dim3A_148 = vector.broadcast %broadcast_in_dim3A_147 : f32 to vector<16xf32>
      %swap3A_149 = arith.index_cast %scan3A_132 : i32 to index
      %swap3A_150 = arith.constant 48 : index
      %swap3A_151 = tpu.vector_load %arg16[%swap3A_149, %swap3A_150] {strides = array<i32>} : memref<64x64xf32, #tpu.memory_space<vmem>>, vector<16xf32>,
      tpu.vector_store %arg16[%swap3A_149, %swap3A_150], %broadcast_in_dim3A_148 {strides = array<i32>} : memref<64x64xf32, #tpu.memory_space<vmem>>, vector<16xf32>,
      %scan3A_152 = arith.constant 0 : i32
      scf.yield %scan3A_152 : i32
    }
    %scan3A_16 = arith.constant 64 : i32
    %mul3A_17 = arith.constant 1675 : i32
    %mul3A_18 = arith.muli %arg1, %mul3A_17 : i32
    %add3A_19 = arith.constant 0 : i32
    %add3A_20 = arith.addi %mul3A_18, %add3A_19 : i32
    "tpu.region"() ({
      %run_scoped3A = tpu.sem_alloc : memref<!tpu.dma_semaphore, #tpu.memory_space<semaphore_mem>>
      %dma_start3A = arith.constant 0 : i32
      %dma_start3A_132 = tpu.memref_slice %arg7[%add3A_20, %dma_start3A] : memref<26800x64xf32, #tpu.memory_space<vmem_shared>> -> memref<64x64xf32, #tpu.memory_space<vmem_shared>>
      %dma_start3A_133 = arith.constant 0 : i32
      %dma_start3A_134 = tpu.memref_slice %arg7[%add3A_20, %dma_start3A_133] : memref<26800x64xf32, #tpu.memory_space<vmem_shared>> -> memref<64x64xf32, #tpu.memory_space<vmem_shared>>
      tpu.enqueue_dma source(%arg16 : memref<64x64xf32, #tpu.memory_space<vmem>>) target(%dma_start3A_134 : memref<64x64xf32, #tpu.memory_space<vmem_shared>>) target_semaphore(%run_scoped3A : memref<!tpu.dma_semaphore, #tpu.memory_space<semaphore_mem>>)
      %dma_wait3A = arith.constant 0 : i32
      %dma_wait3A_135 = tpu.memref_slice %arg7[%add3A_20, %dma_wait3A] : memref<26800x64xf32, #tpu.memory_space<vmem_shared>> -> memref<64x64xf32, #tpu.memory_space<vmem_shared>>
      %dma_wait3A_136 = arith.constant 0 : i32
      %dma_wait3A_137 = tpu.memref_slice %arg7[%add3A_20, %dma_wait3A_136] : memref<26800x64xf32, #tpu.memory_space<vmem_shared>> -> memref<64x64xf32, #tpu.memory_space<vmem_shared>>
      tpu.wait_dma2 semaphore(%run_scoped3A : memref<!tpu.dma_semaphore, #tpu.memory_space<semaphore_mem>>) src(%arg16 : memref<64x64xf32, #tpu.memory_space<vmem>>) dst(%dma_wait3A_137 : memref<64x64xf32, #tpu.memory_space<vmem_shared>>)
      tpu.yield
    }) : () -> ()
    %mul3A_21 = arith.constant 1675 : i32
    %mul3A_22 = arith.muli %arg1, %mul3A_21 : i32
    %add3A_23 = arith.constant 64 : i32
    %add3A_24 = arith.addi %mul3A_22, %add3A_23 : i32
    "tpu.region"() ({
      %run_scoped3A = tpu.sem_alloc : memref<!tpu.dma_semaphore, #tpu.memory_space<semaphore_mem>>
      %dma_start3A = arith.constant 0 : i32
      %dma_start3A_132 = tpu.memref_slice %arg7[%add3A_24, %dma_start3A] : memref<26800x64xf32, #tpu.memory_space<vmem_shared>> -> memref<64x64xf32, #tpu.memory_space<vmem_shared>>
      %dma_start3A_133 = arith.constant 0 : i32
      %dma_start3A_134 = tpu.memref_slice %arg7[%add3A_24, %dma_start3A_133] : memref<26800x64xf32, #tpu.memory_space<vmem_shared>> -> memref<64x64xf32, #tpu.memory_space<vmem_shared>>
      tpu.enqueue_dma source(%arg16 : memref<64x64xf32, #tpu.memory_space<vmem>>) target(%dma_start3A_134 : memref<64x64xf32, #tpu.memory_space<vmem_shared>>) target_semaphore(%run_scoped3A : memref<!tpu.dma_semaphore, #tpu.memory_space<semaphore_mem>>)
      %dma_wait3A = arith.constant 0 : i32
      %dma_wait3A_135 = tpu.memref_slice %arg7[%add3A_24, %dma_wait3A] : memref<26800x64xf32, #tpu.memory_space<vmem_shared>> -> memref<64x64xf32, #tpu.memory_space<vmem_shared>>
      %dma_wait3A_136 = arith.constant 0 : i32
      %dma_wait3A_137 = tpu.memref_slice %arg7[%add3A_24, %dma_wait3A_136] : memref<26800x64xf32, #tpu.memory_space<vmem_shared>> -> memref<64x64xf32, #tpu.memory_space<vmem_shared>>
      tpu.wait_dma2 semaphore(%run_scoped3A : memref<!tpu.dma_semaphore, #tpu.memory_space<semaphore_mem>>) src(%arg16 : memref<64x64xf32, #tpu.memory_space<vmem>>) dst(%dma_wait3A_137 : memref<64x64xf32, #tpu.memory_space<vmem_shared>>)
      tpu.yield
    }) : () -> ()
    %mul3A_25 = arith.constant 1675 : i32
    %mul3A_26 = arith.muli %arg1, %mul3A_25 : i32
    %add3A_27 = arith.constant 128 : i32
    %add3A_28 = arith.addi %mul3A_26, %add3A_27 : i32
    "tpu.region"() ({
      %run_scoped3A = tpu.sem_alloc : memref<!tpu.dma_semaphore, #tpu.memory_space<semaphore_mem>>
      %dma_start3A = arith.constant 0 : i32
      %dma_start3A_132 = tpu.memref_slice %arg7[%add3A_28, %dma_start3A] : memref<26800x64xf32, #tpu.memory_space<vmem_shared>> -> memref<64x64xf32, #tpu.memory_space<vmem_shared>>
      %dma_start3A_133 = arith.constant 0 : i32
      %dma_start3A_134 = tpu.memref_slice %arg7[%add3A_28, %dma_start3A_133] : memref<26800x64xf32, #tpu.memory_space<vmem_shared>> -> memref<64x64xf32, #tpu.memory_space<vmem_shared>>
      tpu.enqueue_dma source(%arg16 : memref<64x64xf32, #tpu.memory_space<vmem>>) target(%dma_start3A_134 : memref<64x64xf32, #tpu.memory_space<vmem_shared>>) target_semaphore(%run_scoped3A : memref<!tpu.dma_semaphore, #tpu.memory_space<semaphore_mem>>)
      %dma_wait3A = arith.constant 0 : i32
      %dma_wait3A_135 = tpu.memref_slice %arg7[%add3A_28, %dma_wait3A] : memref<26800x64xf32, #tpu.memory_space<vmem_shared>> -> memref<64x64xf32, #tpu.memory_space<vmem_shared>>
      %dma_wait3A_136 = arith.constant 0 : i32
      %dma_wait3A_137 = tpu.memref_slice %arg7[%add3A_28, %dma_wait3A_136] : memref<26800x64xf32, #tpu.memory_space<vmem_shared>> -> memref<64x64xf32, #tpu.memory_space<vmem_shared>>
      tpu.wait_dma2 semaphore(%run_scoped3A : memref<!tpu.dma_semaphore, #tpu.memory_space<semaphore_mem>>) src(%arg16 : memref<64x64xf32, #tpu.memory_space<vmem>>) dst(%dma_wait3A_137 : memref<64x64xf32, #tpu.memory_space<vmem_shared>>)
      tpu.yield
    }) : () -> ()
    %mul3A_29 = arith.constant 1675 : i32
    %mul3A_30 = arith.muli %arg1, %mul3A_29 : i32
    %add3A_31 = arith.constant 192 : i32
    %add3A_32 = arith.addi %mul3A_30, %add3A_31 : i32
    "tpu.region"() ({
      %run_scoped3A = tpu.sem_alloc : memref<!tpu.dma_semaphore, #tpu.memory_space<semaphore_mem>>
      %dma_start3A = arith.constant 0 : i32
      %dma_start3A_132 = tpu.memref_slice %arg7[%add3A_32, %dma_start3A] : memref<26800x64xf32, #tpu.memory_space<vmem_shared>> -> memref<64x64xf32, #tpu.memory_space<vmem_shared>>
      %dma_start3A_133 = arith.constant 0 : i32
      %dma_start3A_134 = tpu.memref_slice %arg7[%add3A_32, %dma_start3A_133] : memref<26800x64xf32, #tpu.memory_space<vmem_shared>> -> memref<64x64xf32, #tpu.memory_space<vmem_shared>>
      tpu.enqueue_dma source(%arg16 : memref<64x64xf32, #tpu.memory_space<vmem>>) target(%dma_start3A_134 : memref<64x64xf32, #tpu.memory_space<vmem_shared>>) target_semaphore(%run_scoped3A : memref<!tpu.dma_semaphore, #tpu.memory_space<semaphore_mem>>)
      %dma_wait3A = arith.constant 0 : i32
      %dma_wait3A_135 = tpu.memref_slice %arg7[%add3A_32, %dma_wait3A] : memref<26800x64xf32, #tpu.memory_space<vmem_shared>> -> memref<64x64xf32, #tpu.memory_space<vmem_shared>>
      %dma_wait3A_136 = arith.constant 0 : i32
      %dma_wait3A_137 = tpu.memref_slice %arg7[%add3A_32, %dma_wait3A_136] : memref<26800x64xf32, #tpu.memory_space<vmem_shared>> -> memref<64x64xf32, #tpu.memory_space<vmem_shared>>
      tpu.wait_dma2 semaphore(%run_scoped3A : memref<!tpu.dma_semaphore, #tpu.memory_space<semaphore_mem>>) src(%arg16 : memref<64x64xf32, #tpu.memory_space<vmem>>) dst(%dma_wait3A_137 : memref<64x64xf32, #tpu.memory_space<vmem_shared>>)
      tpu.yield
    }) : () -> ()
    %mul3A_33 = arith.constant 1675 : i32
    %mul3A_34 = arith.muli %arg1, %mul3A_33 : i32
    %add3A_35 = arith.constant 256 : i32
    %add3A_36 = arith.addi %mul3A_34, %add3A_35 : i32
    "tpu.region"() ({
      %run_scoped3A = tpu.sem_alloc : memref<!tpu.dma_semaphore, #tpu.memory_space<semaphore_mem>>
      %dma_start3A = arith.constant 0 : i32
      %dma_start3A_132 = tpu.memref_slice %arg7[%add3A_36, %dma_start3A] : memref<26800x64xf32, #tpu.memory_space<vmem_shared>> -> memref<64x64xf32, #tpu.memory_space<vmem_shared>>
      %dma_start3A_133 = arith.constant 0 : i32
      %dma_start3A_134 = tpu.memref_slice %arg7[%add3A_36, %dma_start3A_133] : memref<26800x64xf32, #tpu.memory_space<vmem_shared>> -> memref<64x64xf32, #tpu.memory_space<vmem_shared>>
      tpu.enqueue_dma source(%arg16 : memref<64x64xf32, #tpu.memory_space<vmem>>) target(%dma_start3A_134 : memref<64x64xf32, #tpu.memory_space<vmem_shared>>) target_semaphore(%run_scoped3A : memref<!tpu.dma_semaphore, #tpu.memory_space<semaphore_mem>>)
      %dma_wait3A = arith.constant 0 : i32
      %dma_wait3A_135 = tpu.memref_slice %arg7[%add3A_36, %dma_wait3A] : memref<26800x64xf32, #tpu.memory_space<vmem_shared>> -> memref<64x64xf32, #tpu.memory_space<vmem_shared>>
      %dma_wait3A_136 = arith.constant 0 : i32
      %dma_wait3A_137 = tpu.memref_slice %arg7[%add3A_36, %dma_wait3A_136] : memref<26800x64xf32, #tpu.memory_space<vmem_shared>> -> memref<64x64xf32, #tpu.memory_space<vmem_shared>>
      tpu.wait_dma2 semaphore(%run_scoped3A : memref<!tpu.dma_semaphore, #tpu.memory_space<semaphore_mem>>) src(%arg16 : memref<64x64xf32, #tpu.memory_space<vmem>>) dst(%dma_wait3A_137 : memref<64x64xf32, #tpu.memory_space<vmem_shared>>)
      tpu.yield
    }) : () -> ()
    %mul3A_37 = arith.constant 1675 : i32
    %mul3A_38 = arith.muli %arg1, %mul3A_37 : i32
    %add3A_39 = arith.constant 320 : i32
    %add3A_40 = arith.addi %mul3A_38, %add3A_39 : i32
    "tpu.region"() ({
      %run_scoped3A = tpu.sem_alloc : memref<!tpu.dma_semaphore, #tpu.memory_space<semaphore_mem>>
      %dma_start3A = arith.constant 0 : i32
      %dma_start3A_132 = tpu.memref_slice %arg7[%add3A_40, %dma_start3A] : memref<26800x64xf32, #tpu.memory_space<vmem_shared>> -> memref<64x64xf32, #tpu.memory_space<vmem_shared>>
      %dma_start3A_133 = arith.constant 0 : i32
      %dma_start3A_134 = tpu.memref_slice %arg7[%add3A_40, %dma_start3A_133] : memref<26800x64xf32, #tpu.memory_space<vmem_shared>> -> memref<64x64xf32, #tpu.memory_space<vmem_shared>>
      tpu.enqueue_dma source(%arg16 : memref<64x64xf32, #tpu.memory_space<vmem>>) target(%dma_start3A_134 : memref<64x64xf32, #tpu.memory_space<vmem_shared>>) target_semaphore(%run_scoped3A : memref<!tpu.dma_semaphore, #tpu.memory_space<semaphore_mem>>)
      %dma_wait3A = arith.constant 0 : i32
      %dma_wait3A_135 = tpu.memref_slice %arg7[%add3A_40, %dma_wait3A] : memref<26800x64xf32, #tpu.memory_space<vmem_shared>> -> memref<64x64xf32, #tpu.memory_space<vmem_shared>>
      %dma_wait3A_136 = arith.constant 0 : i32
      %dma_wait3A_137 = tpu.memref_slice %arg7[%add3A_40, %dma_wait3A_136] : memref<26800x64xf32, #tpu.memory_space<vmem_shared>> -> memref<64x64xf32, #tpu.memory_space<vmem_shared>>
      tpu.wait_dma2 semaphore(%run_scoped3A : memref<!tpu.dma_semaphore, #tpu.memory_space<semaphore_mem>>) src(%arg16 : memref<64x64xf32, #tpu.memory_space<vmem>>) dst(%dma_wait3A_137 : memref<64x64xf32, #tpu.memory_space<vmem_shared>>)
      tpu.yield
    }) : () -> ()
    %mul3A_41 = arith.constant 1675 : i32
    %mul3A_42 = arith.muli %arg1, %mul3A_41 : i32
    %add3A_43 = arith.constant 384 : i32
    %add3A_44 = arith.addi %mul3A_42, %add3A_43 : i32
    "tpu.region"() ({
      %run_scoped3A = tpu.sem_alloc : memref<!tpu.dma_semaphore, #tpu.memory_space<semaphore_mem>>
      %dma_start3A = arith.constant 0 : i32
      %dma_start3A_132 = tpu.memref_slice %arg7[%add3A_44, %dma_start3A] : memref<26800x64xf32, #tpu.memory_space<vmem_shared>> -> memref<64x64xf32, #tpu.memory_space<vmem_shared>>
      %dma_start3A_133 = arith.constant 0 : i32
      %dma_start3A_134 = tpu.memref_slice %arg7[%add3A_44, %dma_start3A_133] : memref<26800x64xf32, #tpu.memory_space<vmem_shared>> -> memref<64x64xf32, #tpu.memory_space<vmem_shared>>
      tpu.enqueue_dma source(%arg16 : memref<64x64xf32, #tpu.memory_space<vmem>>) target(%dma_start3A_134 : memref<64x64xf32, #tpu.memory_space<vmem_shared>>) target_semaphore(%run_scoped3A : memref<!tpu.dma_semaphore, #tpu.memory_space<semaphore_mem>>)
      %dma_wait3A = arith.constant 0 : i32
      %dma_wait3A_135 = tpu.memref_slice %arg7[%add3A_44, %dma_wait3A] : memref<26800x64xf32, #tpu.memory_space<vmem_shared>> -> memref<64x64xf32, #tpu.memory_space<vmem_shared>>
      %dma_wait3A_136 = arith.constant 0 : i32
      %dma_wait3A_137 = tpu.memref_slice %arg7[%add3A_44, %dma_wait3A_136] : memref<26800x64xf32, #tpu.memory_space<vmem_shared>> -> memref<64x64xf32, #tpu.memory_space<vmem_shared>>
      tpu.wait_dma2 semaphore(%run_scoped3A : memref<!tpu.dma_semaphore, #tpu.memory_space<semaphore_mem>>) src(%arg16 : memref<64x64xf32, #tpu.memory_space<vmem>>) dst(%dma_wait3A_137 : memref<64x64xf32, #tpu.memory_space<vmem_shared>>)
      tpu.yield
    }) : () -> ()
    %mul3A_45 = arith.constant 1675 : i32
    %mul3A_46 = arith.muli %arg1, %mul3A_45 : i32
    %add3A_47 = arith.constant 448 : i32
    %add3A_48 = arith.addi %mul3A_46, %add3A_47 : i32
    "tpu.region"() ({
      %run_scoped3A = tpu.sem_alloc : memref<!tpu.dma_semaphore, #tpu.memory_space<semaphore_mem>>
      %dma_start3A = arith.constant 0 : i32
      %dma_start3A_132 = tpu.memref_slice %arg7[%add3A_48, %dma_start3A] : memref<26800x64xf32, #tpu.memory_space<vmem_shared>> -> memref<64x64xf32, #tpu.memory_space<vmem_shared>>
      %dma_start3A_133 = arith.constant 0 : i32
      %dma_start3A_134 = tpu.memref_slice %arg7[%add3A_48, %dma_start3A_133] : memref<26800x64xf32, #tpu.memory_space<vmem_shared>> -> memref<64x64xf32, #tpu.memory_space<vmem_shared>>
      tpu.enqueue_dma source(%arg16 : memref<64x64xf32, #tpu.memory_space<vmem>>) target(%dma_start3A_134 : memref<64x64xf32, #tpu.memory_space<vmem_shared>>) target_semaphore(%run_scoped3A : memref<!tpu.dma_semaphore, #tpu.memory_space<semaphore_mem>>)
      %dma_wait3A = arith.constant 0 : i32
      %dma_wait3A_135 = tpu.memref_slice %arg7[%add3A_48, %dma_wait3A] : memref<26800x64xf32, #tpu.memory_space<vmem_shared>> -> memref<64x64xf32, #tpu.memory_space<vmem_shared>>
      %dma_wait3A_136 = arith.constant 0 : i32
      %dma_wait3A_137 = tpu.memref_slice %arg7[%add3A_48, %dma_wait3A_136] : memref<26800x64xf32, #tpu.memory_space<vmem_shared>> -> memref<64x64xf32, #tpu.memory_space<vmem_shared>>
      tpu.wait_dma2 semaphore(%run_scoped3A : memref<!tpu.dma_semaphore, #tpu.memory_space<semaphore_mem>>) src(%arg16 : memref<64x64xf32, #tpu.memory_space<vmem>>) dst(%dma_wait3A_137 : memref<64x64xf32, #tpu.memory_space<vmem_shared>>)
      tpu.yield
    }) : () -> ()
    %mul3A_49 = arith.constant 1675 : i32
    %mul3A_50 = arith.muli %arg1, %mul3A_49 : i32
    %add3A_51 = arith.constant 512 : i32
    %add3A_52 = arith.addi %mul3A_50, %add3A_51 : i32
    "tpu.region"() ({
      %run_scoped3A = tpu.sem_alloc : memref<!tpu.dma_semaphore, #tpu.memory_space<semaphore_mem>>
      %dma_start3A = arith.constant 0 : i32
      %dma_start3A_132 = tpu.memref_slice %arg7[%add3A_52, %dma_start3A] : memref<26800x64xf32, #tpu.memory_space<vmem_shared>> -> memref<64x64xf32, #tpu.memory_space<vmem_shared>>
      %dma_start3A_133 = arith.constant 0 : i32
      %dma_start3A_134 = tpu.memref_slice %arg7[%add3A_52, %dma_start3A_133] : memref<26800x64xf32, #tpu.memory_space<vmem_shared>> -> memref<64x64xf32, #tpu.memory_space<vmem_shared>>
      tpu.enqueue_dma source(%arg16 : memref<64x64xf32, #tpu.memory_space<vmem>>) target(%dma_start3A_134 : memref<64x64xf32, #tpu.memory_space<vmem_shared>>) target_semaphore(%run_scoped3A : memref<!tpu.dma_semaphore, #tpu.memory_space<semaphore_mem>>)
      %dma_wait3A = arith.constant 0 : i32
      %dma_wait3A_135 = tpu.memref_slice %arg7[%add3A_52, %dma_wait3A] : memref<26800x64xf32, #tpu.memory_space<vmem_shared>> -> memref<64x64xf32, #tpu.memory_space<vmem_shared>>
      %dma_wait3A_136 = arith.constant 0 : i32
      %dma_wait3A_137 = tpu.memref_slice %arg7[%add3A_52, %dma_wait3A_136] : memref<26800x64xf32, #tpu.memory_space<vmem_shared>> -> memref<64x64xf32, #tpu.memory_space<vmem_shared>>
      tpu.wait_dma2 semaphore(%run_scoped3A : memref<!tpu.dma_semaphore, #tpu.memory_space<semaphore_mem>>) src(%arg16 : memref<64x64xf32, #tpu.memory_space<vmem>>) dst(%dma_wait3A_137 : memref<64x64xf32, #tpu.memory_space<vmem_shared>>)
      tpu.yield
    }) : () -> ()
    %mul3A_53 = arith.constant 1675 : i32
    %mul3A_54 = arith.muli %arg1, %mul3A_53 : i32
    %add3A_55 = arith.constant 576 : i32
    %add3A_56 = arith.addi %mul3A_54, %add3A_55 : i32
    "tpu.region"() ({
      %run_scoped3A = tpu.sem_alloc : memref<!tpu.dma_semaphore, #tpu.memory_space<semaphore_mem>>
      %dma_start3A = arith.constant 0 : i32
      %dma_start3A_132 = tpu.memref_slice %arg7[%add3A_56, %dma_start3A] : memref<26800x64xf32, #tpu.memory_space<vmem_shared>> -> memref<64x64xf32, #tpu.memory_space<vmem_shared>>
      %dma_start3A_133 = arith.constant 0 : i32
      %dma_start3A_134 = tpu.memref_slice %arg7[%add3A_56, %dma_start3A_133] : memref<26800x64xf32, #tpu.memory_space<vmem_shared>> -> memref<64x64xf32, #tpu.memory_space<vmem_shared>>
      tpu.enqueue_dma source(%arg16 : memref<64x64xf32, #tpu.memory_space<vmem>>) target(%dma_start3A_134 : memref<64x64xf32, #tpu.memory_space<vmem_shared>>) target_semaphore(%run_scoped3A : memref<!tpu.dma_semaphore, #tpu.memory_space<semaphore_mem>>)
      %dma_wait3A = arith.constant 0 : i32
      %dma_wait3A_135 = tpu.memref_slice %arg7[%add3A_56, %dma_wait3A] : memref<26800x64xf32, #tpu.memory_space<vmem_shared>> -> memref<64x64xf32, #tpu.memory_space<vmem_shared>>
      %dma_wait3A_136 = arith.constant 0 : i32
      %dma_wait3A_137 = tpu.memref_slice %arg7[%add3A_56, %dma_wait3A_136] : memref<26800x64xf32, #tpu.memory_space<vmem_shared>> -> memref<64x64xf32, #tpu.memory_space<vmem_shared>>
      tpu.wait_dma2 semaphore(%run_scoped3A : memref<!tpu.dma_semaphore, #tpu.memory_space<semaphore_mem>>) src(%arg16 : memref<64x64xf32, #tpu.memory_space<vmem>>) dst(%dma_wait3A_137 : memref<64x64xf32, #tpu.memory_space<vmem_shared>>)
      tpu.yield
    }) : () -> ()
    %mul3A_57 = arith.constant 1675 : i32
    %mul3A_58 = arith.muli %arg1, %mul3A_57 : i32
    %add3A_59 = arith.constant 640 : i32
    %add3A_60 = arith.addi %mul3A_58, %add3A_59 : i32
    "tpu.region"() ({
      %run_scoped3A = tpu.sem_alloc : memref<!tpu.dma_semaphore, #tpu.memory_space<semaphore_mem>>
      %dma_start3A = arith.constant 0 : i32
      %dma_start3A_132 = tpu.memref_slice %arg7[%add3A_60, %dma_start3A] : memref<26800x64xf32, #tpu.memory_space<vmem_shared>> -> memref<64x64xf32, #tpu.memory_space<vmem_shared>>
      %dma_start3A_133 = arith.constant 0 : i32
      %dma_start3A_134 = tpu.memref_slice %arg7[%add3A_60, %dma_start3A_133] : memref<26800x64xf32, #tpu.memory_space<vmem_shared>> -> memref<64x64xf32, #tpu.memory_space<vmem_shared>>
      tpu.enqueue_dma source(%arg16 : memref<64x64xf32, #tpu.memory_space<vmem>>) target(%dma_start3A_134 : memref<64x64xf32, #tpu.memory_space<vmem_shared>>) target_semaphore(%run_scoped3A : memref<!tpu.dma_semaphore, #tpu.memory_space<semaphore_mem>>)
      %dma_wait3A = arith.constant 0 : i32
      %dma_wait3A_135 = tpu.memref_slice %arg7[%add3A_60, %dma_wait3A] : memref<26800x64xf32, #tpu.memory_space<vmem_shared>> -> memref<64x64xf32, #tpu.memory_space<vmem_shared>>
      %dma_wait3A_136 = arith.constant 0 : i32
      %dma_wait3A_137 = tpu.memref_slice %arg7[%add3A_60, %dma_wait3A_136] : memref<26800x64xf32, #tpu.memory_space<vmem_shared>> -> memref<64x64xf32, #tpu.memory_space<vmem_shared>>
      tpu.wait_dma2 semaphore(%run_scoped3A : memref<!tpu.dma_semaphore, #tpu.memory_space<semaphore_mem>>) src(%arg16 : memref<64x64xf32, #tpu.memory_space<vmem>>) dst(%dma_wait3A_137 : memref<64x64xf32, #tpu.memory_space<vmem_shared>>)
      tpu.yield
    }) : () -> ()
    %mul3A_61 = arith.constant 1675 : i32
    %mul3A_62 = arith.muli %arg1, %mul3A_61 : i32
    %add3A_63 = arith.constant 704 : i32
    %add3A_64 = arith.addi %mul3A_62, %add3A_63 : i32
    "tpu.region"() ({
      %run_scoped3A = tpu.sem_alloc : memref<!tpu.dma_semaphore, #tpu.memory_space<semaphore_mem>>
      %dma_start3A = arith.constant 0 : i32
      %dma_start3A_132 = tpu.memref_slice %arg7[%add3A_64, %dma_start3A] : memref<26800x64xf32, #tpu.memory_space<vmem_shared>> -> memref<64x64xf32, #tpu.memory_space<vmem_shared>>
      %dma_start3A_133 = arith.constant 0 : i32
      %dma_start3A_134 = tpu.memref_slice %arg7[%add3A_64, %dma_start3A_133] : memref<26800x64xf32, #tpu.memory_space<vmem_shared>> -> memref<64x64xf32, #tpu.memory_space<vmem_shared>>
      tpu.enqueue_dma source(%arg16 : memref<64x64xf32, #tpu.memory_space<vmem>>) target(%dma_start3A_134 : memref<64x64xf32, #tpu.memory_space<vmem_shared>>) target_semaphore(%run_scoped3A : memref<!tpu.dma_semaphore, #tpu.memory_space<semaphore_mem>>)
      %dma_wait3A = arith.constant 0 : i32
      %dma_wait3A_135 = tpu.memref_slice %arg7[%add3A_64, %dma_wait3A] : memref<26800x64xf32, #tpu.memory_space<vmem_shared>> -> memref<64x64xf32, #tpu.memory_space<vmem_shared>>
      %dma_wait3A_136 = arith.constant 0 : i32
      %dma_wait3A_137 = tpu.memref_slice %arg7[%add3A_64, %dma_wait3A_136] : memref<26800x64xf32, #tpu.memory_space<vmem_shared>> -> memref<64x64xf32, #tpu.memory_space<vmem_shared>>
      tpu.wait_dma2 semaphore(%run_scoped3A : memref<!tpu.dma_semaphore, #tpu.memory_space<semaphore_mem>>) src(%arg16 : memref<64x64xf32, #tpu.memory_space<vmem>>) dst(%dma_wait3A_137 : memref<64x64xf32, #tpu.memory_space<vmem_shared>>)
      tpu.yield
    }) : () -> ()
    %mul3A_65 = arith.constant 1675 : i32
    %mul3A_66 = arith.muli %arg1, %mul3A_65 : i32
    %add3A_67 = arith.constant 768 : i32
    %add3A_68 = arith.addi %mul3A_66, %add3A_67 : i32
    "tpu.region"() ({
      %run_scoped3A = tpu.sem_alloc : memref<!tpu.dma_semaphore, #tpu.memory_space<semaphore_mem>>
      %dma_start3A = arith.constant 0 : i32
      %dma_start3A_132 = tpu.memref_slice %arg7[%add3A_68, %dma_start3A] : memref<26800x64xf32, #tpu.memory_space<vmem_shared>> -> memref<64x64xf32, #tpu.memory_space<vmem_shared>>
      %dma_start3A_133 = arith.constant 0 : i32
      %dma_start3A_134 = tpu.memref_slice %arg7[%add3A_68, %dma_start3A_133] : memref<26800x64xf32, #tpu.memory_space<vmem_shared>> -> memref<64x64xf32, #tpu.memory_space<vmem_shared>>
      tpu.enqueue_dma source(%arg16 : memref<64x64xf32, #tpu.memory_space<vmem>>) target(%dma_start3A_134 : memref<64x64xf32, #tpu.memory_space<vmem_shared>>) target_semaphore(%run_scoped3A : memref<!tpu.dma_semaphore, #tpu.memory_space<semaphore_mem>>)
      %dma_wait3A = arith.constant 0 : i32
      %dma_wait3A_135 = tpu.memref_slice %arg7[%add3A_68, %dma_wait3A] : memref<26800x64xf32, #tpu.memory_space<vmem_shared>> -> memref<64x64xf32, #tpu.memory_space<vmem_shared>>
      %dma_wait3A_136 = arith.constant 0 : i32
      %dma_wait3A_137 = tpu.memref_slice %arg7[%add3A_68, %dma_wait3A_136] : memref<26800x64xf32, #tpu.memory_space<vmem_shared>> -> memref<64x64xf32, #tpu.memory_space<vmem_shared>>
      tpu.wait_dma2 semaphore(%run_scoped3A : memref<!tpu.dma_semaphore, #tpu.memory_space<semaphore_mem>>) src(%arg16 : memref<64x64xf32, #tpu.memory_space<vmem>>) dst(%dma_wait3A_137 : memref<64x64xf32, #tpu.memory_space<vmem_shared>>)
      tpu.yield
    }) : () -> ()
    %mul3A_69 = arith.constant 1675 : i32
    %mul3A_70 = arith.muli %arg1, %mul3A_69 : i32
    %add3A_71 = arith.constant 832 : i32
    %add3A_72 = arith.addi %mul3A_70, %add3A_71 : i32
    "tpu.region"() ({
      %run_scoped3A = tpu.sem_alloc : memref<!tpu.dma_semaphore, #tpu.memory_space<semaphore_mem>>
      %dma_start3A = arith.constant 0 : i32
      %dma_start3A_132 = tpu.memref_slice %arg7[%add3A_72, %dma_start3A] : memref<26800x64xf32, #tpu.memory_space<vmem_shared>> -> memref<64x64xf32, #tpu.memory_space<vmem_shared>>
      %dma_start3A_133 = arith.constant 0 : i32
      %dma_start3A_134 = tpu.memref_slice %arg7[%add3A_72, %dma_start3A_133] : memref<26800x64xf32, #tpu.memory_space<vmem_shared>> -> memref<64x64xf32, #tpu.memory_space<vmem_shared>>
      tpu.enqueue_dma source(%arg16 : memref<64x64xf32, #tpu.memory_space<vmem>>) target(%dma_start3A_134 : memref<64x64xf32, #tpu.memory_space<vmem_shared>>) target_semaphore(%run_scoped3A : memref<!tpu.dma_semaphore, #tpu.memory_space<semaphore_mem>>)
      %dma_wait3A = arith.constant 0 : i32
      %dma_wait3A_135 = tpu.memref_slice %arg7[%add3A_72, %dma_wait3A] : memref<26800x64xf32, #tpu.memory_space<vmem_shared>> -> memref<64x64xf32, #tpu.memory_space<vmem_shared>>
      %dma_wait3A_136 = arith.constant 0 : i32
      %dma_wait3A_137 = tpu.memref_slice %arg7[%add3A_72, %dma_wait3A_136] : memref<26800x64xf32, #tpu.memory_space<vmem_shared>> -> memref<64x64xf32, #tpu.memory_space<vmem_shared>>
      tpu.wait_dma2 semaphore(%run_scoped3A : memref<!tpu.dma_semaphore, #tpu.memory_space<semaphore_mem>>) src(%arg16 : memref<64x64xf32, #tpu.memory_space<vmem>>) dst(%dma_wait3A_137 : memref<64x64xf32, #tpu.memory_space<vmem_shared>>)
      tpu.yield
    }) : () -> ()
    %mul3A_73 = arith.constant 1675 : i32
    %mul3A_74 = arith.muli %arg1, %mul3A_73 : i32
    %add3A_75 = arith.constant 896 : i32
    %add3A_76 = arith.addi %mul3A_74, %add3A_75 : i32
    "tpu.region"() ({
      %run_scoped3A = tpu.sem_alloc : memref<!tpu.dma_semaphore, #tpu.memory_space<semaphore_mem>>
      %dma_start3A = arith.constant 0 : i32
      %dma_start3A_132 = tpu.memref_slice %arg7[%add3A_76, %dma_start3A] : memref<26800x64xf32, #tpu.memory_space<vmem_shared>> -> memref<64x64xf32, #tpu.memory_space<vmem_shared>>
      %dma_start3A_133 = arith.constant 0 : i32
      %dma_start3A_134 = tpu.memref_slice %arg7[%add3A_76, %dma_start3A_133] : memref<26800x64xf32, #tpu.memory_space<vmem_shared>> -> memref<64x64xf32, #tpu.memory_space<vmem_shared>>
      tpu.enqueue_dma source(%arg16 : memref<64x64xf32, #tpu.memory_space<vmem>>) target(%dma_start3A_134 : memref<64x64xf32, #tpu.memory_space<vmem_shared>>) target_semaphore(%run_scoped3A : memref<!tpu.dma_semaphore, #tpu.memory_space<semaphore_mem>>)
      %dma_wait3A = arith.constant 0 : i32
      %dma_wait3A_135 = tpu.memref_slice %arg7[%add3A_76, %dma_wait3A] : memref<26800x64xf32, #tpu.memory_space<vmem_shared>> -> memref<64x64xf32, #tpu.memory_space<vmem_shared>>
      %dma_wait3A_136 = arith.constant 0 : i32
      %dma_wait3A_137 = tpu.memref_slice %arg7[%add3A_76, %dma_wait3A_136] : memref<26800x64xf32, #tpu.memory_space<vmem_shared>> -> memref<64x64xf32, #tpu.memory_space<vmem_shared>>
      tpu.wait_dma2 semaphore(%run_scoped3A : memref<!tpu.dma_semaphore, #tpu.memory_space<semaphore_mem>>) src(%arg16 : memref<64x64xf32, #tpu.memory_space<vmem>>) dst(%dma_wait3A_137 : memref<64x64xf32, #tpu.memory_space<vmem_shared>>)
      tpu.yield
    }) : () -> ()
    %mul3A_77 = arith.constant 1675 : i32
    %mul3A_78 = arith.muli %arg1, %mul3A_77 : i32
    %add3A_79 = arith.constant 960 : i32
    %add3A_80 = arith.addi %mul3A_78, %add3A_79 : i32
    "tpu.region"() ({
      %run_scoped3A = tpu.sem_alloc : memref<!tpu.dma_semaphore, #tpu.memory_space<semaphore_mem>>
      %dma_start3A = arith.constant 0 : i32
      %dma_start3A_132 = tpu.memref_slice %arg7[%add3A_80, %dma_start3A] : memref<26800x64xf32, #tpu.memory_space<vmem_shared>> -> memref<64x64xf32, #tpu.memory_space<vmem_shared>>
      %dma_start3A_133 = arith.constant 0 : i32
      %dma_start3A_134 = tpu.memref_slice %arg7[%add3A_80, %dma_start3A_133] : memref<26800x64xf32, #tpu.memory_space<vmem_shared>> -> memref<64x64xf32, #tpu.memory_space<vmem_shared>>
      tpu.enqueue_dma source(%arg16 : memref<64x64xf32, #tpu.memory_space<vmem>>) target(%dma_start3A_134 : memref<64x64xf32, #tpu.memory_space<vmem_shared>>) target_semaphore(%run_scoped3A : memref<!tpu.dma_semaphore, #tpu.memory_space<semaphore_mem>>)
      %dma_wait3A = arith.constant 0 : i32
      %dma_wait3A_135 = tpu.memref_slice %arg7[%add3A_80, %dma_wait3A] : memref<26800x64xf32, #tpu.memory_space<vmem_shared>> -> memref<64x64xf32, #tpu.memory_space<vmem_shared>>
      %dma_wait3A_136 = arith.constant 0 : i32
      %dma_wait3A_137 = tpu.memref_slice %arg7[%add3A_80, %dma_wait3A_136] : memref<26800x64xf32, #tpu.memory_space<vmem_shared>> -> memref<64x64xf32, #tpu.memory_space<vmem_shared>>
      tpu.wait_dma2 semaphore(%run_scoped3A : memref<!tpu.dma_semaphore, #tpu.memory_space<semaphore_mem>>) src(%arg16 : memref<64x64xf32, #tpu.memory_space<vmem>>) dst(%dma_wait3A_137 : memref<64x64xf32, #tpu.memory_space<vmem_shared>>)
      tpu.yield
    }) : () -> ()
    %mul3A_81 = arith.constant 1675 : i32
    %mul3A_82 = arith.muli %arg1, %mul3A_81 : i32
    %add3A_83 = arith.constant 1024 : i32
    %add3A_84 = arith.addi %mul3A_82, %add3A_83 : i32
    "tpu.region"() ({
      %run_scoped3A = tpu.sem_alloc : memref<!tpu.dma_semaphore, #tpu.memory_space<semaphore_mem>>
      %dma_start3A = arith.constant 0 : i32
      %dma_start3A_132 = tpu.memref_slice %arg7[%add3A_84, %dma_start3A] : memref<26800x64xf32, #tpu.memory_space<vmem_shared>> -> memref<64x64xf32, #tpu.memory_space<vmem_shared>>
      %dma_start3A_133 = arith.constant 0 : i32
      %dma_start3A_134 = tpu.memref_slice %arg7[%add3A_84, %dma_start3A_133] : memref<26800x64xf32, #tpu.memory_space<vmem_shared>> -> memref<64x64xf32, #tpu.memory_space<vmem_shared>>
      tpu.enqueue_dma source(%arg16 : memref<64x64xf32, #tpu.memory_space<vmem>>) target(%dma_start3A_134 : memref<64x64xf32, #tpu.memory_space<vmem_shared>>) target_semaphore(%run_scoped3A : memref<!tpu.dma_semaphore, #tpu.memory_space<semaphore_mem>>)
      %dma_wait3A = arith.constant 0 : i32
      %dma_wait3A_135 = tpu.memref_slice %arg7[%add3A_84, %dma_wait3A] : memref<26800x64xf32, #tpu.memory_space<vmem_shared>> -> memref<64x64xf32, #tpu.memory_space<vmem_shared>>
      %dma_wait3A_136 = arith.constant 0 : i32
      %dma_wait3A_137 = tpu.memref_slice %arg7[%add3A_84, %dma_wait3A_136] : memref<26800x64xf32, #tpu.memory_space<vmem_shared>> -> memref<64x64xf32, #tpu.memory_space<vmem_shared>>
      tpu.wait_dma2 semaphore(%run_scoped3A : memref<!tpu.dma_semaphore, #tpu.memory_space<semaphore_mem>>) src(%arg16 : memref<64x64xf32, #tpu.memory_space<vmem>>) dst(%dma_wait3A_137 : memref<64x64xf32, #tpu.memory_space<vmem_shared>>)
      tpu.yield
    }) : () -> ()
    %mul3A_85 = arith.constant 1675 : i32
    %mul3A_86 = arith.muli %arg1, %mul3A_85 : i32
    %add3A_87 = arith.constant 1088 : i32
    %add3A_88 = arith.addi %mul3A_86, %add3A_87 : i32
    "tpu.region"() ({
      %run_scoped3A = tpu.sem_alloc : memref<!tpu.dma_semaphore, #tpu.memory_space<semaphore_mem>>
      %dma_start3A = arith.constant 0 : i32
      %dma_start3A_132 = tpu.memref_slice %arg7[%add3A_88, %dma_start3A] : memref<26800x64xf32, #tpu.memory_space<vmem_shared>> -> memref<64x64xf32, #tpu.memory_space<vmem_shared>>
      %dma_start3A_133 = arith.constant 0 : i32
      %dma_start3A_134 = tpu.memref_slice %arg7[%add3A_88, %dma_start3A_133] : memref<26800x64xf32, #tpu.memory_space<vmem_shared>> -> memref<64x64xf32, #tpu.memory_space<vmem_shared>>
      tpu.enqueue_dma source(%arg16 : memref<64x64xf32, #tpu.memory_space<vmem>>) target(%dma_start3A_134 : memref<64x64xf32, #tpu.memory_space<vmem_shared>>) target_semaphore(%run_scoped3A : memref<!tpu.dma_semaphore, #tpu.memory_space<semaphore_mem>>)
      %dma_wait3A = arith.constant 0 : i32
      %dma_wait3A_135 = tpu.memref_slice %arg7[%add3A_88, %dma_wait3A] : memref<26800x64xf32, #tpu.memory_space<vmem_shared>> -> memref<64x64xf32, #tpu.memory_space<vmem_shared>>
      %dma_wait3A_136 = arith.constant 0 : i32
      %dma_wait3A_137 = tpu.memref_slice %arg7[%add3A_88, %dma_wait3A_136] : memref<26800x64xf32, #tpu.memory_space<vmem_shared>> -> memref<64x64xf32, #tpu.memory_space<vmem_shared>>
      tpu.wait_dma2 semaphore(%run_scoped3A : memref<!tpu.dma_semaphore, #tpu.memory_space<semaphore_mem>>) src(%arg16 : memref<64x64xf32, #tpu.memory_space<vmem>>) dst(%dma_wait3A_137 : memref<64x64xf32, #tpu.memory_space<vmem_shared>>)
      tpu.yield
    }) : () -> ()
    %mul3A_89 = arith.constant 1675 : i32
    %mul3A_90 = arith.muli %arg1, %mul3A_89 : i32
    %add3A_91 = arith.constant 1152 : i32
    %add3A_92 = arith.addi %mul3A_90, %add3A_91 : i32
    "tpu.region"() ({
      %run_scoped3A = tpu.sem_alloc : memref<!tpu.dma_semaphore, #tpu.memory_space<semaphore_mem>>
      %dma_start3A = arith.constant 0 : i32
      %dma_start3A_132 = tpu.memref_slice %arg7[%add3A_92, %dma_start3A] : memref<26800x64xf32, #tpu.memory_space<vmem_shared>> -> memref<64x64xf32, #tpu.memory_space<vmem_shared>>
      %dma_start3A_133 = arith.constant 0 : i32
      %dma_start3A_134 = tpu.memref_slice %arg7[%add3A_92, %dma_start3A_133] : memref<26800x64xf32, #tpu.memory_space<vmem_shared>> -> memref<64x64xf32, #tpu.memory_space<vmem_shared>>
      tpu.enqueue_dma source(%arg16 : memref<64x64xf32, #tpu.memory_space<vmem>>) target(%dma_start3A_134 : memref<64x64xf32, #tpu.memory_space<vmem_shared>>) target_semaphore(%run_scoped3A : memref<!tpu.dma_semaphore, #tpu.memory_space<semaphore_mem>>)
      %dma_wait3A = arith.constant 0 : i32
      %dma_wait3A_135 = tpu.memref_slice %arg7[%add3A_92, %dma_wait3A] : memref<26800x64xf32, #tpu.memory_space<vmem_shared>> -> memref<64x64xf32, #tpu.memory_space<vmem_shared>>
      %dma_wait3A_136 = arith.constant 0 : i32
      %dma_wait3A_137 = tpu.memref_slice %arg7[%add3A_92, %dma_wait3A_136] : memref<26800x64xf32, #tpu.memory_space<vmem_shared>> -> memref<64x64xf32, #tpu.memory_space<vmem_shared>>
      tpu.wait_dma2 semaphore(%run_scoped3A : memref<!tpu.dma_semaphore, #tpu.memory_space<semaphore_mem>>) src(%arg16 : memref<64x64xf32, #tpu.memory_space<vmem>>) dst(%dma_wait3A_137 : memref<64x64xf32, #tpu.memory_space<vmem_shared>>)
      tpu.yield
    }) : () -> ()
    %mul3A_93 = arith.constant 1675 : i32
    %mul3A_94 = arith.muli %arg1, %mul3A_93 : i32
    %add3A_95 = arith.constant 1216 : i32
    %add3A_96 = arith.addi %mul3A_94, %add3A_95 : i32
    "tpu.region"() ({
      %run_scoped3A = tpu.sem_alloc : memref<!tpu.dma_semaphore, #tpu.memory_space<semaphore_mem>>
      %dma_start3A = arith.constant 0 : i32
      %dma_start3A_132 = tpu.memref_slice %arg7[%add3A_96, %dma_start3A] : memref<26800x64xf32, #tpu.memory_space<vmem_shared>> -> memref<64x64xf32, #tpu.memory_space<vmem_shared>>
      %dma_start3A_133 = arith.constant 0 : i32
      %dma_start3A_134 = tpu.memref_slice %arg7[%add3A_96, %dma_start3A_133] : memref<26800x64xf32, #tpu.memory_space<vmem_shared>> -> memref<64x64xf32, #tpu.memory_space<vmem_shared>>
      tpu.enqueue_dma source(%arg16 : memref<64x64xf32, #tpu.memory_space<vmem>>) target(%dma_start3A_134 : memref<64x64xf32, #tpu.memory_space<vmem_shared>>) target_semaphore(%run_scoped3A : memref<!tpu.dma_semaphore, #tpu.memory_space<semaphore_mem>>)
      %dma_wait3A = arith.constant 0 : i32
      %dma_wait3A_135 = tpu.memref_slice %arg7[%add3A_96, %dma_wait3A] : memref<26800x64xf32, #tpu.memory_space<vmem_shared>> -> memref<64x64xf32, #tpu.memory_space<vmem_shared>>
      %dma_wait3A_136 = arith.constant 0 : i32
      %dma_wait3A_137 = tpu.memref_slice %arg7[%add3A_96, %dma_wait3A_136] : memref<26800x64xf32, #tpu.memory_space<vmem_shared>> -> memref<64x64xf32, #tpu.memory_space<vmem_shared>>
      tpu.wait_dma2 semaphore(%run_scoped3A : memref<!tpu.dma_semaphore, #tpu.memory_space<semaphore_mem>>) src(%arg16 : memref<64x64xf32, #tpu.memory_space<vmem>>) dst(%dma_wait3A_137 : memref<64x64xf32, #tpu.memory_space<vmem_shared>>)
      tpu.yield
    }) : () -> ()
    %mul3A_97 = arith.constant 1675 : i32
    %mul3A_98 = arith.muli %arg1, %mul3A_97 : i32
    %add3A_99 = arith.constant 1280 : i32
    %add3A_100 = arith.addi %mul3A_98, %add3A_99 : i32
    "tpu.region"() ({
      %run_scoped3A = tpu.sem_alloc : memref<!tpu.dma_semaphore, #tpu.memory_space<semaphore_mem>>
      %dma_start3A = arith.constant 0 : i32
      %dma_start3A_132 = tpu.memref_slice %arg7[%add3A_100, %dma_start3A] : memref<26800x64xf32, #tpu.memory_space<vmem_shared>> -> memref<64x64xf32, #tpu.memory_space<vmem_shared>>
      %dma_start3A_133 = arith.constant 0 : i32
      %dma_start3A_134 = tpu.memref_slice %arg7[%add3A_100, %dma_start3A_133] : memref<26800x64xf32, #tpu.memory_space<vmem_shared>> -> memref<64x64xf32, #tpu.memory_space<vmem_shared>>
      tpu.enqueue_dma source(%arg16 : memref<64x64xf32, #tpu.memory_space<vmem>>) target(%dma_start3A_134 : memref<64x64xf32, #tpu.memory_space<vmem_shared>>) target_semaphore(%run_scoped3A : memref<!tpu.dma_semaphore, #tpu.memory_space<semaphore_mem>>)
      %dma_wait3A = arith.constant 0 : i32
      %dma_wait3A_135 = tpu.memref_slice %arg7[%add3A_100, %dma_wait3A] : memref<26800x64xf32, #tpu.memory_space<vmem_shared>> -> memref<64x64xf32, #tpu.memory_space<vmem_shared>>
      %dma_wait3A_136 = arith.constant 0 : i32
      %dma_wait3A_137 = tpu.memref_slice %arg7[%add3A_100, %dma_wait3A_136] : memref<26800x64xf32, #tpu.memory_space<vmem_shared>> -> memref<64x64xf32, #tpu.memory_space<vmem_shared>>
      tpu.wait_dma2 semaphore(%run_scoped3A : memref<!tpu.dma_semaphore, #tpu.memory_space<semaphore_mem>>) src(%arg16 : memref<64x64xf32, #tpu.memory_space<vmem>>) dst(%dma_wait3A_137 : memref<64x64xf32, #tpu.memory_space<vmem_shared>>)
      tpu.yield
    }) : () -> ()
    %mul3A_101 = arith.constant 1675 : i32
    %mul3A_102 = arith.muli %arg1, %mul3A_101 : i32
    %add3A_103 = arith.constant 1344 : i32
    %add3A_104 = arith.addi %mul3A_102, %add3A_103 : i32
    "tpu.region"() ({
      %run_scoped3A = tpu.sem_alloc : memref<!tpu.dma_semaphore, #tpu.memory_space<semaphore_mem>>
      %dma_start3A = arith.constant 0 : i32
      %dma_start3A_132 = tpu.memref_slice %arg7[%add3A_104, %dma_start3A] : memref<26800x64xf32, #tpu.memory_space<vmem_shared>> -> memref<64x64xf32, #tpu.memory_space<vmem_shared>>
      %dma_start3A_133 = arith.constant 0 : i32
      %dma_start3A_134 = tpu.memref_slice %arg7[%add3A_104, %dma_start3A_133] : memref<26800x64xf32, #tpu.memory_space<vmem_shared>> -> memref<64x64xf32, #tpu.memory_space<vmem_shared>>
      tpu.enqueue_dma source(%arg16 : memref<64x64xf32, #tpu.memory_space<vmem>>) target(%dma_start3A_134 : memref<64x64xf32, #tpu.memory_space<vmem_shared>>) target_semaphore(%run_scoped3A : memref<!tpu.dma_semaphore, #tpu.memory_space<semaphore_mem>>)
      %dma_wait3A = arith.constant 0 : i32
      %dma_wait3A_135 = tpu.memref_slice %arg7[%add3A_104, %dma_wait3A] : memref<26800x64xf32, #tpu.memory_space<vmem_shared>> -> memref<64x64xf32, #tpu.memory_space<vmem_shared>>
      %dma_wait3A_136 = arith.constant 0 : i32
      %dma_wait3A_137 = tpu.memref_slice %arg7[%add3A_104, %dma_wait3A_136] : memref<26800x64xf32, #tpu.memory_space<vmem_shared>> -> memref<64x64xf32, #tpu.memory_space<vmem_shared>>
      tpu.wait_dma2 semaphore(%run_scoped3A : memref<!tpu.dma_semaphore, #tpu.memory_space<semaphore_mem>>) src(%arg16 : memref<64x64xf32, #tpu.memory_space<vmem>>) dst(%dma_wait3A_137 : memref<64x64xf32, #tpu.memory_space<vmem_shared>>)
      tpu.yield
    }) : () -> ()
    %mul3A_105 = arith.constant 1675 : i32
    %mul3A_106 = arith.muli %arg1, %mul3A_105 : i32
    %add3A_107 = arith.constant 1408 : i32
    %add3A_108 = arith.addi %mul3A_106, %add3A_107 : i32
    "tpu.region"() ({
      %run_scoped3A = tpu.sem_alloc : memref<!tpu.dma_semaphore, #tpu.memory_space<semaphore_mem>>
      %dma_start3A = arith.constant 0 : i32
      %dma_start3A_132 = tpu.memref_slice %arg7[%add3A_108, %dma_start3A] : memref<26800x64xf32, #tpu.memory_space<vmem_shared>> -> memref<64x64xf32, #tpu.memory_space<vmem_shared>>
      %dma_start3A_133 = arith.constant 0 : i32
      %dma_start3A_134 = tpu.memref_slice %arg7[%add3A_108, %dma_start3A_133] : memref<26800x64xf32, #tpu.memory_space<vmem_shared>> -> memref<64x64xf32, #tpu.memory_space<vmem_shared>>
      tpu.enqueue_dma source(%arg16 : memref<64x64xf32, #tpu.memory_space<vmem>>) target(%dma_start3A_134 : memref<64x64xf32, #tpu.memory_space<vmem_shared>>) target_semaphore(%run_scoped3A : memref<!tpu.dma_semaphore, #tpu.memory_space<semaphore_mem>>)
      %dma_wait3A = arith.constant 0 : i32
      %dma_wait3A_135 = tpu.memref_slice %arg7[%add3A_108, %dma_wait3A] : memref<26800x64xf32, #tpu.memory_space<vmem_shared>> -> memref<64x64xf32, #tpu.memory_space<vmem_shared>>
      %dma_wait3A_136 = arith.constant 0 : i32
      %dma_wait3A_137 = tpu.memref_slice %arg7[%add3A_108, %dma_wait3A_136] : memref<26800x64xf32, #tpu.memory_space<vmem_shared>> -> memref<64x64xf32, #tpu.memory_space<vmem_shared>>
      tpu.wait_dma2 semaphore(%run_scoped3A : memref<!tpu.dma_semaphore, #tpu.memory_space<semaphore_mem>>) src(%arg16 : memref<64x64xf32, #tpu.memory_space<vmem>>) dst(%dma_wait3A_137 : memref<64x64xf32, #tpu.memory_space<vmem_shared>>)
      tpu.yield
    }) : () -> ()
    %mul3A_109 = arith.constant 1675 : i32
    %mul3A_110 = arith.muli %arg1, %mul3A_109 : i32
    %add3A_111 = arith.constant 1472 : i32
    %add3A_112 = arith.addi %mul3A_110, %add3A_111 : i32
    "tpu.region"() ({
      %run_scoped3A = tpu.sem_alloc : memref<!tpu.dma_semaphore, #tpu.memory_space<semaphore_mem>>
      %dma_start3A = arith.constant 0 : i32
      %dma_start3A_132 = tpu.memref_slice %arg7[%add3A_112, %dma_start3A] : memref<26800x64xf32, #tpu.memory_space<vmem_shared>> -> memref<64x64xf32, #tpu.memory_space<vmem_shared>>
      %dma_start3A_133 = arith.constant 0 : i32
      %dma_start3A_134 = tpu.memref_slice %arg7[%add3A_112, %dma_start3A_133] : memref<26800x64xf32, #tpu.memory_space<vmem_shared>> -> memref<64x64xf32, #tpu.memory_space<vmem_shared>>
      tpu.enqueue_dma source(%arg16 : memref<64x64xf32, #tpu.memory_space<vmem>>) target(%dma_start3A_134 : memref<64x64xf32, #tpu.memory_space<vmem_shared>>) target_semaphore(%run_scoped3A : memref<!tpu.dma_semaphore, #tpu.memory_space<semaphore_mem>>)
      %dma_wait3A = arith.constant 0 : i32
      %dma_wait3A_135 = tpu.memref_slice %arg7[%add3A_112, %dma_wait3A] : memref<26800x64xf32, #tpu.memory_space<vmem_shared>> -> memref<64x64xf32, #tpu.memory_space<vmem_shared>>
      %dma_wait3A_136 = arith.constant 0 : i32
      %dma_wait3A_137 = tpu.memref_slice %arg7[%add3A_112, %dma_wait3A_136] : memref<26800x64xf32, #tpu.memory_space<vmem_shared>> -> memref<64x64xf32, #tpu.memory_space<vmem_shared>>
      tpu.wait_dma2 semaphore(%run_scoped3A : memref<!tpu.dma_semaphore, #tpu.memory_space<semaphore_mem>>) src(%arg16 : memref<64x64xf32, #tpu.memory_space<vmem>>) dst(%dma_wait3A_137 : memref<64x64xf32, #tpu.memory_space<vmem_shared>>)
      tpu.yield
    }) : () -> ()
    %mul3A_113 = arith.constant 1675 : i32
    %mul3A_114 = arith.muli %arg1, %mul3A_113 : i32
    %add3A_115 = arith.constant 1536 : i32
    %add3A_116 = arith.addi %mul3A_114, %add3A_115 : i32
    "tpu.region"() ({
      %run_scoped3A = tpu.sem_alloc : memref<!tpu.dma_semaphore, #tpu.memory_space<semaphore_mem>>
      %dma_start3A = arith.constant 0 : i32
      %dma_start3A_132 = tpu.memref_slice %arg7[%add3A_116, %dma_start3A] : memref<26800x64xf32, #tpu.memory_space<vmem_shared>> -> memref<64x64xf32, #tpu.memory_space<vmem_shared>>
      %dma_start3A_133 = arith.constant 0 : i32
      %dma_start3A_134 = tpu.memref_slice %arg7[%add3A_116, %dma_start3A_133] : memref<26800x64xf32, #tpu.memory_space<vmem_shared>> -> memref<64x64xf32, #tpu.memory_space<vmem_shared>>
      tpu.enqueue_dma source(%arg16 : memref<64x64xf32, #tpu.memory_space<vmem>>) target(%dma_start3A_134 : memref<64x64xf32, #tpu.memory_space<vmem_shared>>) target_semaphore(%run_scoped3A : memref<!tpu.dma_semaphore, #tpu.memory_space<semaphore_mem>>)
      %dma_wait3A = arith.constant 0 : i32
      %dma_wait3A_135 = tpu.memref_slice %arg7[%add3A_116, %dma_wait3A] : memref<26800x64xf32, #tpu.memory_space<vmem_shared>> -> memref<64x64xf32, #tpu.memory_space<vmem_shared>>
      %dma_wait3A_136 = arith.constant 0 : i32
      %dma_wait3A_137 = tpu.memref_slice %arg7[%add3A_116, %dma_wait3A_136] : memref<26800x64xf32, #tpu.memory_space<vmem_shared>> -> memref<64x64xf32, #tpu.memory_space<vmem_shared>>
      tpu.wait_dma2 semaphore(%run_scoped3A : memref<!tpu.dma_semaphore, #tpu.memory_space<semaphore_mem>>) src(%arg16 : memref<64x64xf32, #tpu.memory_space<vmem>>) dst(%dma_wait3A_137 : memref<64x64xf32, #tpu.memory_space<vmem_shared>>)
      tpu.yield
    }) : () -> ()
    %mul3A_117 = arith.constant 1675 : i32
    %mul3A_118 = arith.muli %arg1, %mul3A_117 : i32
    %add3A_119 = arith.constant 1600 : i32
    %add3A_120 = arith.addi %mul3A_118, %add3A_119 : i32
    "tpu.region"() ({
      %run_scoped3A = tpu.sem_alloc : memref<!tpu.dma_semaphore, #tpu.memory_space<semaphore_mem>>
      %dma_start3A = arith.constant 0 : i32
      %dma_start3A_132 = tpu.memref_slice %arg7[%add3A_120, %dma_start3A] : memref<26800x64xf32, #tpu.memory_space<vmem_shared>> -> memref<64x64xf32, #tpu.memory_space<vmem_shared>>
      %dma_start3A_133 = arith.constant 0 : i32
      %dma_start3A_134 = tpu.memref_slice %arg7[%add3A_120, %dma_start3A_133] : memref<26800x64xf32, #tpu.memory_space<vmem_shared>> -> memref<64x64xf32, #tpu.memory_space<vmem_shared>>
      tpu.enqueue_dma source(%arg16 : memref<64x64xf32, #tpu.memory_space<vmem>>) target(%dma_start3A_134 : memref<64x64xf32, #tpu.memory_space<vmem_shared>>) target_semaphore(%run_scoped3A : memref<!tpu.dma_semaphore, #tpu.memory_space<semaphore_mem>>)
      %dma_wait3A = arith.constant 0 : i32
      %dma_wait3A_135 = tpu.memref_slice %arg7[%add3A_120, %dma_wait3A] : memref<26800x64xf32, #tpu.memory_space<vmem_shared>> -> memref<64x64xf32, #tpu.memory_space<vmem_shared>>
      %dma_wait3A_136 = arith.constant 0 : i32
      %dma_wait3A_137 = tpu.memref_slice %arg7[%add3A_120, %dma_wait3A_136] : memref<26800x64xf32, #tpu.memory_space<vmem_shared>> -> memref<64x64xf32, #tpu.memory_space<vmem_shared>>
      tpu.wait_dma2 semaphore(%run_scoped3A : memref<!tpu.dma_semaphore, #tpu.memory_space<semaphore_mem>>) src(%arg16 : memref<64x64xf32, #tpu.memory_space<vmem>>) dst(%dma_wait3A_137 : memref<64x64xf32, #tpu.memory_space<vmem_shared>>)
      tpu.yield
    }) : () -> ()
    %mul3A_121 = arith.constant 1675 : i32
    %mul3A_122 = arith.muli %arg1, %mul3A_121 : i32
    %add3A_123 = arith.constant 1664 : i32
    %add3A_124 = arith.addi %mul3A_122, %add3A_123 : i32
    "tpu.region"() ({
      %run_scoped3A = tpu.sem_alloc : memref<!tpu.dma_semaphore, #tpu.memory_space<semaphore_mem>>
      %dma_start3A = arith.constant 0 : i32
      %dma_start3A_132 = arith.constant 0 : i32
      %dma_start3A_133 = tpu.memref_slice %arg16[%dma_start3A, %dma_start3A_132] : memref<64x64xf32, #tpu.memory_space<vmem>> -> memref<11x64xf32, #tpu.memory_space<vmem>>
      %dma_start3A_134 = arith.constant 0 : i32
      %dma_start3A_135 = tpu.memref_slice %arg7[%add3A_124, %dma_start3A_134] : memref<26800x64xf32, #tpu.memory_space<vmem_shared>> -> memref<11x64xf32, #tpu.memory_space<vmem_shared>>
      %dma_start3A_136 = arith.constant 0 : i32
      %dma_start3A_137 = tpu.memref_slice %arg7[%add3A_124, %dma_start3A_136] : memref<26800x64xf32, #tpu.memory_space<vmem_shared>> -> memref<11x64xf32, #tpu.memory_space<vmem_shared>>
      %dma_start3A_138 = arith.constant 0 : i32
      %dma_start3A_139 = arith.constant 0 : i32
      %dma_start3A_140 = tpu.memref_slice %arg16[%dma_start3A_138, %dma_start3A_139] : memref<64x64xf32, #tpu.memory_space<vmem>> -> memref<11x64xf32, #tpu.memory_space<vmem>>
      tpu.enqueue_dma source(%dma_start3A_140 : memref<11x64xf32, #tpu.memory_space<vmem>>) target(%dma_start3A_137 : memref<11x64xf32, #tpu.memory_space<vmem_shared>>) target_semaphore(%run_scoped3A : memref<!tpu.dma_semaphore, #tpu.memory_space<semaphore_mem>>)
      %dma_wait3A = arith.constant 0 : i32
      %dma_wait3A_141 = arith.constant 0 : i32
      %dma_wait3A_142 = tpu.memref_slice %arg16[%dma_wait3A, %dma_wait3A_141] : memref<64x64xf32, #tpu.memory_space<vmem>> -> memref<11x64xf32, #tpu.memory_space<vmem>>
      %dma_wait3A_143 = arith.constant 0 : i32
      %dma_wait3A_144 = tpu.memref_slice %arg7[%add3A_124, %dma_wait3A_143] : memref<26800x64xf32, #tpu.memory_space<vmem_shared>> -> memref<11x64xf32, #tpu.memory_space<vmem_shared>>
      %dma_wait3A_145 = arith.constant 0 : i32
      %dma_wait3A_146 = tpu.memref_slice %arg7[%add3A_124, %dma_wait3A_145] : memref<26800x64xf32, #tpu.memory_space<vmem_shared>> -> memref<11x64xf32, #tpu.memory_space<vmem_shared>>
      %dma_wait3A_147 = arith.constant 0 : i32
      %dma_wait3A_148 = arith.constant 0 : i32
      %dma_wait3A_149 = tpu.memref_slice %arg16[%dma_wait3A_147, %dma_wait3A_148] : memref<64x64xf32, #tpu.memory_space<vmem>> -> memref<11x64xf32, #tpu.memory_space<vmem>>
      tpu.wait_dma2 semaphore(%run_scoped3A : memref<!tpu.dma_semaphore, #tpu.memory_space<semaphore_mem>>) src(%dma_wait3A_149 : memref<11x64xf32, #tpu.memory_space<vmem>>) dst(%dma_wait3A_146 : memref<11x64xf32, #tpu.memory_space<vmem_shared>>)
      tpu.yield
    }) : () -> ()
    %barrier3A = arith.constant 0 : index
    tpu.barrier barrier_id(%barrier3A)
    %scan3A_125 = arith.constant 0 : i32
    %scan3A_126 = arith.constant 0 : i32
    %scan3A_127 = arith.constant 8 : i32
    %scan3A_128 = arith.addi %scan3A_126, %scan3A_127 : i32
    %scan3A_129 = arith.constant 1 : i32
    %scan3A_130 = scf.for %scan3A_132 = %scan3A_126 to %scan3A_128 step %scan3A_129 iter_args(%scan3A_133 = %scan3A_125) -> (i32)  : i32 {
      %mul3A_134 = arith.constant 26784 : i32
      %mul3A_135 = arith.muli %scan3A_132, %mul3A_134 : i32
      %add3A_136 = arith.constant 26784 : i32
      %add3A_137 = arith.addi %mul3A_135, %add3A_136 : i32
      %mul3A_138 = arith.constant 25000 : i32
      %mul3A_139 = arith.muli %arg0, %mul3A_138 : i32
      %mul3A_140 = arith.constant 1568 : i32
      %mul3A_141 = arith.muli %arg1, %mul3A_140 : i32
      %add3A_142 = arith.addi %mul3A_139, %mul3A_141 : i32
      %mul3A_143 = arith.constant 25000 : i32
      %mul3A_144 = arith.muli %arg0, %mul3A_143 : i32
      %add3A_145 = arith.addi %mul3A_144, %arg1 : i32
      %add3A_146 = arith.constant 26784 : i32
      %add3A_147 = arith.addi %add3A_146, %arg1 : i32
      %scan3A_148 = arith.constant 0 : i32
      %scan3A_149 = arith.constant 0 : i32
      %scan3A_150 = arith.constant 98 : i32
      %scan3A_151 = arith.addi %scan3A_149, %scan3A_150 : i32
      %scan3A_152 = arith.constant 1 : i32
      %scan3A_153 = scf.for %scan3A_255 = %scan3A_149 to %scan3A_151 step %scan3A_152 iter_args(%scan3A_256 = %scan3A_148) -> (i32)  : i32 {
        %mul3A_257 = arith.constant 16 : i32
        %mul3A_258 = arith.muli %mul3A_257, %scan3A_255 : i32
        %get3A = arith.index_cast %mul3A_258 : i32 to index
        %get3A_259 = tpu.vector_load %arg11[%get3A] {strides = array<i32>} : memref<1568xi32, #tpu.memory_space<vmem>>, vector<16xi32>,
        %ge3A = vector.broadcast %mul3A_135 : i32 to vector<16xi32>
        %ge3A_260 = arith.cmpi sge, %get3A_259, %ge3A : vector<16xi32>
        %lt3A = vector.broadcast %add3A_137 : i32 to vector<16xi32>
        %lt3A_261 = arith.cmpi slt, %get3A_259, %lt3A : vector<16xi32>
        %and3A_262 = arith.andi %ge3A_260, %lt3A_261 : vector<16xi1>
        %mul3A_263 = arith.constant 16 : i32
        %mul3A_264 = arith.muli %mul3A_263, %scan3A_255 : i32
        %add3A_265 = arith.addi %add3A_142, %mul3A_264 : i32
        %add3A_266 = vector.broadcast %add3A_265 : i32 to vector<16xi32>
        %add3A_267 = arith.addi %add3A_266, %iota3A : vector<16xi32>
        %convert_element_type3A = arith.extui %and3A_262 : vector<16xi1> to vector<16xi32>
        %broadcast_in_dim3A_268 = arith.constant true
        %broadcast_in_dim3A_269 = vector.broadcast %broadcast_in_dim3A_268 : i1 to vector<16xi1>
        %masked_cumsum3A = tpu.scan <sum>, %convert_element_type3A masked %broadcast_in_dim3A_269 : vector<16xi32>, vector<16xi1> -> vector<16xi32>
        %add3A_270 = vector.broadcast %scan3A_256 : i32 to vector<16xi32>
        %add3A_271 = arith.addi %add3A_270, %masked_cumsum3A : vector<16xi32>
        %sub3A_272 = arith.constant 1 : i32
        %sub3A_273 = vector.broadcast %sub3A_272 : i32 to vector<16xi32>
        %sub3A_274 = arith.subi %add3A_271, %sub3A_273 : vector<16xi32>
        tpu.vector_store_idx %arg12[%sub3A_274], %add3A_267 masked %and3A_262 : memref<1648xi32, #tpu.memory_space<vmem>>[vector<16xi32>], vector<16xi32>, vector<16xi1>
        %sub3A_275 = vector.broadcast %mul3A_135 : i32 to vector<16xi32>
        %sub3A_276 = arith.subi %get3A_259, %sub3A_275 : vector<16xi32>
        tpu.vector_store_idx %arg13[%sub3A_274], %sub3A_276 masked %and3A_262 : memref<1648xi32, #tpu.memory_space<vmem>>[vector<16xi32>], vector<16xi32>, vector<16xi1>
        %reduce_sum3A = arith.constant true
        %reduce_sum3A_277 = vector.broadcast %reduce_sum3A : i1 to vector<16xi1>
        %reduce_sum3A_278 = tpu.scan <sum>, %convert_element_type3A masked %reduce_sum3A_277 : vector<16xi32>, vector<16xi1> -> vector<16xi32>
        %reduce_sum3A_279 = vector.extract %reduce_sum3A_278[15] : i32 from vector<16xi32>
        %add3A_280 = arith.addi %scan3A_256, %reduce_sum3A_279 : i32
        scf.yield %add3A_280 : i32
      }
      %scan3A_154 = arith.constant 98 : i32
      %broadcast_in_dim3A = arith.constant 0 : i32
      %broadcast_in_dim3A_155 = vector.broadcast %broadcast_in_dim3A : i32 to vector<16xi32>
      %add3A_156 = vector.broadcast %add3A_145 : i32 to vector<16xi32>
      %add3A_157 = arith.addi %broadcast_in_dim3A_155, %add3A_156 : vector<16xi32>
      %broadcast_in_dim3A_158 = arith.constant 0 : i32
      %broadcast_in_dim3A_159 = vector.broadcast %broadcast_in_dim3A_158 : i32 to vector<16xi32>
      %add3A_160 = vector.broadcast %add3A_147 : i32 to vector<16xi32>
      %add3A_161 = arith.addi %broadcast_in_dim3A_159, %add3A_160 : vector<16xi32>
      %add3A_162 = arith.constant 0 : i32
      %add3A_163 = arith.addi %scan3A_153, %add3A_162 : i32
      %swap3A = arith.index_cast %add3A_163 : i32 to index
      %swap3A_164 = tpu.vector_load %arg12[%swap3A] {strides = array<i32>} : memref<1648xi32, #tpu.memory_space<vmem>>, vector<16xi32>,
      tpu.vector_store %arg12[%swap3A], %add3A_157 {strides = array<i32>} : memref<1648xi32, #tpu.memory_space<vmem>>, vector<16xi32>,
      %add3A_165 = arith.constant 0 : i32
      %add3A_166 = arith.addi %scan3A_153, %add3A_165 : i32
      %swap3A_167 = arith.index_cast %add3A_166 : i32 to index
      %swap3A_168 = tpu.vector_load %arg13[%swap3A_167] {strides = array<i32>} : memref<1648xi32, #tpu.memory_space<vmem>>, vector<16xi32>,
      tpu.vector_store %arg13[%swap3A_167], %add3A_161 {strides = array<i32>} : memref<1648xi32, #tpu.memory_space<vmem>>, vector<16xi32>,
      %add3A_169 = arith.constant 16 : i32
      %add3A_170 = arith.addi %scan3A_153, %add3A_169 : i32
      %swap3A_171 = arith.index_cast %add3A_170 : i32 to index
      %swap3A_172 = tpu.vector_load %arg12[%swap3A_171] {strides = array<i32>} : memref<1648xi32, #tpu.memory_space<vmem>>, vector<16xi32>,
      tpu.vector_store %arg12[%swap3A_171], %add3A_157 {strides = array<i32>} : memref<1648xi32, #tpu.memory_space<vmem>>, vector<16xi32>,
      %add3A_173 = arith.constant 16 : i32
      %add3A_174 = arith.addi %scan3A_153, %add3A_173 : i32
      %swap3A_175 = arith.index_cast %add3A_174 : i32 to index
      %swap3A_176 = tpu.vector_load %arg13[%swap3A_175] {strides = array<i32>} : memref<1648xi32, #tpu.memory_space<vmem>>, vector<16xi32>,
      tpu.vector_store %arg13[%swap3A_175], %add3A_161 {strides = array<i32>} : memref<1648xi32, #tpu.memory_space<vmem>>, vector<16xi32>,
      %add3A_177 = arith.constant 32 : i32
      %add3A_178 = arith.addi %scan3A_153, %add3A_177 : i32
      %swap3A_179 = arith.index_cast %add3A_178 : i32 to index
      %swap3A_180 = tpu.vector_load %arg12[%swap3A_179] {strides = array<i32>} : memref<1648xi32, #tpu.memory_space<vmem>>, vector<16xi32>,
      tpu.vector_store %arg12[%swap3A_179], %add3A_157 {strides = array<i32>} : memref<1648xi32, #tpu.memory_space<vmem>>, vector<16xi32>,
      %add3A_181 = arith.constant 32 : i32
      %add3A_182 = arith.addi %scan3A_153, %add3A_181 : i32
      %swap3A_183 = arith.index_cast %add3A_182 : i32 to index
      %swap3A_184 = tpu.vector_load %arg13[%swap3A_183] {strides = array<i32>} : memref<1648xi32, #tpu.memory_space<vmem>>, vector<16xi32>,
      tpu.vector_store %arg13[%swap3A_183], %add3A_161 {strides = array<i32>} : memref<1648xi32, #tpu.memory_space<vmem>>, vector<16xi32>,
      %add3A_185 = arith.constant 48 : i32
      %add3A_186 = arith.addi %scan3A_153, %add3A_185 : i32
      %swap3A_187 = arith.index_cast %add3A_186 : i32 to index
      %swap3A_188 = tpu.vector_load %arg12[%swap3A_187] {strides = array<i32>} : memref<1648xi32, #tpu.memory_space<vmem>>, vector<16xi32>,
      tpu.vector_store %arg12[%swap3A_187], %add3A_157 {strides = array<i32>} : memref<1648xi32, #tpu.memory_space<vmem>>, vector<16xi32>,
      %add3A_189 = arith.constant 48 : i32
      %add3A_190 = arith.addi %scan3A_153, %add3A_189 : i32
      %swap3A_191 = arith.index_cast %add3A_190 : i32 to index
      %swap3A_192 = tpu.vector_load %arg13[%swap3A_191] {strides = array<i32>} : memref<1648xi32, #tpu.memory_space<vmem>>, vector<16xi32>,
      tpu.vector_store %arg13[%swap3A_191], %add3A_161 {strides = array<i32>} : memref<1648xi32, #tpu.memory_space<vmem>>, vector<16xi32>,
      %add3A_193 = arith.constant 64 : i32
      %add3A_194 = arith.addi %scan3A_153, %add3A_193 : i32
      %sub3A = arith.constant 1 : i32
      %sub3A_195 = arith.subi %add3A_194, %sub3A : i32
      %jit3A = arith.constant 64 : i32
      %div3A = arith.divsi %sub3A_195, %jit3A : i32
      %sign3A = arith.constant 0 : i32
      %sign3A_196 = arith.cmpi sgt, %sub3A_195, %sign3A : i32
      %sign3A_197 = arith.extui %sign3A_196 : i1 to i32
      %sign3A_198 = arith.constant 0 : i32
      %sign3A_199 = arith.cmpi slt, %sub3A_195, %sign3A_198 : i32
      %sign3A_200 = arith.extui %sign3A_199 : i1 to i32
      %sign3A_201 = arith.subi %sign3A_197, %sign3A_200 : i32
      %sign3A_202 = arith.constant 0 : i32
      %sign3A_203 = arith.cmpi sgt, %jit3A, %sign3A_202 : i32
      %sign3A_204 = arith.extui %sign3A_203 : i1 to i32
      %sign3A_205 = arith.constant 0 : i32
      %sign3A_206 = arith.cmpi slt, %jit3A, %sign3A_205 : i32
      %sign3A_207 = arith.extui %sign3A_206 : i1 to i32
      %sign3A_208 = arith.subi %sign3A_204, %sign3A_207 : i32
      %ne3A = arith.cmpi ne, %sign3A_201, %sign3A_208 : i32
      %rem3A = arith.remsi %sub3A_195, %jit3A : i32
      %ne3A_209 = arith.constant 0 : i32
      %ne3A_210 = arith.cmpi ne, %rem3A, %ne3A_209 : i32
      %and3A = arith.andi %ne3A, %ne3A_210 : i1
      %sub3A_211 = arith.constant 1 : i32
      %sub3A_212 = arith.subi %div3A, %sub3A_211 : i32
      %select_n3A = arith.select %and3A, %sub3A_212, %div3A : i32
      %while3A = arith.constant 0 : i32
      %while3A_213 = arith.constant 0 : i32
      %while3A_214 = arith.subi %select_n3A, %while3A : i32
      %while3A_215 = arith.addi %while3A, %while3A_214 : i32
      %while3A_216 = arith.constant 1 : i32
      %while3A_217 = arith.divsi %while3A_214, %while3A_216 : i32
      %while3A_218 = arith.muli %while3A_217, %while3A_216 : i32
      %while3A_219 = arith.addi %while3A, %while3A_218 : i32
      %while3A_220 = arith.constant 1 : i32
      %while3A_221 = scf.for %while3A_255 = %while3A to %while3A_219 step %while3A_220 iter_args(%while3A_256 = %while3A_213) -> (i32)  : i32 {
        %mul3A_257 = arith.constant 64 : i32
        %mul3A_258 = arith.muli %while3A_255, %mul3A_257 : i32
        %add3A_259 = arith.constant 0 : i32
        %add3A_260 = arith.addi %mul3A_258, %add3A_259 : i32
        %get3A = arith.index_cast %add3A_260 : i32 to index
        %get3A_261 = tpu.vector_load %arg12[%get3A] {strides = array<i32>} : memref<1648xi32, #tpu.memory_space<vmem>>, vector<16xi32>,
        %swap3A_262 = arith.constant 0 : i32
        %swap3A_263 = arith.index_cast %swap3A_262 : i32 to index
        %swap3A_264 = arith.constant 0 : index
        %swap3A_265 = tpu.vector_load %arg14[%swap3A_263, %swap3A_264] {strides = array<i32>} : memref<1x64xi32, #tpu.memory_space<vmem>>, vector<16xi32>,
        tpu.vector_store %arg14[%swap3A_263, %swap3A_264], %get3A_261 {strides = array<i32>} : memref<1x64xi32, #tpu.memory_space<vmem>>, vector<16xi32>,
        %mul3A_266 = arith.constant 64 : i32
        %mul3A_267 = arith.muli %while3A_255, %mul3A_266 : i32
        %add3A_268 = arith.constant 16 : i32
        %add3A_269 = arith.addi %mul3A_267, %add3A_268 : i32
        %get3A_270 = arith.index_cast %add3A_269 : i32 to index
        %get3A_271 = tpu.vector_load %arg12[%get3A_270] {strides = array<i32>} : memref<1648xi32, #tpu.memory_space<vmem>>, vector<16xi32>,
        %swap3A_272 = arith.constant 0 : i32
        %swap3A_273 = arith.index_cast %swap3A_272 : i32 to index
        %swap3A_274 = arith.constant 16 : index
        %swap3A_275 = tpu.vector_load %arg14[%swap3A_273, %swap3A_274] {strides = array<i32>} : memref<1x64xi32, #tpu.memory_space<vmem>>, vector<16xi32>,
        tpu.vector_store %arg14[%swap3A_273, %swap3A_274], %get3A_271 {strides = array<i32>} : memref<1x64xi32, #tpu.memory_space<vmem>>, vector<16xi32>,
        %mul3A_276 = arith.constant 64 : i32
        %mul3A_277 = arith.muli %while3A_255, %mul3A_276 : i32
        %add3A_278 = arith.constant 32 : i32
        %add3A_279 = arith.addi %mul3A_277, %add3A_278 : i32
        %get3A_280 = arith.index_cast %add3A_279 : i32 to index
        %get3A_281 = tpu.vector_load %arg12[%get3A_280] {strides = array<i32>} : memref<1648xi32, #tpu.memory_space<vmem>>, vector<16xi32>,
        %swap3A_282 = arith.constant 0 : i32
        %swap3A_283 = arith.index_cast %swap3A_282 : i32 to index
        %swap3A_284 = arith.constant 32 : index
        %swap3A_285 = tpu.vector_load %arg14[%swap3A_283, %swap3A_284] {strides = array<i32>} : memref<1x64xi32, #tpu.memory_space<vmem>>, vector<16xi32>,
        tpu.vector_store %arg14[%swap3A_283, %swap3A_284], %get3A_281 {strides = array<i32>} : memref<1x64xi32, #tpu.memory_space<vmem>>, vector<16xi32>,
        %mul3A_286 = arith.constant 64 : i32
        %mul3A_287 = arith.muli %while3A_255, %mul3A_286 : i32
        %add3A_288 = arith.constant 48 : i32
        %add3A_289 = arith.addi %mul3A_287, %add3A_288 : i32
        %get3A_290 = arith.index_cast %add3A_289 : i32 to index
        %get3A_291 = tpu.vector_load %arg12[%get3A_290] {strides = array<i32>} : memref<1648xi32, #tpu.memory_space<vmem>>, vector<16xi32>,
        %swap3A_292 = arith.constant 0 : i32
        %swap3A_293 = arith.index_cast %swap3A_292 : i32 to index
        %swap3A_294 = arith.constant 48 : index
        %swap3A_295 = tpu.vector_load %arg14[%swap3A_293, %swap3A_294] {strides = array<i32>} : memref<1x64xi32, #tpu.memory_space<vmem>>, vector<16xi32>,
        tpu.vector_store %arg14[%swap3A_293, %swap3A_294], %get3A_291 {strides = array<i32>} : memref<1x64xi32, #tpu.memory_space<vmem>>, vector<16xi32>,
        %mul3A_296 = arith.constant 64 : i32
        %mul3A_297 = arith.muli %while3A_255, %mul3A_296 : i32
        %add3A_298 = arith.constant 0 : i32
        %add3A_299 = arith.addi %mul3A_297, %add3A_298 : i32
        %get3A_300 = arith.index_cast %add3A_299 : i32 to index
        %get3A_301 = tpu.vector_load %arg13[%get3A_300] {strides = array<i32>} : memref<1648xi32, #tpu.memory_space<vmem>>, vector<16xi32>,
        %swap3A_302 = arith.constant 0 : i32
        %swap3A_303 = arith.index_cast %swap3A_302 : i32 to index
        %swap3A_304 = arith.constant 0 : index
        %swap3A_305 = tpu.vector_load %arg15[%swap3A_303, %swap3A_304] {strides = array<i32>} : memref<1x64xi32, #tpu.memory_space<vmem>>, vector<16xi32>,
        tpu.vector_store %arg15[%swap3A_303, %swap3A_304], %get3A_301 {strides = array<i32>} : memref<1x64xi32, #tpu.memory_space<vmem>>, vector<16xi32>,
        %mul3A_306 = arith.constant 64 : i32
        %mul3A_307 = arith.muli %while3A_255, %mul3A_306 : i32
        %add3A_308 = arith.constant 16 : i32
        %add3A_309 = arith.addi %mul3A_307, %add3A_308 : i32
        %get3A_310 = arith.index_cast %add3A_309 : i32 to index
        %get3A_311 = tpu.vector_load %arg13[%get3A_310] {strides = array<i32>} : memref<1648xi32, #tpu.memory_space<vmem>>, vector<16xi32>,
        %swap3A_312 = arith.constant 0 : i32
        %swap3A_313 = arith.index_cast %swap3A_312 : i32 to index
        %swap3A_314 = arith.constant 16 : index
        %swap3A_315 = tpu.vector_load %arg15[%swap3A_313, %swap3A_314] {strides = array<i32>} : memref<1x64xi32, #tpu.memory_space<vmem>>, vector<16xi32>,
        tpu.vector_store %arg15[%swap3A_313, %swap3A_314], %get3A_311 {strides = array<i32>} : memref<1x64xi32, #tpu.memory_space<vmem>>, vector<16xi32>,
        %mul3A_316 = arith.constant 64 : i32
        %mul3A_317 = arith.muli %while3A_255, %mul3A_316 : i32
        %add3A_318 = arith.constant 32 : i32
        %add3A_319 = arith.addi %mul3A_317, %add3A_318 : i32
        %get3A_320 = arith.index_cast %add3A_319 : i32 to index
        %get3A_321 = tpu.vector_load %arg13[%get3A_320] {strides = array<i32>} : memref<1648xi32, #tpu.memory_space<vmem>>, vector<16xi32>,
        %swap3A_322 = arith.constant 0 : i32
        %swap3A_323 = arith.index_cast %swap3A_322 : i32 to index
        %swap3A_324 = arith.constant 32 : index
        %swap3A_325 = tpu.vector_load %arg15[%swap3A_323, %swap3A_324] {strides = array<i32>} : memref<1x64xi32, #tpu.memory_space<vmem>>, vector<16xi32>,
        tpu.vector_store %arg15[%swap3A_323, %swap3A_324], %get3A_321 {strides = array<i32>} : memref<1x64xi32, #tpu.memory_space<vmem>>, vector<16xi32>,
        %mul3A_326 = arith.constant 64 : i32
        %mul3A_327 = arith.muli %while3A_255, %mul3A_326 : i32
        %add3A_328 = arith.constant 48 : i32
        %add3A_329 = arith.addi %mul3A_327, %add3A_328 : i32
        %get3A_330 = arith.index_cast %add3A_329 : i32 to index
        %get3A_331 = tpu.vector_load %arg13[%get3A_330] {strides = array<i32>} : memref<1648xi32, #tpu.memory_space<vmem>>, vector<16xi32>,
        %swap3A_332 = arith.constant 0 : i32
        %swap3A_333 = arith.index_cast %swap3A_332 : i32 to index
        %swap3A_334 = arith.constant 48 : index
        %swap3A_335 = tpu.vector_load %arg15[%swap3A_333, %swap3A_334] {strides = array<i32>} : memref<1x64xi32, #tpu.memory_space<vmem>>, vector<16xi32>,
        tpu.vector_store %arg15[%swap3A_333, %swap3A_334], %get3A_331 {strides = array<i32>} : memref<1x64xi32, #tpu.memory_space<vmem>>, vector<16xi32>,
        %run_scoped3A = arith.constant 0 : i32
        "tpu.region"() ({
          %run_scoped3A_338 = tpu.sem_alloc : memref<!tpu.dma_semaphore, #tpu.memory_space<semaphore_mem>>
          %dma_start3A = arith.constant 0 : i32
          %dma_start3A_339 = tpu.memref_slice %arg14[%run_scoped3A, %dma_start3A] : memref<1x64xi32, #tpu.memory_space<vmem>> -> memref<1x64xi32, #tpu.memory_space<vmem>>
          %dma_start3A_340 = tpu.memref_squeeze %dma_start3A_339 : memref<1x64xi32, #tpu.memory_space<vmem>> -> memref<64xi32, #tpu.memory_space<vmem>>
          %dma_start3A_341 = arith.constant 0 : i32
          %dma_start3A_342 = arith.constant 0 : i32
          %dma_start3A_343 = tpu.memref_slice %arg2[%dma_start3A_341, %dma_start3A_342] : memref<50000x64xf32, #tpu.memory_space<hbm>> -> memref<50000x64xf32, #tpu.memory_space<hbm>>
          tpu.enqueue_indirect_dma source(%dma_start3A_343 : memref<50000x64xf32, #tpu.memory_space<hbm>>) target(%arg17 : memref<64x64xf32, #tpu.memory_space<vmem>>) offsets(%dma_start3A_340 : memref<64xi32, #tpu.memory_space<vmem>>) semaphore(%run_scoped3A_338 : memref<!tpu.dma_semaphore, #tpu.memory_space<semaphore_mem>>)
          %dma_wait3A = arith.constant 0 : i32
          %dma_wait3A_344 = tpu.memref_slice %arg14[%run_scoped3A, %dma_wait3A] : memref<1x64xi32, #tpu.memory_space<vmem>> -> memref<1x64xi32, #tpu.memory_space<vmem>>
          %dma_wait3A_345 = tpu.memref_squeeze %dma_wait3A_344 : memref<1x64xi32, #tpu.memory_space<vmem>> -> memref<64xi32, #tpu.memory_space<vmem>>
          %dma_wait3A_346 = arith.constant 0 : i32
          %dma_wait3A_347 = arith.constant 0 : i32
          %dma_wait3A_348 = tpu.memref_slice %arg2[%dma_wait3A_346, %dma_wait3A_347] : memref<50000x64xf32, #tpu.memory_space<hbm>> -> memref<50000x64xf32, #tpu.memory_space<hbm>>
          tpu.wait_indirect_dma semaphore(%run_scoped3A_338 : memref<!tpu.dma_semaphore, #tpu.memory_space<semaphore_mem>>) src(%dma_wait3A_348 : memref<50000x64xf32, #tpu.memory_space<hbm>>) dst(%arg17 : memref<64x64xf32, #tpu.memory_space<vmem>>)
          tpu.yield
        }) : () -> ()
        %run_scoped3A_336 = arith.constant 0 : i32
        "tpu.region"() ({
          %run_scoped3A_338 = tpu.sem_alloc : memref<!tpu.dma_semaphore, #tpu.memory_space<semaphore_mem>>
          %dma_start3A = arith.constant 0 : i32
          %dma_start3A_339 = tpu.memref_slice %arg15[%run_scoped3A_336, %dma_start3A] : memref<1x64xi32, #tpu.memory_space<vmem>> -> memref<1x64xi32, #tpu.memory_space<vmem>>
          %dma_start3A_340 = tpu.memref_squeeze %dma_start3A_339 : memref<1x64xi32, #tpu.memory_space<vmem>> -> memref<64xi32, #tpu.memory_space<vmem>>
          %dma_start3A_341 = arith.constant 0 : i32
          %dma_start3A_342 = arith.constant 0 : i32
          %dma_start3A_343 = tpu.memref_slice %arg7[%dma_start3A_341, %dma_start3A_342] : memref<26800x64xf32, #tpu.memory_space<vmem_shared>> -> memref<26800x64xf32, #tpu.memory_space<vmem_shared>>
          tpu.enqueue_indirect_dma source(%arg17 : memref<64x64xf32, #tpu.memory_space<vmem>>) target(%dma_start3A_343 : memref<26800x64xf32, #tpu.memory_space<vmem_shared>>) offsets(%dma_start3A_340 : memref<64xi32, #tpu.memory_space<vmem>>) semaphore(%run_scoped3A_338 : memref<!tpu.dma_semaphore, #tpu.memory_space<semaphore_mem>>) {add = true}
          %dma_wait3A = arith.constant 0 : i32
          %dma_wait3A_344 = tpu.memref_slice %arg15[%run_scoped3A_336, %dma_wait3A] : memref<1x64xi32, #tpu.memory_space<vmem>> -> memref<1x64xi32, #tpu.memory_space<vmem>>
          %dma_wait3A_345 = tpu.memref_squeeze %dma_wait3A_344 : memref<1x64xi32, #tpu.memory_space<vmem>> -> memref<64xi32, #tpu.memory_space<vmem>>
          %dma_wait3A_346 = arith.constant 0 : i32
          %dma_wait3A_347 = arith.constant 0 : i32
          %dma_wait3A_348 = tpu.memref_slice %arg7[%dma_wait3A_346, %dma_wait3A_347] : memref<26800x64xf32, #tpu.memory_space<vmem_shared>> -> memref<26800x64xf32, #tpu.memory_space<vmem_shared>>
          tpu.wait_indirect_dma semaphore(%run_scoped3A_338 : memref<!tpu.dma_semaphore, #tpu.memory_space<semaphore_mem>>) src(%arg17 : memref<64x64xf32, #tpu.memory_space<vmem>>) dst(%dma_wait3A_348 : memref<26800x64xf32, #tpu.memory_space<vmem_shared>>)
          tpu.yield
        }) : () -> ()
        %while3A_337 = arith.constant 0 : i32
        scf.yield %while3A_337 : i32
      }
      %while3A_222 = arith.constant 1 : i32
      %while3A_223 = scf.for %while3A_255 = %while3A_219 to %while3A_215 step %while3A_222 iter_args(%while3A_256 = %while3A_221) -> (i32)  : i32 {
        %mul3A_257 = arith.constant 64 : i32
        %mul3A_258 = arith.muli %while3A_255, %mul3A_257 : i32
        %add3A_259 = arith.constant 0 : i32
        %add3A_260 = arith.addi %mul3A_258, %add3A_259 : i32
        %get3A = arith.index_cast %add3A_260 : i32 to index
        %get3A_261 = tpu.vector_load %arg12[%get3A] {strides = array<i32>} : memref<1648xi32, #tpu.memory_space<vmem>>, vector<16xi32>,
        %swap3A_262 = arith.constant 0 : i32
        %swap3A_263 = arith.index_cast %swap3A_262 : i32 to index
        %swap3A_264 = arith.constant 0 : index
        %swap3A_265 = tpu.vector_load %arg14[%swap3A_263, %swap3A_264] {strides = array<i32>} : memref<1x64xi32, #tpu.memory_space<vmem>>, vector<16xi32>,
        tpu.vector_store %arg14[%swap3A_263, %swap3A_264], %get3A_261 {strides = array<i32>} : memref<1x64xi32, #tpu.memory_space<vmem>>, vector<16xi32>,
        %mul3A_266 = arith.constant 64 : i32
        %mul3A_267 = arith.muli %while3A_255, %mul3A_266 : i32
        %add3A_268 = arith.constant 16 : i32
        %add3A_269 = arith.addi %mul3A_267, %add3A_268 : i32
        %get3A_270 = arith.index_cast %add3A_269 : i32 to index
        %get3A_271 = tpu.vector_load %arg12[%get3A_270] {strides = array<i32>} : memref<1648xi32, #tpu.memory_space<vmem>>, vector<16xi32>,
        %swap3A_272 = arith.constant 0 : i32
        %swap3A_273 = arith.index_cast %swap3A_272 : i32 to index
        %swap3A_274 = arith.constant 16 : index
        %swap3A_275 = tpu.vector_load %arg14[%swap3A_273, %swap3A_274] {strides = array<i32>} : memref<1x64xi32, #tpu.memory_space<vmem>>, vector<16xi32>,
        tpu.vector_store %arg14[%swap3A_273, %swap3A_274], %get3A_271 {strides = array<i32>} : memref<1x64xi32, #tpu.memory_space<vmem>>, vector<16xi32>,
        %mul3A_276 = arith.constant 64 : i32
        %mul3A_277 = arith.muli %while3A_255, %mul3A_276 : i32
        %add3A_278 = arith.constant 32 : i32
        %add3A_279 = arith.addi %mul3A_277, %add3A_278 : i32
        %get3A_280 = arith.index_cast %add3A_279 : i32 to index
        %get3A_281 = tpu.vector_load %arg12[%get3A_280] {strides = array<i32>} : memref<1648xi32, #tpu.memory_space<vmem>>, vector<16xi32>,
        %swap3A_282 = arith.constant 0 : i32
        %swap3A_283 = arith.index_cast %swap3A_282 : i32 to index
        %swap3A_284 = arith.constant 32 : index
        %swap3A_285 = tpu.vector_load %arg14[%swap3A_283, %swap3A_284] {strides = array<i32>} : memref<1x64xi32, #tpu.memory_space<vmem>>, vector<16xi32>,
        tpu.vector_store %arg14[%swap3A_283, %swap3A_284], %get3A_281 {strides = array<i32>} : memref<1x64xi32, #tpu.memory_space<vmem>>, vector<16xi32>,
        %mul3A_286 = arith.constant 64 : i32
        %mul3A_287 = arith.muli %while3A_255, %mul3A_286 : i32
        %add3A_288 = arith.constant 48 : i32
        %add3A_289 = arith.addi %mul3A_287, %add3A_288 : i32
        %get3A_290 = arith.index_cast %add3A_289 : i32 to index
        %get3A_291 = tpu.vector_load %arg12[%get3A_290] {strides = array<i32>} : memref<1648xi32, #tpu.memory_space<vmem>>, vector<16xi32>,
        %swap3A_292 = arith.constant 0 : i32
        %swap3A_293 = arith.index_cast %swap3A_292 : i32 to index
        %swap3A_294 = arith.constant 48 : index
        %swap3A_295 = tpu.vector_load %arg14[%swap3A_293, %swap3A_294] {strides = array<i32>} : memref<1x64xi32, #tpu.memory_space<vmem>>, vector<16xi32>,
        tpu.vector_store %arg14[%swap3A_293, %swap3A_294], %get3A_291 {strides = array<i32>} : memref<1x64xi32, #tpu.memory_space<vmem>>, vector<16xi32>,
        %mul3A_296 = arith.constant 64 : i32
        %mul3A_297 = arith.muli %while3A_255, %mul3A_296 : i32
        %add3A_298 = arith.constant 0 : i32
        %add3A_299 = arith.addi %mul3A_297, %add3A_298 : i32
        %get3A_300 = arith.index_cast %add3A_299 : i32 to index
        %get3A_301 = tpu.vector_load %arg13[%get3A_300] {strides = array<i32>} : memref<1648xi32, #tpu.memory_space<vmem>>, vector<16xi32>,
        %swap3A_302 = arith.constant 0 : i32
        %swap3A_303 = arith.index_cast %swap3A_302 : i32 to index
        %swap3A_304 = arith.constant 0 : index
        %swap3A_305 = tpu.vector_load %arg15[%swap3A_303, %swap3A_304] {strides = array<i32>} : memref<1x64xi32, #tpu.memory_space<vmem>>, vector<16xi32>,
        tpu.vector_store %arg15[%swap3A_303, %swap3A_304], %get3A_301 {strides = array<i32>} : memref<1x64xi32, #tpu.memory_space<vmem>>, vector<16xi32>,
        %mul3A_306 = arith.constant 64 : i32
        %mul3A_307 = arith.muli %while3A_255, %mul3A_306 : i32
        %add3A_308 = arith.constant 16 : i32
        %add3A_309 = arith.addi %mul3A_307, %add3A_308 : i32
        %get3A_310 = arith.index_cast %add3A_309 : i32 to index
        %get3A_311 = tpu.vector_load %arg13[%get3A_310] {strides = array<i32>} : memref<1648xi32, #tpu.memory_space<vmem>>, vector<16xi32>,
        %swap3A_312 = arith.constant 0 : i32
        %swap3A_313 = arith.index_cast %swap3A_312 : i32 to index
        %swap3A_314 = arith.constant 16 : index
        %swap3A_315 = tpu.vector_load %arg15[%swap3A_313, %swap3A_314] {strides = array<i32>} : memref<1x64xi32, #tpu.memory_space<vmem>>, vector<16xi32>,
        tpu.vector_store %arg15[%swap3A_313, %swap3A_314], %get3A_311 {strides = array<i32>} : memref<1x64xi32, #tpu.memory_space<vmem>>, vector<16xi32>,
        %mul3A_316 = arith.constant 64 : i32
        %mul3A_317 = arith.muli %while3A_255, %mul3A_316 : i32
        %add3A_318 = arith.constant 32 : i32
        %add3A_319 = arith.addi %mul3A_317, %add3A_318 : i32
        %get3A_320 = arith.index_cast %add3A_319 : i32 to index
        %get3A_321 = tpu.vector_load %arg13[%get3A_320] {strides = array<i32>} : memref<1648xi32, #tpu.memory_space<vmem>>, vector<16xi32>,
        %swap3A_322 = arith.constant 0 : i32
        %swap3A_323 = arith.index_cast %swap3A_322 : i32 to index
        %swap3A_324 = arith.constant 32 : index
        %swap3A_325 = tpu.vector_load %arg15[%swap3A_323, %swap3A_324] {strides = array<i32>} : memref<1x64xi32, #tpu.memory_space<vmem>>, vector<16xi32>,
        tpu.vector_store %arg15[%swap3A_323, %swap3A_324], %get3A_321 {strides = array<i32>} : memref<1x64xi32, #tpu.memory_space<vmem>>, vector<16xi32>,
        %mul3A_326 = arith.constant 64 : i32
        %mul3A_327 = arith.muli %while3A_255, %mul3A_326 : i32
        %add3A_328 = arith.constant 48 : i32
        %add3A_329 = arith.addi %mul3A_327, %add3A_328 : i32
        %get3A_330 = arith.index_cast %add3A_329 : i32 to index
        %get3A_331 = tpu.vector_load %arg13[%get3A_330] {strides = array<i32>} : memref<1648xi32, #tpu.memory_space<vmem>>, vector<16xi32>,
        %swap3A_332 = arith.constant 0 : i32
        %swap3A_333 = arith.index_cast %swap3A_332 : i32 to index
        %swap3A_334 = arith.constant 48 : index
        %swap3A_335 = tpu.vector_load %arg15[%swap3A_333, %swap3A_334] {strides = array<i32>} : memref<1x64xi32, #tpu.memory_space<vmem>>, vector<16xi32>,
        tpu.vector_store %arg15[%swap3A_333, %swap3A_334], %get3A_331 {strides = array<i32>} : memref<1x64xi32, #tpu.memory_space<vmem>>, vector<16xi32>,
        %run_scoped3A = arith.constant 0 : i32
        "tpu.region"() ({
          %run_scoped3A_338 = tpu.sem_alloc : memref<!tpu.dma_semaphore, #tpu.memory_space<semaphore_mem>>
          %dma_start3A = arith.constant 0 : i32
          %dma_start3A_339 = tpu.memref_slice %arg14[%run_scoped3A, %dma_start3A] : memref<1x64xi32, #tpu.memory_space<vmem>> -> memref<1x64xi32, #tpu.memory_space<vmem>>
          %dma_start3A_340 = tpu.memref_squeeze %dma_start3A_339 : memref<1x64xi32, #tpu.memory_space<vmem>> -> memref<64xi32, #tpu.memory_space<vmem>>
          %dma_start3A_341 = arith.constant 0 : i32
          %dma_start3A_342 = arith.constant 0 : i32
          %dma_start3A_343 = tpu.memref_slice %arg2[%dma_start3A_341, %dma_start3A_342] : memref<50000x64xf32, #tpu.memory_space<hbm>> -> memref<50000x64xf32, #tpu.memory_space<hbm>>
          tpu.enqueue_indirect_dma source(%dma_start3A_343 : memref<50000x64xf32, #tpu.memory_space<hbm>>) target(%arg17 : memref<64x64xf32, #tpu.memory_space<vmem>>) offsets(%dma_start3A_340 : memref<64xi32, #tpu.memory_space<vmem>>) semaphore(%run_scoped3A_338 : memref<!tpu.dma_semaphore, #tpu.memory_space<semaphore_mem>>)
          %dma_wait3A = arith.constant 0 : i32
          %dma_wait3A_344 = tpu.memref_slice %arg14[%run_scoped3A, %dma_wait3A] : memref<1x64xi32, #tpu.memory_space<vmem>> -> memref<1x64xi32, #tpu.memory_space<vmem>>
          %dma_wait3A_345 = tpu.memref_squeeze %dma_wait3A_344 : memref<1x64xi32, #tpu.memory_space<vmem>> -> memref<64xi32, #tpu.memory_space<vmem>>
          %dma_wait3A_346 = arith.constant 0 : i32
          %dma_wait3A_347 = arith.constant 0 : i32
          %dma_wait3A_348 = tpu.memref_slice %arg2[%dma_wait3A_346, %dma_wait3A_347] : memref<50000x64xf32, #tpu.memory_space<hbm>> -> memref<50000x64xf32, #tpu.memory_space<hbm>>
          tpu.wait_indirect_dma semaphore(%run_scoped3A_338 : memref<!tpu.dma_semaphore, #tpu.memory_space<semaphore_mem>>) src(%dma_wait3A_348 : memref<50000x64xf32, #tpu.memory_space<hbm>>) dst(%arg17 : memref<64x64xf32, #tpu.memory_space<vmem>>)
          tpu.yield
        }) : () -> ()
        %run_scoped3A_336 = arith.constant 0 : i32
        "tpu.region"() ({
          %run_scoped3A_338 = tpu.sem_alloc : memref<!tpu.dma_semaphore, #tpu.memory_space<semaphore_mem>>
          %dma_start3A = arith.constant 0 : i32
          %dma_start3A_339 = tpu.memref_slice %arg15[%run_scoped3A_336, %dma_start3A] : memref<1x64xi32, #tpu.memory_space<vmem>> -> memref<1x64xi32, #tpu.memory_space<vmem>>
          %dma_start3A_340 = tpu.memref_squeeze %dma_start3A_339 : memref<1x64xi32, #tpu.memory_space<vmem>> -> memref<64xi32, #tpu.memory_space<vmem>>
          %dma_start3A_341 = arith.constant 0 : i32
          %dma_start3A_342 = arith.constant 0 : i32
          %dma_start3A_343 = tpu.memref_slice %arg7[%dma_start3A_341, %dma_start3A_342] : memref<26800x64xf32, #tpu.memory_space<vmem_shared>> -> memref<26800x64xf32, #tpu.memory_space<vmem_shared>>
          tpu.enqueue_indirect_dma source(%arg17 : memref<64x64xf32, #tpu.memory_space<vmem>>) target(%dma_start3A_343 : memref<26800x64xf32, #tpu.memory_space<vmem_shared>>) offsets(%dma_start3A_340 : memref<64xi32, #tpu.memory_space<vmem>>) semaphore(%run_scoped3A_338 : memref<!tpu.dma_semaphore, #tpu.memory_space<semaphore_mem>>) {add = true}
          %dma_wait3A = arith.constant 0 : i32
          %dma_wait3A_344 = tpu.memref_slice %arg15[%run_scoped3A_336, %dma_wait3A] : memref<1x64xi32, #tpu.memory_space<vmem>> -> memref<1x64xi32, #tpu.memory_space<vmem>>
          %dma_wait3A_345 = tpu.memref_squeeze %dma_wait3A_344 : memref<1x64xi32, #tpu.memory_space<vmem>> -> memref<64xi32, #tpu.memory_space<vmem>>
          %dma_wait3A_346 = arith.constant 0 : i32
          %dma_wait3A_347 = arith.constant 0 : i32
          %dma_wait3A_348 = tpu.memref_slice %arg7[%dma_wait3A_346, %dma_wait3A_347] : memref<26800x64xf32, #tpu.memory_space<vmem_shared>> -> memref<26800x64xf32, #tpu.memory_space<vmem_shared>>
          tpu.wait_indirect_dma semaphore(%run_scoped3A_338 : memref<!tpu.dma_semaphore, #tpu.memory_space<semaphore_mem>>) src(%arg17 : memref<64x64xf32, #tpu.memory_space<vmem>>) dst(%dma_wait3A_348 : memref<26800x64xf32, #tpu.memory_space<vmem_shared>>)
          tpu.yield
        }) : () -> ()
        %while3A_337 = arith.constant 0 : i32
        scf.yield %while3A_337 : i32
      }
      %barrier3A_224 = arith.constant 0 : index
      tpu.barrier barrier_id(%barrier3A_224)
      %mul3A_225 = arith.constant 1674 : i32
      %mul3A_226 = arith.muli %arg1, %mul3A_225 : i32
      %mul3A_227 = arith.constant 214272 : i32
      %mul3A_228 = arith.muli %arg0, %mul3A_227 : i32
      %add3A_229 = arith.addi %mul3A_228, %mul3A_135 : i32
      %mul3A_230 = arith.constant 1674 : i32
      %mul3A_231 = arith.muli %arg1, %mul3A_230 : i32
      %add3A_232 = arith.addi %add3A_229, %mul3A_231 : i32
      "tpu.region"() ({
        %run_scoped3A = tpu.sem_alloc : memref<!tpu.dma_semaphore, #tpu.memory_space<semaphore_mem>>
        %dma_start3A = arith.constant 0 : i32
        %dma_start3A_255 = tpu.memref_slice %arg6[%add3A_232, %dma_start3A] : memref<428544x64xf32, #tpu.memory_space<hbm>> -> memref<1674x64xf32, #tpu.memory_space<hbm>>
        %dma_start3A_256 = arith.constant 0 : i32
        %dma_start3A_257 = tpu.memref_slice %arg7[%mul3A_226, %dma_start3A_256] : memref<26800x64xf32, #tpu.memory_space<vmem_shared>> -> memref<1674x64xf32, #tpu.memory_space<vmem_shared>>
        tpu.enqueue_dma source(%dma_start3A_257 : memref<1674x64xf32, #tpu.memory_space<vmem_shared>>) target(%dma_start3A_255 : memref<1674x64xf32, #tpu.memory_space<hbm>>) target_semaphore(%run_scoped3A : memref<!tpu.dma_semaphore, #tpu.memory_space<semaphore_mem>>)
        %dma_wait3A = arith.constant 0 : i32
        %dma_wait3A_258 = tpu.memref_slice %arg6[%add3A_232, %dma_wait3A] : memref<428544x64xf32, #tpu.memory_space<hbm>> -> memref<1674x64xf32, #tpu.memory_space<hbm>>
        %dma_wait3A_259 = arith.constant 0 : i32
        %dma_wait3A_260 = tpu.memref_slice %arg7[%mul3A_226, %dma_wait3A_259] : memref<26800x64xf32, #tpu.memory_space<vmem_shared>> -> memref<1674x64xf32, #tpu.memory_space<vmem_shared>>
        tpu.wait_dma2 semaphore(%run_scoped3A : memref<!tpu.dma_semaphore, #tpu.memory_space<semaphore_mem>>) src(%dma_wait3A_260 : memref<1674x64xf32, #tpu.memory_space<vmem_shared>>) dst(%dma_wait3A_258 : memref<1674x64xf32, #tpu.memory_space<hbm>>)
        tpu.yield
      }) : () -> ()
      %barrier3A_233 = arith.constant 0 : index
      tpu.barrier barrier_id(%barrier3A_233)
      %scan3A_234 = arith.constant 0 : i32
      %scan3A_235 = arith.constant 0 : i32
      %scan3A_236 = arith.constant 64 : i32
      %scan3A_237 = arith.addi %scan3A_235, %scan3A_236 : i32
      %scan3A_238 = arith.constant 1 : i32
      %scan3A_239 = scf.for %scan3A_255 = %scan3A_235 to %scan3A_237 step %scan3A_238 iter_args(%scan3A_256 = %scan3A_234) -> (i32)  : i32 {
        %broadcast_in_dim3A_257 = arith.constant 0.000000e+00 : f32
        %broadcast_in_dim3A_258 = vector.broadcast %broadcast_in_dim3A_257 : f32 to vector<16xf32>
        %swap3A_259 = arith.index_cast %scan3A_255 : i32 to index
        %swap3A_260 = arith.constant 0 : index
        %swap3A_261 = tpu.vector_load %arg16[%swap3A_259, %swap3A_260] {strides = array<i32>} : memref<64x64xf32, #tpu.memory_space<vmem>>, vector<16xf32>,
        tpu.vector_store %arg16[%swap3A_259, %swap3A_260], %broadcast_in_dim3A_258 {strides = array<i32>} : memref<64x64xf32, #tpu.memory_space<vmem>>, vector<16xf32>,
        %broadcast_in_dim3A_262 = arith.constant 0.000000e+00 : f32
        %broadcast_in_dim3A_263 = vector.broadcast %broadcast_in_dim3A_262 : f32 to vector<16xf32>
        %swap3A_264 = arith.index_cast %scan3A_255 : i32 to index
        %swap3A_265 = arith.constant 16 : index
        %swap3A_266 = tpu.vector_load %arg16[%swap3A_264, %swap3A_265] {strides = array<i32>} : memref<64x64xf32, #tpu.memory_space<vmem>>, vector<16xf32>,
        tpu.vector_store %arg16[%swap3A_264, %swap3A_265], %broadcast_in_dim3A_263 {strides = array<i32>} : memref<64x64xf32, #tpu.memory_space<vmem>>, vector<16xf32>,
        %broadcast_in_dim3A_267 = arith.constant 0.000000e+00 : f32
        %broadcast_in_dim3A_268 = vector.broadcast %broadcast_in_dim3A_267 : f32 to vector<16xf32>
        %swap3A_269 = arith.index_cast %scan3A_255 : i32 to index
        %swap3A_270 = arith.constant 32 : index
        %swap3A_271 = tpu.vector_load %arg16[%swap3A_269, %swap3A_270] {strides = array<i32>} : memref<64x64xf32, #tpu.memory_space<vmem>>, vector<16xf32>,
        tpu.vector_store %arg16[%swap3A_269, %swap3A_270], %broadcast_in_dim3A_268 {strides = array<i32>} : memref<64x64xf32, #tpu.memory_space<vmem>>, vector<16xf32>,
        %broadcast_in_dim3A_272 = arith.constant 0.000000e+00 : f32
        %broadcast_in_dim3A_273 = vector.broadcast %broadcast_in_dim3A_272 : f32 to vector<16xf32>
        %swap3A_274 = arith.index_cast %scan3A_255 : i32 to index
        %swap3A_275 = arith.constant 48 : index
        %swap3A_276 = tpu.vector_load %arg16[%swap3A_274, %swap3A_275] {strides = array<i32>} : memref<64x64xf32, #tpu.memory_space<vmem>>, vector<16xf32>,
        tpu.vector_store %arg16[%swap3A_274, %swap3A_275], %broadcast_in_dim3A_273 {strides = array<i32>} : memref<64x64xf32, #tpu.memory_space<vmem>>, vector<16xf32>,
        %scan3A_277 = arith.constant 0 : i32
        scf.yield %scan3A_277 : i32
      }
      %scan3A_240 = arith.constant 64 : i32
      %while3A_241 = arith.constant 0 : i32
      %while3A_242 = arith.constant 0 : i32
      %while3A_243 = arith.subi %select_n3A, %while3A_241 : i32
      %while3A_244 = arith.addi %while3A_241, %while3A_243 : i32
      %while3A_245 = arith.constant 1 : i32
      %while3A_246 = arith.divsi %while3A_243, %while3A_245 : i32
      %while3A_247 = arith.muli %while3A_246, %while3A_245 : i32
      %while3A_248 = arith.addi %while3A_241, %while3A_247 : i32
      %while3A_249 = arith.constant 1 : i32
      %while3A_250 = scf.for %while3A_255 = %while3A_241 to %while3A_248 step %while3A_249 iter_args(%while3A_256 = %while3A_242) -> (i32)  : i32 {
        %mul3A_257 = arith.constant 64 : i32
        %mul3A_258 = arith.muli %while3A_255, %mul3A_257 : i32
        %add3A_259 = arith.constant 0 : i32
        %add3A_260 = arith.addi %mul3A_258, %add3A_259 : i32
        %get3A = arith.index_cast %add3A_260 : i32 to index
        %get3A_261 = tpu.vector_load %arg13[%get3A] {strides = array<i32>} : memref<1648xi32, #tpu.memory_space<vmem>>, vector<16xi32>,
        %swap3A_262 = arith.constant 0 : i32
        %swap3A_263 = arith.index_cast %swap3A_262 : i32 to index
        %swap3A_264 = arith.constant 0 : index
        %swap3A_265 = tpu.vector_load %arg15[%swap3A_263, %swap3A_264] {strides = array<i32>} : memref<1x64xi32, #tpu.memory_space<vmem>>, vector<16xi32>,
        tpu.vector_store %arg15[%swap3A_263, %swap3A_264], %get3A_261 {strides = array<i32>} : memref<1x64xi32, #tpu.memory_space<vmem>>, vector<16xi32>,
        %mul3A_266 = arith.constant 64 : i32
        %mul3A_267 = arith.muli %while3A_255, %mul3A_266 : i32
        %add3A_268 = arith.constant 16 : i32
        %add3A_269 = arith.addi %mul3A_267, %add3A_268 : i32
        %get3A_270 = arith.index_cast %add3A_269 : i32 to index
        %get3A_271 = tpu.vector_load %arg13[%get3A_270] {strides = array<i32>} : memref<1648xi32, #tpu.memory_space<vmem>>, vector<16xi32>,
        %swap3A_272 = arith.constant 0 : i32
        %swap3A_273 = arith.index_cast %swap3A_272 : i32 to index
        %swap3A_274 = arith.constant 16 : index
        %swap3A_275 = tpu.vector_load %arg15[%swap3A_273, %swap3A_274] {strides = array<i32>} : memref<1x64xi32, #tpu.memory_space<vmem>>, vector<16xi32>,
        tpu.vector_store %arg15[%swap3A_273, %swap3A_274], %get3A_271 {strides = array<i32>} : memref<1x64xi32, #tpu.memory_space<vmem>>, vector<16xi32>,
        %mul3A_276 = arith.constant 64 : i32
        %mul3A_277 = arith.muli %while3A_255, %mul3A_276 : i32
        %add3A_278 = arith.constant 32 : i32
        %add3A_279 = arith.addi %mul3A_277, %add3A_278 : i32
        %get3A_280 = arith.index_cast %add3A_279 : i32 to index
        %get3A_281 = tpu.vector_load %arg13[%get3A_280] {strides = array<i32>} : memref<1648xi32, #tpu.memory_space<vmem>>, vector<16xi32>,
        %swap3A_282 = arith.constant 0 : i32
        %swap3A_283 = arith.index_cast %swap3A_282 : i32 to index
        %swap3A_284 = arith.constant 32 : index
        %swap3A_285 = tpu.vector_load %arg15[%swap3A_283, %swap3A_284] {strides = array<i32>} : memref<1x64xi32, #tpu.memory_space<vmem>>, vector<16xi32>,
        tpu.vector_store %arg15[%swap3A_283, %swap3A_284], %get3A_281 {strides = array<i32>} : memref<1x64xi32, #tpu.memory_space<vmem>>, vector<16xi32>,
        %mul3A_286 = arith.constant 64 : i32
        %mul3A_287 = arith.muli %while3A_255, %mul3A_286 : i32
        %add3A_288 = arith.constant 48 : i32
        %add3A_289 = arith.addi %mul3A_287, %add3A_288 : i32
        %get3A_290 = arith.index_cast %add3A_289 : i32 to index
        %get3A_291 = tpu.vector_load %arg13[%get3A_290] {strides = array<i32>} : memref<1648xi32, #tpu.memory_space<vmem>>, vector<16xi32>,
        %swap3A_292 = arith.constant 0 : i32
        %swap3A_293 = arith.index_cast %swap3A_292 : i32 to index
        %swap3A_294 = arith.constant 48 : index
        %swap3A_295 = tpu.vector_load %arg15[%swap3A_293, %swap3A_294] {strides = array<i32>} : memref<1x64xi32, #tpu.memory_space<vmem>>, vector<16xi32>,
        tpu.vector_store %arg15[%swap3A_293, %swap3A_294], %get3A_291 {strides = array<i32>} : memref<1x64xi32, #tpu.memory_space<vmem>>, vector<16xi32>,
        %run_scoped3A = arith.constant 0 : i32
        "tpu.region"() ({
          %run_scoped3A_297 = tpu.sem_alloc : memref<!tpu.dma_semaphore, #tpu.memory_space<semaphore_mem>>
          %dma_start3A = arith.constant 0 : i32
          %dma_start3A_298 = tpu.memref_slice %arg15[%run_scoped3A, %dma_start3A] : memref<1x64xi32, #tpu.memory_space<vmem>> -> memref<1x64xi32, #tpu.memory_space<vmem>>
          %dma_start3A_299 = tpu.memref_squeeze %dma_start3A_298 : memref<1x64xi32, #tpu.memory_space<vmem>> -> memref<64xi32, #tpu.memory_space<vmem>>
          %dma_start3A_300 = arith.constant 0 : i32
          %dma_start3A_301 = arith.constant 0 : i32
          %dma_start3A_302 = tpu.memref_slice %arg7[%dma_start3A_300, %dma_start3A_301] : memref<26800x64xf32, #tpu.memory_space<vmem_shared>> -> memref<26800x64xf32, #tpu.memory_space<vmem_shared>>
          tpu.enqueue_indirect_dma source(%arg16 : memref<64x64xf32, #tpu.memory_space<vmem>>) target(%dma_start3A_302 : memref<26800x64xf32, #tpu.memory_space<vmem_shared>>) offsets(%dma_start3A_299 : memref<64xi32, #tpu.memory_space<vmem>>) semaphore(%run_scoped3A_297 : memref<!tpu.dma_semaphore, #tpu.memory_space<semaphore_mem>>)
          %dma_wait3A = arith.constant 0 : i32
          %dma_wait3A_303 = tpu.memref_slice %arg15[%run_scoped3A, %dma_wait3A] : memref<1x64xi32, #tpu.memory_space<vmem>> -> memref<1x64xi32, #tpu.memory_space<vmem>>
          %dma_wait3A_304 = tpu.memref_squeeze %dma_wait3A_303 : memref<1x64xi32, #tpu.memory_space<vmem>> -> memref<64xi32, #tpu.memory_space<vmem>>
          %dma_wait3A_305 = arith.constant 0 : i32
          %dma_wait3A_306 = arith.constant 0 : i32
          %dma_wait3A_307 = tpu.memref_slice %arg7[%dma_wait3A_305, %dma_wait3A_306] : memref<26800x64xf32, #tpu.memory_space<vmem_shared>> -> memref<26800x64xf32, #tpu.memory_space<vmem_shared>>
          tpu.wait_indirect_dma semaphore(%run_scoped3A_297 : memref<!tpu.dma_semaphore, #tpu.memory_space<semaphore_mem>>) src(%arg16 : memref<64x64xf32, #tpu.memory_space<vmem>>) dst(%dma_wait3A_307 : memref<26800x64xf32, #tpu.memory_space<vmem_shared>>)
          tpu.yield
        }) : () -> ()
        %while3A_296 = arith.constant 0 : i32
        scf.yield %while3A_296 : i32
      }
      %while3A_251 = arith.constant 1 : i32
      %while3A_252 = scf.for %while3A_255 = %while3A_248 to %while3A_244 step %while3A_251 iter_args(%while3A_256 = %while3A_250) -> (i32)  : i32 {
        %mul3A_257 = arith.constant 64 : i32
        %mul3A_258 = arith.muli %while3A_255, %mul3A_257 : i32
        %add3A_259 = arith.constant 0 : i32
        %add3A_260 = arith.addi %mul3A_258, %add3A_259 : i32
        %get3A = arith.index_cast %add3A_260 : i32 to index
        %get3A_261 = tpu.vector_load %arg13[%get3A] {strides = array<i32>} : memref<1648xi32, #tpu.memory_space<vmem>>, vector<16xi32>,
        %swap3A_262 = arith.constant 0 : i32
        %swap3A_263 = arith.index_cast %swap3A_262 : i32 to index
        %swap3A_264 = arith.constant 0 : index
        %swap3A_265 = tpu.vector_load %arg15[%swap3A_263, %swap3A_264] {strides = array<i32>} : memref<1x64xi32, #tpu.memory_space<vmem>>, vector<16xi32>,
        tpu.vector_store %arg15[%swap3A_263, %swap3A_264], %get3A_261 {strides = array<i32>} : memref<1x64xi32, #tpu.memory_space<vmem>>, vector<16xi32>,
        %mul3A_266 = arith.constant 64 : i32
        %mul3A_267 = arith.muli %while3A_255, %mul3A_266 : i32
        %add3A_268 = arith.constant 16 : i32
        %add3A_269 = arith.addi %mul3A_267, %add3A_268 : i32
        %get3A_270 = arith.index_cast %add3A_269 : i32 to index
        %get3A_271 = tpu.vector_load %arg13[%get3A_270] {strides = array<i32>} : memref<1648xi32, #tpu.memory_space<vmem>>, vector<16xi32>,
        %swap3A_272 = arith.constant 0 : i32
        %swap3A_273 = arith.index_cast %swap3A_272 : i32 to index
        %swap3A_274 = arith.constant 16 : index
        %swap3A_275 = tpu.vector_load %arg15[%swap3A_273, %swap3A_274] {strides = array<i32>} : memref<1x64xi32, #tpu.memory_space<vmem>>, vector<16xi32>,
        tpu.vector_store %arg15[%swap3A_273, %swap3A_274], %get3A_271 {strides = array<i32>} : memref<1x64xi32, #tpu.memory_space<vmem>>, vector<16xi32>,
        %mul3A_276 = arith.constant 64 : i32
        %mul3A_277 = arith.muli %while3A_255, %mul3A_276 : i32
        %add3A_278 = arith.constant 32 : i32
        %add3A_279 = arith.addi %mul3A_277, %add3A_278 : i32
        %get3A_280 = arith.index_cast %add3A_279 : i32 to index
        %get3A_281 = tpu.vector_load %arg13[%get3A_280] {strides = array<i32>} : memref<1648xi32, #tpu.memory_space<vmem>>, vector<16xi32>,
        %swap3A_282 = arith.constant 0 : i32
        %swap3A_283 = arith.index_cast %swap3A_282 : i32 to index
        %swap3A_284 = arith.constant 32 : index
        %swap3A_285 = tpu.vector_load %arg15[%swap3A_283, %swap3A_284] {strides = array<i32>} : memref<1x64xi32, #tpu.memory_space<vmem>>, vector<16xi32>,
        tpu.vector_store %arg15[%swap3A_283, %swap3A_284], %get3A_281 {strides = array<i32>} : memref<1x64xi32, #tpu.memory_space<vmem>>, vector<16xi32>,
        %mul3A_286 = arith.constant 64 : i32
        %mul3A_287 = arith.muli %while3A_255, %mul3A_286 : i32
        %add3A_288 = arith.constant 48 : i32
        %add3A_289 = arith.addi %mul3A_287, %add3A_288 : i32
        %get3A_290 = arith.index_cast %add3A_289 : i32 to index
        %get3A_291 = tpu.vector_load %arg13[%get3A_290] {strides = array<i32>} : memref<1648xi32, #tpu.memory_space<vmem>>, vector<16xi32>,
        %swap3A_292 = arith.constant 0 : i32
        %swap3A_293 = arith.index_cast %swap3A_292 : i32 to index
        %swap3A_294 = arith.constant 48 : index
        %swap3A_295 = tpu.vector_load %arg15[%swap3A_293, %swap3A_294] {strides = array<i32>} : memref<1x64xi32, #tpu.memory_space<vmem>>, vector<16xi32>,
        tpu.vector_store %arg15[%swap3A_293, %swap3A_294], %get3A_291 {strides = array<i32>} : memref<1x64xi32, #tpu.memory_space<vmem>>, vector<16xi32>,
        %run_scoped3A = arith.constant 0 : i32
        "tpu.region"() ({
          %run_scoped3A_297 = tpu.sem_alloc : memref<!tpu.dma_semaphore, #tpu.memory_space<semaphore_mem>>
          %dma_start3A = arith.constant 0 : i32
          %dma_start3A_298 = tpu.memref_slice %arg15[%run_scoped3A, %dma_start3A] : memref<1x64xi32, #tpu.memory_space<vmem>> -> memref<1x64xi32, #tpu.memory_space<vmem>>
          %dma_start3A_299 = tpu.memref_squeeze %dma_start3A_298 : memref<1x64xi32, #tpu.memory_space<vmem>> -> memref<64xi32, #tpu.memory_space<vmem>>
          %dma_start3A_300 = arith.constant 0 : i32
          %dma_start3A_301 = arith.constant 0 : i32
          %dma_start3A_302 = tpu.memref_slice %arg7[%dma_start3A_300, %dma_start3A_301] : memref<26800x64xf32, #tpu.memory_space<vmem_shared>> -> memref<26800x64xf32, #tpu.memory_space<vmem_shared>>
          tpu.enqueue_indirect_dma source(%arg16 : memref<64x64xf32, #tpu.memory_space<vmem>>) target(%dma_start3A_302 : memref<26800x64xf32, #tpu.memory_space<vmem_shared>>) offsets(%dma_start3A_299 : memref<64xi32, #tpu.memory_space<vmem>>) semaphore(%run_scoped3A_297 : memref<!tpu.dma_semaphore, #tpu.memory_space<semaphore_mem>>)
          %dma_wait3A = arith.constant 0 : i32
          %dma_wait3A_303 = tpu.memref_slice %arg15[%run_scoped3A, %dma_wait3A] : memref<1x64xi32, #tpu.memory_space<vmem>> -> memref<1x64xi32, #tpu.memory_space<vmem>>
          %dma_wait3A_304 = tpu.memref_squeeze %dma_wait3A_303 : memref<1x64xi32, #tpu.memory_space<vmem>> -> memref<64xi32, #tpu.memory_space<vmem>>
          %dma_wait3A_305 = arith.constant 0 : i32
          %dma_wait3A_306 = arith.constant 0 : i32
          %dma_wait3A_307 = tpu.memref_slice %arg7[%dma_wait3A_305, %dma_wait3A_306] : memref<26800x64xf32, #tpu.memory_space<vmem_shared>> -> memref<26800x64xf32, #tpu.memory_space<vmem_shared>>
          tpu.wait_indirect_dma semaphore(%run_scoped3A_297 : memref<!tpu.dma_semaphore, #tpu.memory_space<semaphore_mem>>) src(%arg16 : memref<64x64xf32, #tpu.memory_space<vmem>>) dst(%dma_wait3A_307 : memref<26800x64xf32, #tpu.memory_space<vmem_shared>>)
          tpu.yield
        }) : () -> ()
        %while3A_296 = arith.constant 0 : i32
        scf.yield %while3A_296 : i32
      }
      %barrier3A_253 = arith.constant 0 : index
      tpu.barrier barrier_id(%barrier3A_253)
      %scan3A_254 = arith.constant 0 : i32
      scf.yield %scan3A_254 : i32
    }
    %scan3A_131 = arith.constant 8 : i32
    return
  }
}

module attributes {stable_mosaic.version = 14 : i64} {
  func.func @_dyn_tc_body(%arg0: i32, %arg1: memref<5000x64xf32, #tpu.memory_space<vmem>>, %arg2: memref<3x64xf32, #tpu.memory_space<vmem>>, %arg3: memref<1x3xf32, #tpu.memory_space<vmem>>, %arg4: memref<5000x8xf32, #tpu.memory_space<vmem>>) attributes {dimension_semantics = [#tpu.dimension_semantics<arbitrary>], iteration_bounds = array<i64: 10>, scalar_prefetch = 0 : i64, scratch_operands = 0 : i64, tpu.core_type = #tpu.core_type<tc>, window_params = [{transform_indices = @transform_0, window_bounds = array<i64: 5000, 64>}, {pipeline_mode = #tpu.pipeline_mode<synchronous>, transform_indices = @transform_1, window_bounds = array<i64: 3, 64>}, {pipeline_mode = #tpu.pipeline_mode<synchronous>, transform_indices = @transform_2, window_bounds = array<i64: 1, 3>}, {transform_indices = @transform_3, window_bounds = array<i64: 5000, 8>}]} {
    %get3A = arith.constant 0 : index
    %get3A_0 = arith.constant 0 : index
    %get3A_1 = vector.load %arg1[%get3A, %get3A_0] : memref<5000x64xf32, #tpu.memory_space<vmem>>, vector<5000x64xf32>
    %get3A_2 = arith.constant 0 : index
    %get3A_3 = arith.constant 0 : index
    %get3A_4 = vector.load %arg2[%get3A_2, %get3A_3] : memref<3x64xf32, #tpu.memory_space<vmem>>, vector<3x64xf32>
    %dot_general3A = arith.constant dense<0.000000e+00> : vector<5000x3xf32>
    %dot_general3A_5 = tpu.matmul %get3A_1, %get3A_4, %dot_general3A {dimension_numbers = #tpu.dot_dimension_numbers<[1], [1], [0], [0], [0, 0, 1, 0], [], []>, transpose_lhs_hint = false} : vector<5000x64xf32>, vector<3x64xf32>, vector<5000x3xf32> -> vector<5000x3xf32>
    %get3A_6 = arith.constant 0 : index
    %get3A_7 = arith.constant 0 : index
    %get3A_8 = vector.load %arg3[%get3A_6, %get3A_7] : memref<1x3xf32, #tpu.memory_space<vmem>>, vector<1x3xf32>
    %add3A = vector.broadcast %get3A_8 : vector<1x3xf32> to vector<5000x3xf32>
    %add3A_9 = arith.addf %dot_general3A_5, %add3A : vector<5000x3xf32>
    %reduce_max3A = arith.constant dense<0xFF800000> : vector<5000xf32>
    %reduce_max3A_10 = vector.multi_reduction <maximumf>, %add3A_9, %reduce_max3A [1] : vector<5000x3xf32> to vector<5000xf32>
    %broadcast_in_dim3A = vector.shape_cast %reduce_max3A_10 : vector<5000xf32> to vector<5000x1xf32>
    %sub3A = vector.broadcast %broadcast_in_dim3A : vector<5000x1xf32> to vector<5000x3xf32>
    %sub3A_11 = arith.subf %add3A_9, %sub3A : vector<5000x3xf32>
    %exp3A = math.exp %sub3A_11 : vector<5000x3xf32>
    %reduce_sum3A = arith.constant dense<0.000000e+00> : vector<5000xf32>
    %reduce_sum3A_12 = vector.multi_reduction <add>, %exp3A, %reduce_sum3A [1] : vector<5000x3xf32> to vector<5000xf32>
    %broadcast_in_dim3A_13 = vector.shape_cast %reduce_sum3A_12 : vector<5000xf32> to vector<5000x1xf32>
    %div3A = vector.broadcast %broadcast_in_dim3A_13 : vector<5000x1xf32> to vector<5000x3xf32>
    %div3A_14 = arith.divf %exp3A, %div3A : vector<5000x3xf32>
    %jit3A = arith.constant 0 : i32
    %convert_element_type3A = arith.sitofp %jit3A : i32 to f32
    %pad3A = vector.broadcast %convert_element_type3A : f32 to vector<5000x5xf32>
    %pad3A_15 = tpu.concatenate %div3A_14, %pad3A in 1 : vector<5000x3xf32>, vector<5000x5xf32> -> vector<5000x8xf32>
    %swap3A = arith.constant 0 : index
    %swap3A_16 = arith.constant 0 : index
    %swap3A_17 = vector.load %arg4[%swap3A, %swap3A_16] : memref<5000x8xf32, #tpu.memory_space<vmem>>, vector<5000x8xf32>
    tpu.vector_store %arg4[%swap3A, %swap3A_16], %pad3A_15 {strides = array<i32>} : memref<5000x8xf32, #tpu.memory_space<vmem>>, vector<5000x8xf32>,
    return
  }
  func.func @transform_0(%arg0: i32) -> (i32, i32) {
    %c0_i32 = arith.constant 0 : i32
    %c0_i32_0 = arith.constant 0 : i32
    return %arg0, %c0_i32 : i32, i32
  }
  func.func @transform_1(%arg0: i32) -> (i32, i32) {
    %c0_i32 = arith.constant 0 : i32
    %c0_i32_0 = arith.constant 0 : i32
    %c0_i32_1 = arith.constant 0 : i32
    return %c0_i32, %c0_i32_0 : i32, i32
  }
  func.func @transform_2(%arg0: i32) -> (i32, i32) {
    %c0_i32 = arith.constant 0 : i32
    %c0_i32_0 = arith.constant 0 : i32
    %c0_i32_1 = arith.constant 0 : i32
    return %c0_i32, %c0_i32_0 : i32, i32
  }
  func.func @transform_3(%arg0: i32) -> (i32, i32) {
    %c0_i32 = arith.constant 0 : i32
    %c0_i32_0 = arith.constant 0 : i32
    return %arg0, %c0_i32 : i32, i32
  }
}

</mosaic_0001>

<sc_bundles>
// kernel: kernel.5.cloned.1.call-start
scs
__scs_entry_jumppad:
0x0: {  	(pc) =	sbr.rel $0x88, $3  }
0x1: {  	(tag) =	ssettag $0x0;
	lr =	simm.s32 $0x1  }
0x2: {  	[smem:$0x3F9C] =	sst lr;
	_ =	strace $0xD0000000  }
0x3: {  	_ = 	snop  }
0x4: {  	_ = 	snop  }
0x5: {  	_ = 	snop  }
0x6: {  	_ = 	snop  }
0x7: {  	_ = 	snop  }
__scs_overlays_trampoline_lowered:
0x8: {  	[smem:$0x3FAB] =	sst s0  }
0x9: {  	[smem:$0x3FAC] =	sst s1  }
0xa: {  	[smem:$0x3FAD] =	sst s2  }
0xb: {  	[smem:$0x3FAE] =	sst s3  }
0xc: {  	[smem:$0x3FAF] =	sst s4  }
0xd: {  	[smem:$0x3FB0] =	sst s5  }
0xe: {  	[smem:$0x3FB1] =	sst s6  }
0xf: {  	[smem:$0x3FB2] =	sst s7  }
0x10: {  	[smem:$0x3FB3] =	sst s8  }
0x11: {  	[smem:$0x3FB4] =	sst s9;
	s0 =	simm.s32 @!p0 $0x0  }
0x12: {  	s1 =	sld [smem:$0x3F9A];
	s0 =	simm.s32 @p0 $0x1  }
0x13: {  	[smem:$0x3FB5] =	sst s0;
	s0 =	simm.s32 @!p1 $0x0  }
0x14: {  	s2 =	sld [smem:$0x3F99];
	s0 =	simm.s32 @p1 $0x1  }
0x15: {  	[smem:$0x3FB6] =	sst s0;
	s0 =	simm.s32 @!p2 $0x0  }
0x16: {  	s3 =	sld [smem:$0x3FDB];
	s0 =	simm.s32 @p2 $0x1  }
0x17: {  	s4 =	simm.s32 $0x1BF5;
	[smem:$0x3FB8] =	sst s0  }
0x18: {  	s0 =	sld [smem:$0x3F9B];
	_ =	swait.ge [sflag:s4], $0x0  }
0x19: {  	s7 =	sld [smem:$0x3F9C]  }
0x1a: {  	s8 =	sadd.s32 $0xFFFFE003, lr  }
0x1b: {  	s9 =	sadd.s32 $0xFFFFFEF7, lr;
	s5 =	simm.s32 $0xFFFFFFFF;
	p2 =	slt.u32 s8, $0xFFFFF086  }
0x1c: {  	p1 =	slt.u32 s9, $0xF7A;
	s5 =	simm.s32 @!p2 $0x0  }
0x1d: {  	s5 =	simm.s32 @p1 $0x1;
	p0 =	seq.s32 s7, s2  }
0x1e: {  	s7 =	smul.u32 @!p0 $0xF7A, s2;
	p2 =	seq.s32 @!p0 s5, $0x0  }
0x1f: {  	s9 =	smul.u32 $0xF7A, s1;
	s8 =	simm.s32 @!p0 $0x1BF5;
	p2 =	por !p2, p0  }
0x20: {  	[sflag:s8] =	ssyncset.s32 @!p0 $0xFFFFF086;
	s6 =	sadd.s32 @!p0 s3, s7;
	s7 =	simm.s32 @!p0 $0x108  }
0x21: {  	s3 =	sadd.s32 s3, s9;
	s6 =	sadd.s32 @!p0 $0x88, s6;
	s7 =	simm.s32 @p2 $0x1082  }
0x22: {  	[simem:s7], [sflag:s8] =	dma.local @!p0 [hbm:s6], $0xF7A  }
0x23: {  	s9 =	sor.u32 $0xD0000000, s2;
	s6 =	simm.s32 $0x108;
	_ =	swait.ge @!p0 [sflag:s8], $0x0  }
0x24: {  	s3 =	sadd.s32 $0x88, s3;
	s6 =	simm.s32 @!p1 $0x1082;
	[sflag:s4] =	ssyncset.s32 $0xFFFFF086  }
0x25: {  	[simem:s6], [sflag:s4] =	dma.local [hbm:s3], $0xF7A  }
0x26: {  	[smem:$0x3F9C] =	sst s1;
	(tag) =	ssettag s2;
	_ =	strace s9  }
0x27: {  	s1 =	sld [smem:$0x3FAC]  }
0x28: {  	s2 =	sld [smem:$0x3FAD]  }
0x29: {  	s4 =	sld [smem:$0x3FAF]  }
0x2a: {  	p0 =	seq.s32 s5, $0x0;
	s5 =	sld [smem:$0x3FB0]  }
0x2b: {  	s6 =	sld [smem:$0x3FB1]  }
0x2c: {  	s7 =	sld [smem:$0x3FB2]  }
0x2d: {  	s3 =	simm.s32 $0x108;
	s8 =	sld [smem:$0x3FB3]  }
0x2e: {  	s3 =	simm.s32 @!p0 $0x1082;
	s9 =	sld [smem:$0x3FB4]  }
0x2f: {  	lr =	sadd.s32 s0, s3;
	s0 =	sld [smem:$0x3FAB]  }
0x30: {  	s3 =	sld [smem:$0x3FAE]  }
0x31: {  	[smem:$0x3FB7] =	sst s10  }
0x32: {  	s10 =	sld [smem:$0x3FB5];
	_ =	sdelay $0x3  }
0x33: {  	p0 =	seq.s32 s10, $0x1;
	s10 =	sld [smem:$0x3FB7];
	_ =	sdelay $0x3  }
0x34: {  	[smem:$0x3FB7] =	sst s10  }
0x35: {  	s10 =	sld [smem:$0x3FB6];
	_ =	sdelay $0x3  }
0x36: {  	p1 =	seq.s32 s10, $0x1;
	s10 =	sld [smem:$0x3FB7];
	_ =	sdelay $0x3  }
0x37: {  	[smem:$0x3FB7] =	sst s10  }
0x38: {  	s10 =	sld [smem:$0x3FB8]  }
0x39: {  	_ = 	snop;
	(pc) =	sbr.ind lr, $3  }
0x3a: {  	_ = 	snop  }
0x3b: {  	_ = 	snop  }
0x3c: {  	p2 =	seq.s32 s10, $0x1;
	s10 =	sld [smem:$0x3FB7]  }
0x3d: {  	_ =	shalt  }
0x3e: {  	_ =	shalt  }
0x3f: {  	_ =	shalt  }
0x40: {  	_ =	shalt  }
0x41: {  	_ =	shalt  }
0x42: {  	_ =	shalt  }
0x43: {  	_ =	shalt  }
0x44: {  	_ =	shalt  }
0x45: {  	_ =	shalt  }
0x46: {  	_ =	shalt  }
0x47: {  	_ =	shalt  }
0x48: {  	_ =	shalt  }
0x49: {  	_ =	shalt  }
0x4a: {  	_ =	shalt  }
0x4b: {  	_ =	shalt  }
0x4c: {  	_ =	shalt  }
0x4d: {  	_ =	shalt  }
0x4e: {  	_ =	shalt  }
0x4f: {  	_ =	shalt  }
0x50: {  	_ =	shalt  }
0x51: {  	_ =	shalt  }
0x52: {  	_ =	shalt  }
0x53: {  	_ =	shalt  }
0x54: {  	_ =	shalt  }
0x55: {  	_ =	shalt  }
0x56: {  	_ =	shalt  }
0x57: {  	_ =	shalt  }
0x58: {  	_ =	shalt  }
0x59: {  	_ =	shalt  }
0x5a: {  	_ =	shalt  }
0x5b: {  	_ =	shalt  }
0x5c: {  	_ =	shalt  }
0x5d: {  	_ =	shalt  }
0x5e: {  	_ =	shalt  }
0x5f: {  	_ =	shalt  }
0x60: {  	_ =	shalt  }
0x61: {  	_ =	shalt  }
0x62: {  	_ =	shalt  }
0x63: {  	_ =	shalt  }
0x64: {  	_ =	shalt  }
0x65: {  	_ =	shalt  }
0x66: {  	_ =	shalt  }
0x67: {  	_ =	shalt  }
0x68: {  	_ =	shalt  }
0x69: {  	_ =	shalt  }
0x6a: {  	_ =	shalt  }
0x6b: {  	_ =	shalt  }
0x6c: {  	_ =	shalt  }
0x6d: {  	_ =	shalt  }
0x6e: {  	_ =	shalt  }
0x6f: {  	_ =	shalt  }
0x70: {  	_ =	shalt  }
0x71: {  	_ =	shalt  }
0x72: {  	_ =	shalt  }
0x73: {  	_ =	shalt  }
0x74: {  	_ =	shalt  }
0x75: {  	_ =	shalt  }
0x76: {  	_ =	shalt  }
0x77: {  	_ =	shalt  }
0x78: {  	_ =	shalt  }
0x79: {  	_ =	shalt  }
0x7a: {  	_ =	shalt  }
0x7b: {  	_ =	shalt  }
0x7c: {  	_ =	shalt  }
0x7d: {  	_ =	shalt  }
0x7e: {  	_ =	shalt  }
0x7f: {  	_ =	shalt  }
0x80: {  	_ =	shalt  }
0x81: {  	_ =	shalt  }
0x82: {  	_ =	shalt  }
0x83: {  	_ =	shalt  }
0x84: {  	_ =	shalt  }
0x85: {  	_ =	shalt  }
0x86: {  	_ =	shalt  }
0x87: {  	_ =	shalt  }
.Lfunc_end0:
.L_simem_size_0:
called_computation.1_lowered:
.L_overlay_start_0:
0x88: {  	s2 =	sld [smem:$0x3FD9]  }
0x89: {  	s3 =	sld [smem:$0x3FFE];
	_ =	sdelay $0x1  }
0x8a: {  	s1 =	srdreg.scid  }
0x8b: {  	s0 =	sand.u32 $0x1, s1  }
0x8c: {  	s14 =	sshll.u32 s0, $0xA;
	s2 =	sadd.s32 s3, s2  }
0x8d: {  	s2 =	sadd.s32 s2, s14  }
0x8e: {  	[smem:$0x3FC3] =	sst s2  }
0x8f: {  	_ = 	snop  }
0x90: {  	s2 =	sld [smem:$0x3FD0];
	_ =	sdelay $0x2  }
0x91: {  	s15 =	simm.s32 $0xB;
	s4 =	simm.s32 $0x10  }
0x92: {  	[smem:s4], [sflag:s15] =	dma.local [hbm:s2], $0x1  }
0x93: {  	_ =	swait.eq [sflag:s15], $0x1  }
0x94: {  	[sflag:s15] =	ssyncset.done $0x0  }
0x95: {  	[sflag:s15] =	ssyncadd.s32 $0xFFFFFFFF  }
0x96: {  	s16 =	sld [smem:$0x10];
	(tm) =	ssettm $0x1  }
0x97: {  	s17 =	sld [smem:$0x3FFB];
	_ =	sdelay $0x3  }
0x98: {  	_ =	strace s17  }
0x99: {  	s3 =	sld [smem:$0x3FFC];
	_ =	sdelay $0x3  }
0x9a: {  	_ =	strace s3  }
0x9b: {  	s3 =	sld [smem:$0x3FFD];
	_ =	sdelay $0x3  }
0x9c: {  	_ =	strace s3  }
0x9d: {  	_ =	strace $0x8FFFFFFF  }
0x9e: {  	s18 =	sld [smem:$0x3FDB];
	_ =	sdelay $0x1  }
0x9f: {  	s19 =	simm.s32 $_scs_section_size  }
0xa0: {  	s5 =	simm.s32 $_size__tile_overlayer_lowered;
	s6 =	simm.s32 $_tile_overlayer_lowered  }
0xa1: {  	s22 =	simm.s32 $0x1BFF;
	s21 =	sshll.u32 s6, $0x1;
	s3 =	sadd.s32 s19, s18  }
0xa2: {  	s7 =	simm.s32 $0x0;
	s20 =	sshll.u32 s5, $0x1;
	s5 =	sadd.s32 s21, s3  }
0xa3: {  	[timem:s7], [sflag:s22] =	dma.local [hbm:s5], s20  }
0xa4: {  	_ =	swait.ge [sflag:s22], s20  }
0xa5: {  	s4 =	ssub.s32 $0x0, s20;
	[sflag:s22] =	ssyncset.done $0x0  }
0xa6: {  	[sflag:s22] =	ssyncadd.s32 s4;
	_ =	sdelay $0x1  }
0xa7: {  	s23 =	simm.s32 $0x1B8B  }
0xa8: {  	_ =	swait.ge [sflag:s23], $0x1  }
0xa9: {  	[sflag:s23] =	ssyncset.done $0x0  }
0xaa: {  	s25 =	simm.s32 $0x1B8E;
	s24 =	sld [smem:$0x3FFE];
	[sflag:s23] =	ssyncadd.s32 $0xFFFFFFFF  }
0xab: {  	s26 =	simm.s32 $execute0_lowered;
	[smem:$0x3FD2] =	sst s25  }
0xac: {  	s5 =	sshll.u32 s26, $0x1;
	_ =	strace $0x80000046;
	[dreg:$0x1] =	wrdreg $0xFFFFFFFF  }
0xad: {  	s28 =	simm.s32 $_size_execute0_lowered;
	s3 =	sadd.s32 s3, s5;
	[dreg:$0x0] =	wrdreg $0x0  }
0xae: {  	s5 =	sshll.u32 s28, $0x1;
	[dreg:$0x2] =	wrdreg s3  }
0xaf: {  	[dreg:$0x3] =	wrdreg s5  }
0xb0: {  	[dreg:$0x4] =	wrdreg $0xC0  }
0xb1: {  	_ =	task [dreg:s7], $0x5FFFF  }
0xb2: {  	[dreg:$0x1] =	wrdreg $0xFFFFFFFF  }
0xb3: {  	[dreg:$0x0] =	wrdreg $0x60  }
0xb4: {  	[dreg:$0x2] =	wrdreg s24  }
0xb5: {  	[dreg:$0x3] =	wrdreg s16  }
0xb6: {  	[dreg:$0x4] =	wrdreg $0x0  }
0xb7: {  	[dreg:$0x5] =	wrdreg $0xA  }
0xb8: {  	_ =	task.clear_ibuf [dreg:s7], $0x6FFFF;
	_ =	strace $0x90000046  }
0xb9: {  	s29 =	simm.s32 $0xA;
	_ =	strace $0x80000048  }
0xba: {  	_ =	swait.ge [sflag:s29], $0x1  }
0xbb: {  	[sflag:s29] =	ssyncadd.s32 $0xFFFFFFFF  }
0xbc: {  	_ =	strace $0x90000048  }
0xbd: {  	_ =	sfence  }
0xbe: {  	s30 =	sld [smem:$0x0];
	_ =	sdelay $0x2  }
0xbf: {  	s31 =	sshll.u32 s1, $0xD;
	s1 =	sshrl.u32 s1, $0x2  }
0xc0: {  	s3 =	sand.u32 $0x4000, s31;
	s1 =	sadd.s32 s1, s30  }
0xc1: {  	s0 =	sor.u32 s3, s0;
	s1 =	sshll.u32 s1, $0x11  }
0xc2: {  	s0 =	sor.u32 s1, s0  }
0xc3: {  	s0 =	sadd.s32 $0x8F2B, s0  }
0xc4: {  	[sflag:s0] =	ssyncadd.remote.s32 $0x1  }
0xc5: {  	_ =	sfence.sel $0xFFFF  }
0xc6: {  	[dreg:$0x0] =	wrdreg $0xFFFFFFFF;
	(pc) =	sbr.abs _section_cstart, $3  }
0xc7: {  	[dreg:$0x1] =	wrdreg $0xFFFFFFFF  }
0xc8: {  	_ =	task.clear_ibuf [dreg:s7], $0x2FFFF;
	_ =	strace $0x9FFFFFFF  }
0xc9: {  	(tm) =	ssettm $0x7FFFFFFF  }
tec
execute0_lowered:
.L_overlay_start_1:
0x0: {  	(tag) =	ssettag $0x1  }
0x1: {  	s0 =	rddreg [dreg:$0x0];
	s1 =	stileid.u32  }
0x2: {  	s5 =	srdreg.scid;
	s7 =	smul.u32 $0x620, s1  }
0x3: {  	s2 =	rddreg [dreg:$0x1];
	s6 =	sand.u32 $0x1, s5;
	s10 =	smul.u32 $0x68B00, s1  }
0x4: {  	s3 =	rddreg [dreg:$0x2];
	s4 =	simm.s32 $0x0;
	s5 =	smul.u32 $0x6200, s6  }
0x5: {  	[smem:$0x7FF] =	sst s4;
	s9 =	ssub.s32 $0x2, s6  }
0x6: {  	s11 =	sshrl.u32 s9, $0x1;
	s16 =	sshrl.u32 s10, $0x2;
	s8 =	sadd.s32 s7, s5  }
0x7: {  	s5 =	sadd.s32 $0xC9A00, s0;
	s9 =	ssub.s32 s9, s11;
	s8 =	sshrl.u32 s8, $0x3  }
0x8: {  	s0 =	sadd.s32 s8, s0;
	s8 =	sadd.s32 s16, s3;
	s16 =	smax.u32 s9, $0x1  }
0x9: {  	_ =	strace $0x80000047;
	s17 =	sadd.s32 $0x3000, s0;
	[dreg:$0x12] =	wrdreg s16  }
0xa: {  	s18 =	sadd.s32 $0x1600, s0;
	[dreg:$0x4] =	wrdreg s17  }
0xb: {  	s0 =	sadd.s32 $0xC8000, s0;
	[dreg:$0x5] =	wrdreg s18  }
0xc: {  	s28 =	simm.s32 $0x0;
	s19 =	sadd.s32 $0x1000, s8;
	[dreg:$0x6] =	wrdreg s0  }
0xd: {  	s26 =	smul.u32 $0x68A, s1;
	s20 =	sadd.s32 $0x2000, s8;
	[dreg:$0x7] =	wrdreg s19  }
0xe: {  	s31 =	smul.u32 $0x68A00, s1;
	s21 =	sadd.s32 $0x3000, s8;
	[dreg:$0x8] =	wrdreg s20  }
0xf: {  	s23 =	smul.u32 $0x34500, s6;
	s22 =	sadd.s32 $0x4000, s8;
	[dreg:$0x9] =	wrdreg s21  }
0x10: {  	s6 =	smul.u32 $0x61A8, s6;
	s24 =	sadd.s32 $0x5000, s8;
	[dreg:$0xa] =	wrdreg s22  }
0x11: {  	s15 =	sshrl.u32 s31, $0x2;
	s25 =	sadd.s32 $0x6000, s8;
	[dreg:$0xb] =	wrdreg s24  }
0x12: {  	s31 =	sor.u32 $0x68A0, s1;
	s29 =	sadd.s32 $0x7000, s8;
	[dreg:$0xc] =	wrdreg s25  }
0x13: {  	s30 =	sadd.s32 $0x8000, s8;
	s12 =	sadd.s32 $0x9000, s8;
	[dreg:$0xd] =	wrdreg s29  }
0x14: {  	s13 =	sadd.s32 $0xA000, s8;
	s14 =	sadd.s32 $0xB000, s8;
	[dreg:$0xe] =	wrdreg s30  }
0x15: {  	s9 =	sadd.s32 $0x15000, s8;
	s10 =	sadd.s32 $0x16000, s8;
	[dreg:$0xf] =	wrdreg s12  }
0x16: {  	s11 =	sadd.s32 $0x17000, s8;
	s16 =	simm.s32 $0x1C8A0;
	[dreg:$0x10] =	wrdreg s13  }
0x17: {  	s20 =	sadd.s32 s23, s26;
	[dreg:$0x11] =	wrdreg s14;
	s17 =	sadd.s32 $0xC000, s8  }
0x18: {  	s22 =	sadd.s32 s7, s6;
	s18 =	sadd.s32 $0xD000, s8;
	[dreg:$0x13] =	wrdreg s17  }
0x19: {  	s6 =	sadd.s32 s1, s6;
	s19 =	sadd.s32 $0xE000, s8;
	[dreg:$0x14] =	wrdreg s18  }
0x1a: {  	s0 =	sadd.s32 s15, s3;
	s21 =	sadd.s32 $0xF000, s8;
	[dreg:$0x15] =	wrdreg s19  }
0x1b: {  	s23 =	sadd.s32 $0x10000, s8;
	s25 =	sadd.s32 $0x11000, s8;
	[dreg:$0x16] =	wrdreg s21  }
0x1c: {  	s26 =	sadd.s32 $0x12000, s8;
	s29 =	sadd.s32 $0x13000, s8;
	[dreg:$0x17] =	wrdreg s23  }
0x1d: {  	s30 =	sadd.s32 $0x14000, s8;
	s12 =	sadd.s32 $0x18000, s8;
	[dreg:$0x18] =	wrdreg s25  }
.Ltmp0:
0x1e: {  	s13 =	sadd.s32 $0x19000, s8;
	[dreg:$0x19] =	wrdreg s26;
	(pc) =	sbr.rel .LBB2_1-.Ltmp0, $4  }
0x1f: {  	s14 =	sadd.s32 $0x1A000, s8;
	s15 =	simm.s32 $0x1;
	[dreg:$0x1a] =	wrdreg s29  }
0x20: {  	s24 =	sshrl.u32 s0, $0x3;
	[dreg:$0x1b] =	wrdreg s30;
	s17 =	simm.s32 $0x1BB40  }
0x21: {  	v2 =	vimm.f32 $0.0e+00;
	v3 =	vlaneseq.u32;
	s18 =	simm.s32 $0x1C1B0;
	s19 =	simm.s32 $0x40;
	s21 =	simm.s32 $0x1C820  }
0x22: {  	v4 =	vimm.s32 $0x0;
	v1 =	vmov s31;
	v0 =	vmov s6;
	s23 =	simm.s32 $0x1D8A0;
	s25 =	simm.s32 $0x1C860;
	s26 =	simm.s32 $0x0  }
.LBB2_19:
0x23: {  	s26 =	sadd.s32 $0x1, s26;
	s0 =	rddreg [dreg:$0x12]  }
0x24: {  	p0 =	sne.s32 s26, s0  }
.Ltmp1:
0x25: {  	_ = 	snop;
	(pc) =	sbr.rel @!p0 .LBB2_20-.Ltmp1, $1  }
0x26: {  	_ =	sdelay $0x3  }
.LBB2_1:
0x27: {  	s0 =	rddreg [dreg:$0x4];
	s6 =	simm.s32 $0x1A2C0  }
0x28: {  	[tilespmem:s6], [sflag:$0x1] =	stream.linear.gather [hbm4b:s0+s4], $0x620, $0x38;
	[tilespmem:$0x1E8A0] =	vst v63  }
0x29: {  	_ =	swait.ge [sflag:s15], $0x620  }
0x2a: {  	[sflag:s15] =	ssyncset.done $0x0  }
0x2b: {  	s29 =	simm.s32 $0x1A8E0;
	s7 =	rddreg [dreg:$0x5];
	[sflag:s15] =	ssyncadd.s32 $0xFFFFF9E0  }
0x2c: {  	[tilespmem:s29], [sflag:$0x1] =	stream.linear.gather [hbm4b:s7+s4], $0x620, $0x38;
	[tilespmem:$0x1E8A0] =	vst v63  }
0x2d: {  	_ =	swait.ge [sflag:s15], $0x620  }
0x2e: {  	[sflag:s15] =	ssyncset.done $0x0  }
0x2f: {  	s31 =	simm.s32 $0x1AF00;
	s30 =	rddreg [dreg:$0x6];
	[sflag:s15] =	ssyncadd.s32 $0xFFFFF9E0  }
0x30: {  	[tilespmem:s31], [sflag:$0x1] =	stream.linear.gather [hbm4b:s30+s4], $0x620, $0x38;
	[tilespmem:$0x1E8A0] =	vst v63  }
0x31: {  	_ =	swait.ge [sflag:s15], $0x620  }
0x32: {  	[sflag:s15] =	ssyncset.done $0x0  }
0x33: {  	s0 =	simm.s32 $0x0;
	[sflag:s15] =	ssyncadd.s32 $0xFFFFF9E0  }
0x34: {  	v6 =	vld [tilespmem:s0+$0x1A2C0]  }
0x35: {  	v5 =	vld [tilespmem:s0+$0x1A8E0]  }
0x36: {  	v7 =	vld [tilespmem:s0+$0x1AF00]  }
0x37: {  	s6 =	simm.s32 $0x40  }
.LBB2_2:
0x38: {  	p0 =	sne.s32 s6, $0x1840  }
.Ltmp2:
0x39: {  	s7 =	sshra.s32 s6, $0x2;
	s6 =	sadd.s32 $0x40, s6;
	v8 =	vmul.u32 $0x1B0, v6;
	(pc) =	sbr.rel @p0 .LBB2_2-.Ltmp2, $4  }
0x3a: {  	v6 =	vld [tilespmem:s7+$0x1A2C0]  }
0x3b: {  	v8 =	vadd.s32 v5, v8;
	v5 =	vld [tilespmem:s7+$0x1A8E0];
	vm0 =	veq.s32 v7, $0x1  }
0x3c: {  	v7 =	vld [tilespmem:s7+$0x1AF00];
	v8 =	vnsel vm0, $0x7FFFFFFF, v8  }
0x3d: {  	[tilespmem:s0+$0x1B520] =	vst v8;
	s0 =	smov.u32 s7  }
0x3e: {  	_ = 	snop  }
0x3f: {  	v6 =	vmul.u32 $0x1B0, v6;
	_ =	sdelay $0x1  }
0x40: {  	v5 =	vadd.s32 v5, v6;
	vm0 =	veq.s32 v7, $0x1  }
0x41: {  	v5 =	vnsel vm0, $0x7FFFFFFF, v5  }
0x42: {  	s6 =	simm.s32 $0x100;
	[tilespmem:s0+$0x1B520] =	vst v5;
	s0 =	simm.s32 $0x0  }
.LBB2_4:
0x43: {  	p0 =	sne.s32 s6, $0x3F00;
	[tilespmem:s0+$0x1C8D0] =	vst v2;
	s7 =	smov.u32 s6;
	s6 =	sadd.s32 $0x100, s6  }
.Ltmp3:
0x44: {  	[tilespmem:s0+$0x1C8C0] =	vst v2;
	(pc) =	sbr.rel @p0 .LBB2_4-.Ltmp3, $3  }
0x45: {  	[tilespmem:s0+$0x1C8A0] =	vst v2  }
0x46: {  	[tilespmem:s0+$0x1C8B0] =	vst v2;
	_ =	sdelay $0x1  }
0x47: {  	s0 =	sshra.s32 s7, $0x2  }
0x48: {  	[tilespmem:s0+$0x1C8D0] =	vst v2  }
0x49: {  	[tilespmem:s0+$0x1C8C0] =	vst v2  }
0x4a: {  	[tilespmem:s0+$0x1C8A0] =	vst v2  }
0x4b: {  	[tilespmem:s0+$0x1C8B0] =	vst v2  }
0x4c: {  	[spmem:s8] =	stream.linear.scatter [tilespmem:s16], [sflag:$0x1], $0x1000, $0x38;
	[tilespmem:$0x1E8A0] =	vst v63  }
0x4d: {  	_ =	swait.ge [sflag:s15], $0x1000  }
0x4e: {  	[sflag:s15] =	ssyncset.done $0x0  }
0x4f: {  	s6 =	rddreg [dreg:$0x7];
	[sflag:s15] =	ssyncadd.s32 $0xFFFFF000  }
0x50: {  	[spmem:s6] =	stream.linear.scatter [tilespmem:s16], [sflag:$0x1], $0x1000, $0x38;
	[tilespmem:$0x1E8A0] =	vst v63  }
0x51: {  	_ =	swait.ge [sflag:s15], $0x1000  }
0x52: {  	[sflag:s15] =	ssyncset.done $0x0  }
0x53: {  	s7 =	rddreg [dreg:$0x8];
	[sflag:s15] =	ssyncadd.s32 $0xFFFFF000  }
0x54: {  	[spmem:s7] =	stream.linear.scatter [tilespmem:s16], [sflag:$0x1], $0x1000, $0x38;
	[tilespmem:$0x1E8A0] =	vst v63  }
0x55: {  	_ =	swait.ge [sflag:s15], $0x1000  }
0x56: {  	[sflag:s15] =	ssyncset.done $0x0  }
0x57: {  	s30 =	rddreg [dreg:$0x9];
	[sflag:s15] =	ssyncadd.s32 $0xFFFFF000  }
0x58: {  	[spmem:s30] =	stream.linear.scatter [tilespmem:s16], [sflag:$0x1], $0x1000, $0x38;
	[tilespmem:$0x1E8A0] =	vst v63  }
0x59: {  	_ =	swait.ge [sflag:s15], $0x1000  }
0x5a: {  	[sflag:s15] =	ssyncset.done $0x0  }
0x5b: {  	s31 =	rddreg [dreg:$0xa];
	[sflag:s15] =	ssyncadd.s32 $0xFFFFF000  }
0x5c: {  	[spmem:s31] =	stream.linear.scatter [tilespmem:s16], [sflag:$0x1], $0x1000, $0x38;
	[tilespmem:$0x1E8A0] =	vst v63  }
0x5d: {  	_ =	swait.ge [sflag:s15], $0x1000  }
0x5e: {  	[sflag:s15] =	ssyncset.done $0x0  }
0x5f: {  	s6 =	rddreg [dreg:$0xb];
	[sflag:s15] =	ssyncadd.s32 $0xFFFFF000  }
0x60: {  	[spmem:s6] =	stream.linear.scatter [tilespmem:s16], [sflag:$0x1], $0x1000, $0x38;
	[tilespmem:$0x1E8A0] =	vst v63  }
0x61: {  	_ =	swait.ge [sflag:s15], $0x1000  }
0x62: {  	[sflag:s15] =	ssyncset.done $0x0  }
0x63: {  	s7 =	rddreg [dreg:$0xc];
	[sflag:s15] =	ssyncadd.s32 $0xFFFFF000  }
0x64: {  	[spmem:s7] =	stream.linear.scatter [tilespmem:s16], [sflag:$0x1], $0x1000, $0x38;
	[tilespmem:$0x1E8A0] =	vst v63  }
0x65: {  	_ =	swait.ge [sflag:s15], $0x1000  }
0x66: {  	[sflag:s15] =	ssyncset.done $0x0  }
0x67: {  	s30 =	rddreg [dreg:$0xd];
	[sflag:s15] =	ssyncadd.s32 $0xFFFFF000  }
0x68: {  	[spmem:s30] =	stream.linear.scatter [tilespmem:s16], [sflag:$0x1], $0x1000, $0x38;
	[tilespmem:$0x1E8A0] =	vst v63  }
0x69: {  	_ =	swait.ge [sflag:s15], $0x1000  }
0x6a: {  	[sflag:s15] =	ssyncset.done $0x0  }
0x6b: {  	s31 =	rddreg [dreg:$0xe];
	[sflag:s15] =	ssyncadd.s32 $0xFFFFF000  }
0x6c: {  	[spmem:s31] =	stream.linear.scatter [tilespmem:s16], [sflag:$0x1], $0x1000, $0x38;
	[tilespmem:$0x1E8A0] =	vst v63  }
0x6d: {  	_ =	swait.ge [sflag:s15], $0x1000  }
0x6e: {  	[sflag:s15] =	ssyncset.done $0x0  }
0x6f: {  	s6 =	rddreg [dreg:$0xf];
	[sflag:s15] =	ssyncadd.s32 $0xFFFFF000  }
0x70: {  	[spmem:s6] =	stream.linear.scatter [tilespmem:s16], [sflag:$0x1], $0x1000, $0x38;
	[tilespmem:$0x1E8A0] =	vst v63  }
0x71: {  	_ =	swait.ge [sflag:s15], $0x1000  }
0x72: {  	[sflag:s15] =	ssyncset.done $0x0  }
0x73: {  	s7 =	rddreg [dreg:$0x10];
	[sflag:s15] =	ssyncadd.s32 $0xFFFFF000  }
0x74: {  	[spmem:s7] =	stream.linear.scatter [tilespmem:s16], [sflag:$0x1], $0x1000, $0x38;
	[tilespmem:$0x1E8A0] =	vst v63  }
0x75: {  	_ =	swait.ge [sflag:s15], $0x1000  }
0x76: {  	[sflag:s15] =	ssyncset.done $0x0  }
0x77: {  	s30 =	rddreg [dreg:$0x11];
	[sflag:s15] =	ssyncadd.s32 $0xFFFFF000  }
0x78: {  	[spmem:s30] =	stream.linear.scatter [tilespmem:s16], [sflag:$0x1], $0x1000, $0x38;
	[tilespmem:$0x1E8A0] =	vst v63  }
0x79: {  	_ =	swait.ge [sflag:s15], $0x1000  }
0x7a: {  	[sflag:s15] =	ssyncset.done $0x0  }
0x7b: {  	s31 =	rddreg [dreg:$0x13];
	[sflag:s15] =	ssyncadd.s32 $0xFFFFF000  }
0x7c: {  	[spmem:s31] =	stream.linear.scatter [tilespmem:s16], [sflag:$0x1], $0x1000, $0x38;
	[tilespmem:$0x1E8A0] =	vst v63  }
0x7d: {  	_ =	swait.ge [sflag:s15], $0x1000  }
0x7e: {  	[sflag:s15] =	ssyncset.done $0x0  }
0x7f: {  	s6 =	rddreg [dreg:$0x14];
	[sflag:s15] =	ssyncadd.s32 $0xFFFFF000  }
0x80: {  	[spmem:s6] =	stream.linear.scatter [tilespmem:s16], [sflag:$0x1], $0x1000, $0x38;
	[tilespmem:$0x1E8A0] =	vst v63  }
0x81: {  	_ =	swait.ge [sflag:s15], $0x1000  }
0x82: {  	[sflag:s15] =	ssyncset.done $0x0  }
0x83: {  	s7 =	rddreg [dreg:$0x15];
	[sflag:s15] =	ssyncadd.s32 $0xFFFFF000  }
0x84: {  	[spmem:s7] =	stream.linear.scatter [tilespmem:s16], [sflag:$0x1], $0x1000, $0x38;
	[tilespmem:$0x1E8A0] =	vst v63  }
0x85: {  	_ =	swait.ge [sflag:s15], $0x1000  }
0x86: {  	[sflag:s15] =	ssyncset.done $0x0  }
0x87: {  	s30 =	rddreg [dreg:$0x16];
	[sflag:s15] =	ssyncadd.s32 $0xFFFFF000  }
0x88: {  	[spmem:s30] =	stream.linear.scatter [tilespmem:s16], [sflag:$0x1], $0x1000, $0x38;
	[tilespmem:$0x1E8A0] =	vst v63  }
0x89: {  	_ =	swait.ge [sflag:s15], $0x1000  }
0x8a: {  	[sflag:s15] =	ssyncset.done $0x0  }
0x8b: {  	s31 =	rddreg [dreg:$0x17];
	[sflag:s15] =	ssyncadd.s32 $0xFFFFF000  }
0x8c: {  	[spmem:s31] =	stream.linear.scatter [tilespmem:s16], [sflag:$0x1], $0x1000, $0x38;
	[tilespmem:$0x1E8A0] =	vst v63  }
0x8d: {  	_ =	swait.ge [sflag:s15], $0x1000  }
0x8e: {  	[sflag:s15] =	ssyncset.done $0x0  }
0x8f: {  	s6 =	rddreg [dreg:$0x18];
	[sflag:s15] =	ssyncadd.s32 $0xFFFFF000  }
0x90: {  	[spmem:s6] =	stream.linear.scatter [tilespmem:s16], [sflag:$0x1], $0x1000, $0x38;
	[tilespmem:$0x1E8A0] =	vst v63  }
0x91: {  	_ =	swait.ge [sflag:s15], $0x1000  }
0x92: {  	[sflag:s15] =	ssyncset.done $0x0  }
0x93: {  	s7 =	rddreg [dreg:$0x19];
	[sflag:s15] =	ssyncadd.s32 $0xFFFFF000  }
0x94: {  	[spmem:s7] =	stream.linear.scatter [tilespmem:s16], [sflag:$0x1], $0x1000, $0x38;
	[tilespmem:$0x1E8A0] =	vst v63  }
0x95: {  	_ =	swait.ge [sflag:s15], $0x1000  }
0x96: {  	[sflag:s15] =	ssyncset.done $0x0  }
0x97: {  	s30 =	rddreg [dreg:$0x1a];
	[sflag:s15] =	ssyncadd.s32 $0xFFFFF000  }
0x98: {  	[spmem:s30] =	stream.linear.scatter [tilespmem:s16], [sflag:$0x1], $0x1000, $0x38;
	[tilespmem:$0x1E8A0] =	vst v63  }
0x99: {  	_ =	swait.ge [sflag:s15], $0x1000  }
0x9a: {  	[sflag:s15] =	ssyncset.done $0x0  }
0x9b: {  	s31 =	rddreg [dreg:$0x1b];
	[sflag:s15] =	ssyncadd.s32 $0xFFFFF000  }
0x9c: {  	[spmem:s31] =	stream.linear.scatter [tilespmem:s16], [sflag:$0x1], $0x1000, $0x38;
	[tilespmem:$0x1E8A0] =	vst v63  }
0x9d: {  	_ =	swait.ge [sflag:s15], $0x1000  }
0x9e: {  	[sflag:s15] =	ssyncset.done $0x0  }
0x9f: {  	[sflag:s15] =	ssyncadd.s32 $0xFFFFF000  }
0xa0: {  	[spmem:s9] =	stream.linear.scatter [tilespmem:s16], [sflag:$0x1], $0x1000, $0x38;
	[tilespmem:$0x1E8A0] =	vst v63  }
0xa1: {  	_ =	swait.ge [sflag:s15], $0x1000  }
0xa2: {  	[sflag:s15] =	ssyncset.done $0x0  }
0xa3: {  	[sflag:s15] =	ssyncadd.s32 $0xFFFFF000  }
0xa4: {  	[spmem:s10] =	stream.linear.scatter [tilespmem:s16], [sflag:$0x1], $0x1000, $0x38;
	[tilespmem:$0x1E8A0] =	vst v63  }
0xa5: {  	_ =	swait.ge [sflag:s15], $0x1000  }
0xa6: {  	[sflag:s15] =	ssyncset.done $0x0  }
0xa7: {  	[sflag:s15] =	ssyncadd.s32 $0xFFFFF000  }
0xa8: {  	[spmem:s11] =	stream.linear.scatter [tilespmem:s16], [sflag:$0x1], $0x1000, $0x38;
	[tilespmem:$0x1E8A0] =	vst v63  }
0xa9: {  	_ =	swait.ge [sflag:s15], $0x1000  }
0xaa: {  	[sflag:s15] =	ssyncset.done $0x0  }
0xab: {  	[sflag:s15] =	ssyncadd.s32 $0xFFFFF000  }
0xac: {  	[spmem:s12] =	stream.linear.scatter [tilespmem:s16], [sflag:$0x1], $0x1000, $0x38;
	[tilespmem:$0x1E8A0] =	vst v63  }
0xad: {  	_ =	swait.ge [sflag:s15], $0x1000  }
0xae: {  	[sflag:s15] =	ssyncset.done $0x0  }
0xaf: {  	[sflag:s15] =	ssyncadd.s32 $0xFFFFF000  }
0xb0: {  	[spmem:s13] =	stream.linear.scatter [tilespmem:s16], [sflag:$0x1], $0x1000, $0x38;
	[tilespmem:$0x1E8A0] =	vst v63  }
0xb1: {  	_ =	swait.ge [sflag:s15], $0x1000  }
0xb2: {  	[sflag:s15] =	ssyncset.done $0x0  }
0xb3: {  	[sflag:s15] =	ssyncadd.s32 $0xFFFFF000  }
0xb4: {  	[spmem:s14] =	stream.linear.scatter [tilespmem:s16], [sflag:$0x1], $0x2C0, $0x38;
	[tilespmem:$0x1E8A0] =	vst v63  }
.Ltmp4:
0xb5: {  	_ =	swait.ge [sflag:s15], $0x2C0;
	(pc) =	sbr.rel .LBB2_6-.Ltmp4, $4  }
0xb6: {  	[sflag:s15] =	ssyncset.done $0x0  }
0xb7: {  	[sflag:s15] =	ssyncadd.s32 $0xFFFFFD40  }
0xb8: {  	[bflag:$0x0] =	sbarrier.arrive $0xFFFF  }
0xb9: {  	s29 =	simm.s32 $0x0  }
.LBB2_17:
0xba: {  	[sflag:s15] =	ssyncadd.s32 $0xFFFFF000  }
.LBB2_18:
0xbb: {  	s29 =	sadd.s32 $0x1, s29  }
0xbc: {  	p0 =	sne.s32 s29, $0x8  }
.Ltmp5:
0xbd: {  	_ = 	snop;
	(pc) =	sbr.rel @!p0 .LBB2_19-.Ltmp5, $2  }
0xbe: {  	_ =	sdelay $0x1  }
0xbf: {  	[bflag:$0x0] =	sbarrier.arrive $0xFFFF;
	_ =	sdelay $0x1  }
.LBB2_6:
0xc0: {  	s0 =	simm.s32 $0x0  }
0xc1: {  	v7 =	vld [tilespmem:s0+$0x1B520]  }
0xc2: {  	s30 =	smul.u32 $0x68A0, s29;
	_ =	sdelay $0x1  }
0xc3: {  	s7 =	sadd.s32 $0x68A0, s30  }
0xc4: {  	v5 =	vmov s30;
	v6 =	vmov s7  }
0xc5: {  	vm0 =	vge.s32 v7, v5;
	vm1 =	vlt.s32 v7, v6  }
0xc6: {  	vm0 =	vmand vm0, vm1  }
0xc7: {  	v8 =	vsel vm0, $0x1, v4  }
0xc8: {  	(xrf0) =	vadd.scan.msk.s32 $0xffff, v8;
	_ =	sdelay $0x2  }
0xc9: {  	v8 =	vmov s28  }
0xca: {  	v8 =	vadd.s32 $0xFFFFFFFF, v8  }
0xcb: {  	v8 =	vbroadcast v8, $0x0  }
0xcc: {  	v9, _, _ =	vpop (xrf0)  }
0xcd: {  	v8 =	vadd.s32 v9, v8;
	(v2sf) =	vpush v9, $0xF;
	_ =	sdelay $0x3  }
0xce: {  	v10 =	vadd.s32 s22, v3  }
0xcf: {  	s31 =	simm.s32 $0x10;
	v7 =	vsub.s32 v7, v5;
	[tilespmem:v8+s17+$0x0] =	vst.idx.msk vm0, v10  }
0xd0: {  	s6 =	simm.s32 $0x0;
	s0 =	smov.u32 s22;
	s7 =	simm.s32 $0x80;
	[tilespmem:v8+s18+$0x0] =	vst.idx.msk vm0, v7  }
.LBB2_7:
0xd1: {  	p0 =	sne.s32 s7, $0x1840;
	v7 =	vld [tilespmem:s31+$0x1B520];
	_ =	sdelay $0x4  }
0xd2: {  	vm0 =	vge.s32 v7, v5;
	vm1 =	vlt.s32 v7, v6;
	v7 =	vsub.s32 v7, v5  }
0xd3: {  	vm0 =	vmand vm0, vm1  }
0xd4: {  	v8 =	vsel vm0, $0x1, v4  }
0xd5: {  	(xrf0) =	vadd.scan.msk.s32 $0xffff, v8;
	s31 =	spop (v2sf)  }
0xd6: {  	s6 =	sadd.s32 s6, s31  }
0xd7: {  	v8 =	vmov s6  }
0xd8: {  	v8 =	vadd.s32 $0xFFFFFFFF, v8  }
0xd9: {  	v8 =	vbroadcast v8, $0x0;
	_ =	sdelay $0x1  }
0xda: {  	v9, _, _ =	vpop (xrf0)  }
0xdb: {  	v8 =	vadd.s32 v9, v8;
	(v2sf) =	vpush v9, $0xF;
	_ =	sdelay $0x1  }
.Ltmp6:
0xdc: {  	(pc) =	sbr.rel @p0 .LBB2_7-.Ltmp6, $4  }
0xdd: {  	s0 =	sadd.s32 $0x10, s0  }
0xde: {  	v9 =	vadd.s32 s0, v3  }
0xdf: {  	[tilespmem:v8+s17+$0x0] =	vst.idx.msk vm0, v9  }
0xe0: {  	s31 =	sshra.s32 s7, $0x2;
	s7 =	sadd.s32 $0x40, s7;
	[tilespmem:v8+s18+$0x0] =	vst.idx.msk vm0, v7  }
0xe1: {  	v7 =	vld [tilespmem:s31+$0x1B520];
	_ =	sdelay $0x4  }
0xe2: {  	vm0 =	vge.s32 v7, v5;
	vm1 =	vlt.s32 v7, v6  }
0xe3: {  	vm0 =	vmand vm0, vm1  }
0xe4: {  	v6 =	vsel vm0, $0x1, v4  }
0xe5: {  	(xrf0) =	vadd.scan.msk.s32 $0xffff, v6;
	_ =	sdelay $0x5  }
0xe6: {  	v6, _, _ =	vpop (xrf0)  }
0xe7: {  	(v2sf) =	vpush v6, $0xF;
	_ =	sdelay $0x8  }
0xe8: {  	s7 =	spop (v2sf)  }
0xe9: {  	s6 =	sadd.s32 s6, s7  }
0xea: {  	v8 =	vmov s6  }
0xeb: {  	v8 =	vadd.s32 $0xFFFFFFFF, v8  }
0xec: {  	v8 =	vbroadcast v8, $0x0;
	_ =	sdelay $0x1  }
0xed: {  	s0 =	sadd.s32 $0x10, s0;
	v6 =	vadd.s32 v6, v8;
	s7 =	spop (v2sf)  }
0xee: {  	v63 =	vadd.s32 s0, v3;
	s0 =	sadd.s32 s6, s7  }
0xef: {  	s6 =	sadd.s32 $0x3F, s0  }
0xf0: {  	s7 =	sand.u32 $0x3F, s6  }
0xf1: {  	p1 =	slt.s32 s6, $0x1;
	p0 =	sne.s32 s7, $0x0;
	s7 =	sshra.s32 s6, $0x1F  }
0xf2: {  	v5 =	vsub.s32 v7, v5;
	[tilespmem:v6+s17+$0x0] =	vst.idx.msk vm0, v63;
	s7 =	sshrl.u32 s7, $0x1A;
	p0 =	por !p1, !p0  }
0xf3: {  	[tilespmem:v6+s18+$0x0] =	vst.idx.msk vm0, v5;
	s6 =	sadd.s32 s7, s6;
	p0 =	por !p0, !p0;
	s7 =	simm.s32 $0x1  }
0xf4: {  	[tilespmem:s0+$0x1BB40] =	vst v0;
	s6 =	sshra.s32 s6, $0x6;
	s7 =	simm.s32 @!p0 $0x0  }
0xf5: {  	[tilespmem:s0+$0x1C1B0] =	vst v1;
	s31 =	ssub.s32 s6, s7  }
0xf6: {  	[tilespmem:s0+$0x1BB50] =	vst v0;
	p0 =	slt.s32 s31, $0x1  }
.Ltmp7:
0xf7: {  	[tilespmem:s0+$0x1C1C0] =	vst v1;
	(pc) =	sbr.rel @p0 .LBB2_12-.Ltmp7, $4  }
0xf8: {  	[tilespmem:s0+$0x1BB60] =	vst v0  }
0xf9: {  	[tilespmem:s0+$0x1C1D0] =	vst v1  }
0xfa: {  	[tilespmem:s0+$0x1BB70] =	vst v0  }
0xfb: {  	[tilespmem:s0+$0x1C1E0] =	vst v1  }
0xfc: {  	s0 =	simm.s32 $0x1BB60  }
0xfd: {  	v5 =	vld [tilespmem:s0+$0xFFFFFFE0];
	_ =	sdelay $0x4  }
0xfe: {  	[tilespmem:$0x1C820] =	vst v5  }
0xff: {  	v5 =	vld [tilespmem:s0+$0xFFFFFFF0];
	_ =	sdelay $0x4  }
0x100: {  	[tilespmem:$0x1C830] =	vst v5  }
0x101: {  	v5 =	vld [tilespmem:s0+$0x0];
	_ =	sdelay $0x4  }
0x102: {  	[tilespmem:$0x1C840] =	vst v5  }
0x103: {  	v5 =	vld [tilespmem:s0+$0x10];
	_ =	sdelay $0x4  }
0x104: {  	s6 =	simm.s32 $0x1C1D0;
	[tilespmem:$0x1C850] =	vst v5  }
0x105: {  	v5 =	vld [tilespmem:s6+$0xFFFFFFE0];
	_ =	sdelay $0x4  }
0x106: {  	[tilespmem:$0x1C860] =	vst v5  }
0x107: {  	v5 =	vld [tilespmem:s6+$0xFFFFFFF0];
	_ =	sdelay $0x4  }
0x108: {  	[tilespmem:$0x1C870] =	vst v5  }
0x109: {  	v5 =	vld [tilespmem:s6+$0x0];
	_ =	sdelay $0x4  }
0x10a: {  	[tilespmem:$0x1C880] =	vst v5  }
0x10b: {  	v5 =	vld [tilespmem:s6+$0x10];
	_ =	sdelay $0x4  }
0x10c: {  	[tilespmem:$0x1C890] =	vst v5  }
0x10d: {  	[tilespmem:s23], [sflag:$0x1] =	stream.indirect.gather [hbm4b:s5+s19], $0x40, s21, s19, $0xb8;
	[tilespmem:$0x1E8A0] =	vst v63  }
0x10e: {  	p0 =	sne.s32 s31, $0x1;
	_ =	swait.ge [sflag:s15], $0x1000  }
.Ltmp8:
0x10f: {  	[sflag:s15] =	ssyncset.done $0x0;
	(pc) =	sbr.rel @!p0 .LBB2_11-.Ltmp8, $4  }
0x110: {  	[sflag:s15] =	ssyncadd.s32 $0xFFFFF000  }
0x111: {  	[spmem:s3] =	stream.indirect.scatter.add.f32 [tilespmem:s23], [sflag:$0x1], $0x40, s25, s19, $0xb8;
	[tilespmem:$0x1E8A0] =	vst v63  }
0x112: {  	_ =	swait.ge [sflag:s15], $0x1000  }
0x113: {  	s7 =	sadd.s32 $0xFFFFFFFF, s31;
	[sflag:s15] =	ssyncset.done $0x0  }
.LBB2_10:
0x114: {  	[sflag:s15] =	ssyncadd.s32 $0xFFFFF000;
	s0 =	sadd.s32 $0x40, s0;
	s6 =	sadd.s32 $0x40, s6  }
0x115: {  	p0 =	sne.s32 s7, $0x1;
	s7 =	sadd.s32 $0xFFFFFFFF, s7;
	v5 =	vld [tilespmem:s0+$0xFFFFFFE0];
	_ =	sdelay $0x4  }
0x116: {  	[tilespmem:$0x1C820] =	vst v5  }
0x117: {  	v5 =	vld [tilespmem:s0+$0xFFFFFFF0];
	_ =	sdelay $0x4  }
0x118: {  	[tilespmem:$0x1C830] =	vst v5  }
0x119: {  	v5 =	vld [tilespmem:s0+$0x0];
	_ =	sdelay $0x4  }
0x11a: {  	[tilespmem:$0x1C840] =	vst v5  }
0x11b: {  	v5 =	vld [tilespmem:s0+$0x10];
	_ =	sdelay $0x4  }
0x11c: {  	[tilespmem:$0x1C850] =	vst v5  }
0x11d: {  	v5 =	vld [tilespmem:s6+$0xFFFFFFE0];
	_ =	sdelay $0x4  }
0x11e: {  	[tilespmem:$0x1C860] =	vst v5  }
0x11f: {  	v5 =	vld [tilespmem:s6+$0xFFFFFFF0];
	_ =	sdelay $0x4  }
0x120: {  	[tilespmem:$0x1C870] =	vst v5  }
0x121: {  	v5 =	vld [tilespmem:s6+$0x0];
	_ =	sdelay $0x4  }
0x122: {  	[tilespmem:$0x1C880] =	vst v5  }
0x123: {  	v5 =	vld [tilespmem:s6+$0x10];
	_ =	sdelay $0x4  }
0x124: {  	[tilespmem:$0x1C890] =	vst v5  }
0x125: {  	[tilespmem:s23], [sflag:$0x1] =	stream.indirect.gather [hbm4b:s5+s19], $0x40, s21, s19, $0xb8;
	[tilespmem:$0x1E8A0] =	vst v63  }
0x126: {  	_ =	swait.ge [sflag:s15], $0x1000  }
.Ltmp9:
0x127: {  	[sflag:s15] =	ssyncset.done $0x0;
	(pc) =	sbr.rel @p0 .LBB2_10-.Ltmp9, $4  }
0x128: {  	[sflag:s15] =	ssyncadd.s32 $0xFFFFF000  }
0x129: {  	[spmem:s3] =	stream.indirect.scatter.add.f32 [tilespmem:s23], [sflag:$0x1], $0x40, s25, s19, $0xb8;
	[tilespmem:$0x1E8A0] =	vst v63  }
0x12a: {  	_ =	swait.ge [sflag:s15], $0x1000  }
0x12b: {  	[sflag:s15] =	ssyncset.done $0x0  }
.LBB2_11:
0x12c: {  	[sflag:s15] =	ssyncadd.s32 $0xFFFFF000  }
.LBB2_12:
0x12d: {  	s0 =	sadd.s32 s30, s20  }
0x12e: {  	s6 =	sshll.u32 s1, $0x6;
	s0 =	sshll.u32 s0, $0x3  }
0x12f: {  	[bflag:$0x0] =	sbarrier.arrive $0xFFFF;
	s6 =	sor.u32 $0x1C01, s6;
	s0 =	sadd.s32 s2, s0  }
0x130: {  	[hbm:s0], [sflag:s6] =	dma.local [spmem:s24], $0x3450  }
0x131: {  	_ =	swait.ge [sflag:s15], $0x3450  }
0x132: {  	[sflag:s15] =	ssyncset.done $0x0  }
0x133: {  	[sflag:s15] =	ssyncadd.s32 $0xFFFFCBB0  }
0x134: {  	s6 =	simm.s32 $0x100;
	s0 =	simm.s32 $0x0;
	[bflag:$0x0] =	sbarrier.arrive $0xFFFF  }
.LBB2_13:
0x135: {  	p0 =	seq.s32 s6, $0x3F00;
	[tilespmem:s0+$0x1C8D0] =	vst v2;
	s7 =	smov.u32 s6;
	s6 =	sadd.s32 $0x100, s6  }
.Ltmp10:
0x136: {  	[tilespmem:s0+$0x1C8C0] =	vst v2;
	(pc) =	sbr.rel @!p0 .LBB2_13-.Ltmp10, $3  }
0x137: {  	[tilespmem:s0+$0x1C8A0] =	vst v2  }
0x138: {  	[tilespmem:s0+$0x1C8B0] =	vst v2;
	_ =	sdelay $0x1  }
0x139: {  	s0 =	sshra.s32 s7, $0x2  }
0x13a: {  	p0 =	sgt.s32 s31, $0x0  }
.Ltmp11:
0x13b: {  	_ = 	snop;
	(pc) =	sbr.rel @!p0 .LBB2_18-.Ltmp11, $4  }
0x13c: {  	[tilespmem:s0+$0x1C8D0] =	vst v2  }
0x13d: {  	[tilespmem:s0+$0x1C8C0] =	vst v2  }
0x13e: {  	[tilespmem:s0+$0x1C8A0] =	vst v2  }
0x13f: {  	[tilespmem:s0+$0x1C8B0] =	vst v2;
	s0 =	simm.s32 $0x1C1D0  }
0x140: {  	v5 =	vld [tilespmem:s0+$0xFFFFFFE0];
	_ =	sdelay $0x4  }
0x141: {  	[tilespmem:$0x1C860] =	vst v5  }
0x142: {  	v5 =	vld [tilespmem:s0+$0xFFFFFFF0];
	_ =	sdelay $0x4  }
0x143: {  	[tilespmem:$0x1C870] =	vst v5  }
0x144: {  	v5 =	vld [tilespmem:s0+$0x0];
	_ =	sdelay $0x4  }
0x145: {  	[tilespmem:$0x1C880] =	vst v5  }
0x146: {  	v5 =	vld [tilespmem:s0+$0x10];
	_ =	sdelay $0x2  }
0x147: {  	p0 =	sne.s32 s31, $0x1  }
.Ltmp12:
0x148: {  	_ = 	snop;
	(pc) =	sbr.rel @!p0 .LBB2_17-.Ltmp12, $4  }
0x149: {  	[tilespmem:$0x1C890] =	vst v5  }
0x14a: {  	[spmem:s3] =	stream.indirect.scatter [tilespmem:s16], [sflag:$0x1], $0x40, s25, s19, $0xb8;
	[tilespmem:$0x1E8A0] =	vst v63  }
0x14b: {  	_ =	swait.ge [sflag:s15], $0x1000  }
0x14c: {  	s6 =	sadd.s32 $0xFFFFFFFF, s31;
	[sflag:s15] =	ssyncset.done $0x0  }
.LBB2_16:
0x14d: {  	p0 =	sne.s32 s6, $0x1;
	[sflag:s15] =	ssyncadd.s32 $0xFFFFF000;
	s0 =	sadd.s32 $0x40, s0  }
0x14e: {  	s6 =	sadd.s32 $0xFFFFFFFF, s6;
	v5 =	vld [tilespmem:s0+$0xFFFFFFE0];
	_ =	sdelay $0x4  }
0x14f: {  	[tilespmem:$0x1C860] =	vst v5  }
0x150: {  	v5 =	vld [tilespmem:s0+$0xFFFFFFF0];
	_ =	sdelay $0x4  }
0x151: {  	[tilespmem:$0x1C870] =	vst v5  }
0x152: {  	v5 =	vld [tilespmem:s0+$0x0];
	_ =	sdelay $0x4  }
0x153: {  	[tilespmem:$0x1C880] =	vst v5  }
0x154: {  	v5 =	vld [tilespmem:s0+$0x10];
	_ =	sdelay $0x3  }
.Ltmp13:
0x155: {  	(pc) =	sbr.rel @p0 .LBB2_16-.Ltmp13, $4  }
0x156: {  	[tilespmem:$0x1C890] =	vst v5  }
0x157: {  	[spmem:s3] =	stream.indirect.scatter [tilespmem:s16], [sflag:$0x1], $0x40, s25, s19, $0xb8;
	[tilespmem:$0x1E8A0] =	vst v63  }
0x158: {  	_ =	swait.ge [sflag:s15], $0x1000  }
0x159: {  	[sflag:s15] =	ssyncset.done $0x0  }
.Ltmp14:
0x15a: {  	_ = 	snop;
	(pc) =	sbr.rel .LBB2_17-.Ltmp14, $1  }
0x15b: {  	_ =	sdelay $0x3  }
.LBB2_20:
0x15c: {  	_ =	sfence.sel $0x180000  }
0x15d: {  	[bflag:$0x0] =	sbarrier.arrive $0xFFFF  }
0x15e: {  	_ =	strace $0x90000047  }
0x15f: {  	[bflag:$0x2] =	sbarrier.arrive $0xFFFF  }
0x160: {  	p0 =	sne.s32 s1, $0x0;
	s0 =	rddreg [dreg:$0x3]  }
0x161: {  	s0 =	sadd.s32 @!p0 $0x100000, s0  }
0x162: {  	[sflag:s0] =	ssyncadd.tile.s32 @!p0 $0x1;
	_ =	shalt  }
.Lfunc_end2:
_tile_overlayer_lowered:
.L_overlay_start_2:
0x163: {  	(tag) =	ssettag $0x2  }
0x164: {  	s0 =	rddreg [dreg:$0x0];
	s2 =	stileid.u32  }
0x165: {  	s1 =	rddreg [dreg:$0x1];
	p0 =	sne.s32 s2, $0x0  }
0x166: {  	s3 =	rddreg [dreg:$0x2];
	[bflag:$0x3] =	sbarrier.arrive $0xFFFF;
	s2 =	simm.s32 @!p0 $0x1C01  }
0x167: {  	[timem:s3], [sflag:s2] =	dma.local @!p0 [hbm:s0], s1  }
0x168: {  	s0 =	simm.s32 @!p0 $0x1  }
0x169: {  	_ =	swait.ge @!p0 [sflag:s0], s1  }
0x16a: {  	s1 =	ssub.s32 @!p0 $0x0, s1;
	[sflag:s0] =	ssyncset.done @!p0 $0x0  }
0x16b: {  	[sflag:s0] =	ssyncadd.s32 @!p0 s1  }
0x16c: {  	[bflag:$0x3] =	sbarrier.arrive $0xFFFF  }
0x16d: {  	_ =	shalt  }

// kernel: kernel.8.cloned.1.call-start
scs
__scs_entry_jumppad:
0x0: {  	(pc) =	sbr.rel $0x88, $3  }
0x1: {  	(tag) =	ssettag $0x0;
	lr =	simm.s32 $0x1  }
0x2: {  	[smem:$0x3F9C] =	sst lr;
	_ =	strace $0xD0000000  }
0x3: {  	_ = 	snop  }
0x4: {  	_ = 	snop  }
0x5: {  	_ = 	snop  }
0x6: {  	_ = 	snop  }
0x7: {  	_ = 	snop  }
__scs_overlays_trampoline_lowered:
0x8: {  	[smem:$0x3FAB] =	sst s0  }
0x9: {  	[smem:$0x3FAC] =	sst s1  }
0xa: {  	[smem:$0x3FAD] =	sst s2  }
0xb: {  	[smem:$0x3FAE] =	sst s3  }
0xc: {  	[smem:$0x3FAF] =	sst s4  }
0xd: {  	[smem:$0x3FB0] =	sst s5  }
0xe: {  	[smem:$0x3FB1] =	sst s6  }
0xf: {  	[smem:$0x3FB2] =	sst s7  }
0x10: {  	[smem:$0x3FB3] =	sst s8  }
0x11: {  	[smem:$0x3FB4] =	sst s9;
	s0 =	simm.s32 @!p0 $0x0  }
0x12: {  	s1 =	sld [smem:$0x3F9A];
	s0 =	simm.s32 @p0 $0x1  }
0x13: {  	[smem:$0x3FB5] =	sst s0;
	s0 =	simm.s32 @!p1 $0x0  }
0x14: {  	s2 =	sld [smem:$0x3F99];
	s0 =	simm.s32 @p1 $0x1  }
0x15: {  	[smem:$0x3FB6] =	sst s0;
	s0 =	simm.s32 @!p2 $0x0  }
0x16: {  	s3 =	sld [smem:$0x3FDB];
	s0 =	simm.s32 @p2 $0x1  }
0x17: {  	s4 =	simm.s32 $0x1BF5;
	[smem:$0x3FB8] =	sst s0  }
0x18: {  	s0 =	sld [smem:$0x3F9B];
	_ =	swait.ge [sflag:s4], $0x0  }
0x19: {  	s7 =	sld [smem:$0x3F9C]  }
0x1a: {  	s8 =	sadd.s32 $0xFFFFE003, lr  }
0x1b: {  	s9 =	sadd.s32 $0xFFFFFEF7, lr;
	s5 =	simm.s32 $0xFFFFFFFF;
	p2 =	slt.u32 s8, $0xFFFFF086  }
0x1c: {  	p1 =	slt.u32 s9, $0xF7A;
	s5 =	simm.s32 @!p2 $0x0  }
0x1d: {  	s5 =	simm.s32 @p1 $0x1;
	p0 =	seq.s32 s7, s2  }
0x1e: {  	s7 =	smul.u32 @!p0 $0xF7A, s2;
	p2 =	seq.s32 @!p0 s5, $0x0  }
0x1f: {  	s9 =	smul.u32 $0xF7A, s1;
	s8 =	simm.s32 @!p0 $0x1BF5;
	p2 =	por !p2, p0  }
0x20: {  	[sflag:s8] =	ssyncset.s32 @!p0 $0xFFFFF086;
	s6 =	sadd.s32 @!p0 s3, s7;
	s7 =	simm.s32 @!p0 $0x108  }
0x21: {  	s3 =	sadd.s32 s3, s9;
	s6 =	sadd.s32 @!p0 $0x88, s6;
	s7 =	simm.s32 @p2 $0x1082  }
0x22: {  	[simem:s7], [sflag:s8] =	dma.local @!p0 [hbm:s6], $0xF7A  }
0x23: {  	s9 =	sor.u32 $0xD0000000, s2;
	s6 =	simm.s32 $0x108;
	_ =	swait.ge @!p0 [sflag:s8], $0x0  }
0x24: {  	s3 =	sadd.s32 $0x88, s3;
	s6 =	simm.s32 @!p1 $0x1082;
	[sflag:s4] =	ssyncset.s32 $0xFFFFF086  }
0x25: {  	[simem:s6], [sflag:s4] =	dma.local [hbm:s3], $0xF7A  }
0x26: {  	[smem:$0x3F9C] =	sst s1;
	(tag) =	ssettag s2;
	_ =	strace s9  }
0x27: {  	s1 =	sld [smem:$0x3FAC]  }
0x28: {  	s2 =	sld [smem:$0x3FAD]  }
0x29: {  	s4 =	sld [smem:$0x3FAF]  }
0x2a: {  	p0 =	seq.s32 s5, $0x0;
	s5 =	sld [smem:$0x3FB0]  }
0x2b: {  	s6 =	sld [smem:$0x3FB1]  }
0x2c: {  	s7 =	sld [smem:$0x3FB2]  }
0x2d: {  	s3 =	simm.s32 $0x108;
	s8 =	sld [smem:$0x3FB3]  }
0x2e: {  	s3 =	simm.s32 @!p0 $0x1082;
	s9 =	sld [smem:$0x3FB4]  }
0x2f: {  	lr =	sadd.s32 s0, s3;
	s0 =	sld [smem:$0x3FAB]  }
0x30: {  	s3 =	sld [smem:$0x3FAE]  }
0x31: {  	[smem:$0x3FB7] =	sst s10  }
0x32: {  	s10 =	sld [smem:$0x3FB5];
	_ =	sdelay $0x3  }
0x33: {  	p0 =	seq.s32 s10, $0x1;
	s10 =	sld [smem:$0x3FB7];
	_ =	sdelay $0x3  }
0x34: {  	[smem:$0x3FB7] =	sst s10  }
0x35: {  	s10 =	sld [smem:$0x3FB6];
	_ =	sdelay $0x3  }
0x36: {  	p1 =	seq.s32 s10, $0x1;
	s10 =	sld [smem:$0x3FB7];
	_ =	sdelay $0x3  }
0x37: {  	[smem:$0x3FB7] =	sst s10  }
0x38: {  	s10 =	sld [smem:$0x3FB8]  }
0x39: {  	_ = 	snop;
	(pc) =	sbr.ind lr, $3  }
0x3a: {  	_ = 	snop  }
0x3b: {  	_ = 	snop  }
0x3c: {  	p2 =	seq.s32 s10, $0x1;
	s10 =	sld [smem:$0x3FB7]  }
0x3d: {  	_ =	shalt  }
0x3e: {  	_ =	shalt  }
0x3f: {  	_ =	shalt  }
0x40: {  	_ =	shalt  }
0x41: {  	_ =	shalt  }
0x42: {  	_ =	shalt  }
0x43: {  	_ =	shalt  }
0x44: {  	_ =	shalt  }
0x45: {  	_ =	shalt  }
0x46: {  	_ =	shalt  }
0x47: {  	_ =	shalt  }
0x48: {  	_ =	shalt  }
0x49: {  	_ =	shalt  }
0x4a: {  	_ =	shalt  }
0x4b: {  	_ =	shalt  }
0x4c: {  	_ =	shalt  }
0x4d: {  	_ =	shalt  }
0x4e: {  	_ =	shalt  }
0x4f: {  	_ =	shalt  }
0x50: {  	_ =	shalt  }
0x51: {  	_ =	shalt  }
0x52: {  	_ =	shalt  }
0x53: {  	_ =	shalt  }
0x54: {  	_ =	shalt  }
0x55: {  	_ =	shalt  }
0x56: {  	_ =	shalt  }
0x57: {  	_ =	shalt  }
0x58: {  	_ =	shalt  }
0x59: {  	_ =	shalt  }
0x5a: {  	_ =	shalt  }
0x5b: {  	_ =	shalt  }
0x5c: {  	_ =	shalt  }
0x5d: {  	_ =	shalt  }
0x5e: {  	_ =	shalt  }
0x5f: {  	_ =	shalt  }
0x60: {  	_ =	shalt  }
0x61: {  	_ =	shalt  }
0x62: {  	_ =	shalt  }
0x63: {  	_ =	shalt  }
0x64: {  	_ =	shalt  }
0x65: {  	_ =	shalt  }
0x66: {  	_ =	shalt  }
0x67: {  	_ =	shalt  }
0x68: {  	_ =	shalt  }
0x69: {  	_ =	shalt  }
0x6a: {  	_ =	shalt  }
0x6b: {  	_ =	shalt  }
0x6c: {  	_ =	shalt  }
0x6d: {  	_ =	shalt  }
0x6e: {  	_ =	shalt  }
0x6f: {  	_ =	shalt  }
0x70: {  	_ =	shalt  }
0x71: {  	_ =	shalt  }
0x72: {  	_ =	shalt  }
0x73: {  	_ =	shalt  }
0x74: {  	_ =	shalt  }
0x75: {  	_ =	shalt  }
0x76: {  	_ =	shalt  }
0x77: {  	_ =	shalt  }
0x78: {  	_ =	shalt  }
0x79: {  	_ =	shalt  }
0x7a: {  	_ =	shalt  }
0x7b: {  	_ =	shalt  }
0x7c: {  	_ =	shalt  }
0x7d: {  	_ =	shalt  }
0x7e: {  	_ =	shalt  }
0x7f: {  	_ =	shalt  }
0x80: {  	_ =	shalt  }
0x81: {  	_ =	shalt  }
0x82: {  	_ =	shalt  }
0x83: {  	_ =	shalt  }
0x84: {  	_ =	shalt  }
0x85: {  	_ =	shalt  }
0x86: {  	_ =	shalt  }
0x87: {  	_ =	shalt  }
.Lfunc_end0:
.L_simem_size_0:
called_computation.2_lowered:
.L_overlay_start_0:
0x88: {  	s2 =	sld [smem:$0x3FD9]  }
0x89: {  	s3 =	sld [smem:$0x3FFE];
	_ =	sdelay $0x1  }
0x8a: {  	s1 =	srdreg.scid  }
0x8b: {  	s0 =	sand.u32 $0x1, s1  }
0x8c: {  	s15 =	sshll.u32 s0, $0xA;
	s2 =	sadd.s32 s3, s2  }
0x8d: {  	s2 =	sadd.s32 s2, s15  }
0x8e: {  	[smem:$0x3FC3] =	sst s2  }
0x8f: {  	_ = 	snop  }
0x90: {  	s2 =	sld [smem:$0x3FD0];
	_ =	sdelay $0x2  }
0x91: {  	s16 =	simm.s32 $0xB;
	s4 =	simm.s32 $0x10  }
0x92: {  	[smem:s4], [sflag:s16] =	dma.local [hbm:s2], $0x1  }
0x93: {  	_ =	swait.eq [sflag:s16], $0x1  }
0x94: {  	[sflag:s16] =	ssyncset.done $0x0  }
0x95: {  	[sflag:s16] =	ssyncadd.s32 $0xFFFFFFFF  }
0x96: {  	s17 =	sld [smem:$0x11];
	(tm) =	ssettm $0x1  }
0x97: {  	s18 =	sld [smem:$0x3FFB];
	_ =	sdelay $0x3  }
0x98: {  	_ =	strace s18  }
0x99: {  	s2 =	sld [smem:$0x3FFC];
	_ =	sdelay $0x3  }
0x9a: {  	_ =	strace s2  }
0x9b: {  	s2 =	sld [smem:$0x3FFD];
	_ =	sdelay $0x3  }
0x9c: {  	_ =	strace s2  }
0x9d: {  	_ =	strace $0x8FFFFFFF  }
0x9e: {  	s19 =	sld [smem:$0x3FDB];
	_ =	sdelay $0x1  }
0x9f: {  	s20 =	simm.s32 $_scs_section_size  }
0xa0: {  	s5 =	simm.s32 $_size__tile_overlayer_lowered;
	s6 =	simm.s32 $_tile_overlayer_lowered  }
0xa1: {  	s7 =	simm.s32 $0x1BFF;
	s21 =	sshll.u32 s6, $0x1;
	s4 =	sadd.s32 s20, s19  }
0xa2: {  	s22 =	simm.s32 $0x0;
	s5 =	sshll.u32 s5, $0x1;
	s6 =	sadd.s32 s21, s4  }
0xa3: {  	[timem:s22], [sflag:s7] =	dma.local [hbm:s6], s5  }
0xa4: {  	_ =	swait.ge [sflag:s7], s5  }
0xa5: {  	s5 =	ssub.s32 $0x0, s5;
	[sflag:s7] =	ssyncset.done $0x0  }
0xa6: {  	[sflag:s7] =	ssyncadd.s32 s5;
	_ =	sdelay $0x1  }
0xa7: {  	s23 =	simm.s32 $0x1B8B  }
0xa8: {  	_ =	swait.ge [sflag:s23], $0x1  }
0xa9: {  	[sflag:s23] =	ssyncset.done $0x0  }
0xaa: {  	[sflag:s23] =	ssyncadd.s32 $0xFFFFFFFF  }
0xab: {  	s5 =	sld [smem:$0x0]  }
0xac: {  	s6 =	sand.u32 $0xFFFFFFFE, s1  }
0xad: {  	p0 =	sne.s32 s1, s6  }
0xae: {  	s6 =	sshll.u32 @p0 s6, $0xE  }
0xaf: {  	s6 =	sadd.s32 @p0 $0x11B8D, s6;
	s7 =	sshll.u32 @p0 s5, $0x11  }
0xb0: {  	s6 =	sor.u32 @p0 s7, s6  }
0xb1: {  	[sflag:s6] =	ssyncadd.remote.s32 @p0 $0x1;
	_ =	sdelay $0x1  }
0xb2: {  	s6 =	simm.s32 @p0 $0x1B8D  }
0xb3: {  	_ =	swait.eq @p0 [sflag:s6], $0x1  }
0xb4: {  	[sflag:s6] =	ssyncadd.s32 @p0 $0xFFFFFFFF  }
0xb5: {  	s7 =	sshll.u32 @!p0 s1, $0xE  }
0xb6: {  	s7 =	sor.u32 @!p0 $0x4000, s7;
	s6 =	simm.s32 @!p0 $0x1B8D  }
0xb7: {  	s5 =	sshll.u32 @!p0 s5, $0x11;
	s7 =	sadd.s32 @!p0 $0x11B8D, s7;
	_ =	swait.eq @!p0 [sflag:s6], $0x1  }
0xb8: {  	s5 =	sor.u32 @!p0 s5, s7;
	[sflag:s6] =	ssyncadd.s32 @!p0 $0xFFFFFFFF  }
0xb9: {  	s25 =	simm.s32 $0x1B8E;
	s24 =	sld [smem:$0x3FFE];
	[sflag:s5] =	ssyncadd.remote.s32 @!p0 $0x1  }
0xba: {  	s26 =	simm.s32 $execute0_lowered;
	[smem:$0x3FD2] =	sst s25  }
0xbb: {  	s6 =	sshll.u32 s26, $0x1;
	_ =	strace $0x80000049;
	[dreg:$0x1] =	wrdreg $0xFFFFFFFF  }
0xbc: {  	s28 =	simm.s32 $_size_execute0_lowered;
	s4 =	sadd.s32 s4, s6;
	[dreg:$0x0] =	wrdreg $0x0  }
0xbd: {  	s6 =	sshll.u32 s28, $0x1;
	[dreg:$0x2] =	wrdreg s4  }
0xbe: {  	[dreg:$0x3] =	wrdreg s6  }
0xbf: {  	[dreg:$0x4] =	wrdreg $0xC0  }
0xc0: {  	_ =	task [dreg:s22], $0x5FFFF  }
0xc1: {  	[dreg:$0x1] =	wrdreg $0xFFFFFFFF  }
0xc2: {  	[dreg:$0x0] =	wrdreg $0x60  }
0xc3: {  	[dreg:$0x2] =	wrdreg s17  }
0xc4: {  	[dreg:$0x3] =	wrdreg s24  }
0xc5: {  	[dreg:$0x4] =	wrdreg $0x0  }
0xc6: {  	[dreg:$0x5] =	wrdreg $0x9  }
0xc7: {  	_ =	task.clear_ibuf [dreg:s22], $0x6FFFF;
	_ =	strace $0x90000049  }
0xc8: {  	s29 =	simm.s32 $0x9;
	_ =	strace $0x8000004B  }
0xc9: {  	_ =	swait.ge [sflag:s29], $0x1  }
0xca: {  	[sflag:s29] =	ssyncadd.s32 $0xFFFFFFFF  }
0xcb: {  	_ =	strace $0x9000004B  }
0xcc: {  	_ =	sfence  }
0xcd: {  	s30 =	sld [smem:$0x0];
	_ =	sdelay $0x2  }
0xce: {  	s31 =	sshll.u32 s1, $0xD;
	s1 =	sshrl.u32 s1, $0x2  }
0xcf: {  	s4 =	sand.u32 $0x4000, s31;
	s1 =	sadd.s32 s1, s30  }
0xd0: {  	s0 =	sor.u32 s4, s0;
	s1 =	sshll.u32 s1, $0x11  }
0xd1: {  	s0 =	sor.u32 s1, s0  }
0xd2: {  	s0 =	sadd.s32 $0x8F2B, s0  }
0xd3: {  	[sflag:s0] =	ssyncadd.remote.s32 $0x1  }
0xd4: {  	_ =	sfence.sel $0xFFFF  }
0xd5: {  	[dreg:$0x0] =	wrdreg $0xFFFFFFFF;
	(pc) =	sbr.abs _section_cstart, $3  }
0xd6: {  	[dreg:$0x1] =	wrdreg $0xFFFFFFFF  }
0xd7: {  	_ =	task.clear_ibuf [dreg:s22], $0x2FFFF;
	_ =	strace $0x9FFFFFFF  }
0xd8: {  	(tm) =	ssettm $0x7FFFFFFF  }
0xd9: {  	_ =	shalt  }
tec
execute0_lowered:
.L_overlay_start_1:
0x0: {  	(tag) =	ssettag $0x1  }
0x1: {  	s1 =	rddreg [dreg:$0x0]  }
0x2: {  	s0 =	srdreg.scid;
	s2 =	rddreg [dreg:$0x1]  }
0x3: {  	s12 =	stileid.u32;
	s3 =	rddreg [dreg:$0x2]  }
0x4: {  	s4 =	simm.s32 $0x0;
	s0 =	sand.u32 $0x1, s0;
	s5 =	smul.u32 $0x620, s12  }
0x5: {  	[smem:$0x7FF] =	sst s4;
	s6 =	smul.u32 $0x6200, s0  }
0x6: {  	s8 =	smul.u32 $0x68A20, s12;
	s9 =	sadd.s32 $0x4A00, s2;
	s24 =	ssub.s32 $0x2, s0  }
0x7: {  	_ =	strace $0x8000004A;
	s25 =	sshrl.u32 s24, $0x1;
	s6 =	sadd.s32 s5, s6  }
0x8: {  	[dreg:$0x4] =	wrdreg s9;
	s9 =	ssub.s32 s24, s25;
	s6 =	sshrl.u32 s6, $0x3  }
0x9: {  	s7 =	smul.u32 $0x3451, s12;
	s25 =	smax.u32 s9, $0x1;
	s6 =	sadd.s32 s6, s2  }
0xa: {  	s8 =	sshrl.u32 s8, $0x2;
	[dreg:$0x15] =	wrdreg s25;
	s26 =	sadd.s32 $0x3000, s6  }
0xb: {  	s2 =	sadd.s32 s7, s2;
	s10 =	sadd.s32 $0x1600, s6;
	[dreg:$0x5] =	wrdreg s26  }
0xc: {  	s7 =	sadd.s32 s8, s3;
	s6 =	sadd.s32 $0xC8000, s6;
	[dreg:$0x6] =	wrdreg s10  }
0xd: {  	s11 =	sadd.s32 $0x1000, s7;
	[dreg:$0x7] =	wrdreg s6  }
0xe: {  	s13 =	sadd.s32 $0x2000, s7;
	[dreg:$0x8] =	wrdreg s11  }
0xf: {  	s18 =	smul.u32 $0x61A8, s0;
	s14 =	sadd.s32 $0x3000, s7;
	[dreg:$0x9] =	wrdreg s13  }
0x10: {  	s0 =	smul.u32 $0x34510, s0;
	s15 =	sadd.s32 $0x4000, s7;
	[dreg:$0xa] =	wrdreg s14  }
0x11: {  	s16 =	sadd.s32 $0x5000, s7;
	s17 =	sadd.s32 $0x6000, s7;
	[dreg:$0xb] =	wrdreg s15  }
0x12: {  	s19 =	sadd.s32 $0x7000, s7;
	s20 =	sadd.s32 $0x8000, s7;
	[dreg:$0xc] =	wrdreg s16  }
0x13: {  	s21 =	sadd.s32 $0x9000, s7;
	s22 =	sadd.s32 $0xA000, s7;
	[dreg:$0xd] =	wrdreg s17  }
0x14: {  	s23 =	sadd.s32 $0xB000, s7;
	s0 =	sadd.s32 s0, s2;
	[dreg:$0xe] =	wrdreg s19  }
0x15: {  	s24 =	sadd.s32 $0xC000, s7;
	s28 =	sadd.s32 $0xF000, s7;
	[dreg:$0xf] =	wrdreg s20  }
0x16: {  	s29 =	sadd.s32 $0x10000, s7;
	s30 =	sadd.s32 $0x11000, s7;
	[dreg:$0x10] =	wrdreg s21  }
0x17: {  	s31 =	sadd.s32 $0x12000, s7;
	s2 =	sadd.s32 $0x13000, s7;
	[dreg:$0x11] =	wrdreg s22  }
0x18: {  	s8 =	sadd.s32 $0x17000, s7;
	s9 =	sadd.s32 $0x18000, s7;
	[dreg:$0x12] =	wrdreg s23  }
0x19: {  	[dreg:$0x13] =	wrdreg s24;
	s22 =	sadd.s32 s5, s18;
	s15 =	sadd.s32 s12, s18  }
0x1a: {  	s0 =	sadd.s32 $0x4C00, s0;
	s26 =	sadd.s32 $0xD000, s7;
	s5 =	sadd.s32 $0x15000, s7  }
0x1b: {  	s6 =	sadd.s32 $0x16000, s7;
	s10 =	sadd.s32 $0x19000, s7;
	s11 =	sadd.s32 $0x1A000, s7  }
.Ltmp0:
0x1c: {  	s18 =	sor.u32 $0x34500, s12;
	s12 =	simm.s32 $0x1;
	(pc) =	sbr.rel .LBB2_1-.Ltmp0, $4  }
0x1d: {  	s13 =	simm.s32 $0x1CA68;
	s14 =	simm.s32 $0x1BB08;
	s16 =	simm.s32 $0x40  }
0x1e: {  	s17 =	simm.s32 $0x1C7E8;
	s19 =	simm.s32 $0x1C828;
	[dreg:$0x14] =	wrdreg s0  }
0x1f: {  	v2 =	vlaneseq.u32;
	s20 =	simm.s32 $0x0;
	[dreg:$0x16] =	wrdreg s26;
	s26 =	sadd.s32 $0xE000, s7  }
0x20: {  	v3 =	vimm.s32 $0x0;
	s0 =	sadd.s32 $0x14000, s7;
	v0 =	vmov s15;
	s15 =	simm.s32 $0x1C178;
	v1 =	vmov s18;
	s18 =	simm.s32 $0x1C868  }
.LBB2_8:
0x21: {  	[sflag:s12] =	ssyncadd.s32 $0xFFFFFE00  }
.LBB2_9:
0x22: {  	s21 =	stileid.u32  }
0x23: {  	[bflag:$0x0] =	sbarrier.arrive $0xFFFF;
	s21 =	sshll.u32 s21, $0x6  }
0x24: {  	s23 =	sshrl.u32 s7, $0x3;
	s24 =	rddreg [dreg:$0x14];
	s21 =	sor.u32 $0x1C01, s21  }
0x25: {  	[hbm:s24], [sflag:s21] =	dma.local [spmem:s23], $0x3451  }
0x26: {  	_ =	swait.ge [sflag:s12], $0x3451  }
0x27: {  	s20 =	sadd.s32 $0x1, s20;
	s25 =	rddreg [dreg:$0x15]  }
0x28: {  	p0 =	sne.s32 s20, s25  }
.Ltmp1:
0x29: {  	_ = 	snop;
	(pc) =	sbr.rel @!p0 .LBB2_10-.Ltmp1, $3  }
0x2a: {  	_ =	sdelay $0x1  }
0x2b: {  	[sflag:s12] =	ssyncset.done $0x0  }
0x2c: {  	[sflag:s12] =	ssyncadd.s32 $0xFFFFCBAF  }
.LBB2_1:
0x2d: {  	s21 =	rddreg [dreg:$0x5];
	s23 =	simm.s32 $0x1A288  }
0x2e: {  	[tilespmem:s23], [sflag:$0x1] =	stream.linear.gather [hbm4b:s21+s4], $0x620, $0x38;
	[tilespmem:$0x1DA68] =	vst v63  }
0x2f: {  	_ =	swait.ge [sflag:s12], $0x620  }
0x30: {  	[sflag:s12] =	ssyncset.done $0x0  }
0x31: {  	s25 =	simm.s32 $0x1A8A8;
	s24 =	rddreg [dreg:$0x6];
	[sflag:s12] =	ssyncadd.s32 $0xFFFFF9E0  }
0x32: {  	[tilespmem:s25], [sflag:$0x1] =	stream.linear.gather [hbm4b:s24+s4], $0x620, $0x38;
	[tilespmem:$0x1DA68] =	vst v63  }
0x33: {  	_ =	swait.ge [sflag:s12], $0x620  }
0x34: {  	[sflag:s12] =	ssyncset.done $0x0  }
0x35: {  	s25 =	simm.s32 $0x1AEC8;
	s24 =	rddreg [dreg:$0x7];
	[sflag:s12] =	ssyncadd.s32 $0xFFFFF9E0  }
0x36: {  	[tilespmem:s25], [sflag:$0x1] =	stream.linear.gather [hbm4b:s24+s4], $0x620, $0x38;
	[tilespmem:$0x1DA68] =	vst v63  }
0x37: {  	_ =	swait.ge [sflag:s12], $0x620  }
0x38: {  	[sflag:s12] =	ssyncset.done $0x0  }
0x39: {  	s21 =	simm.s32 $0x0;
	[sflag:s12] =	ssyncadd.s32 $0xFFFFF9E0  }
0x3a: {  	v5 =	vld [tilespmem:s21+$0x1A288]  }
0x3b: {  	v4 =	vld [tilespmem:s21+$0x1A8A8]  }
0x3c: {  	v6 =	vld [tilespmem:s21+$0x1AEC8]  }
0x3d: {  	s23 =	simm.s32 $0x40  }
.LBB2_2:
0x3e: {  	p0 =	sne.s32 s23, $0x1840  }
.Ltmp2:
0x3f: {  	s24 =	sshra.s32 s23, $0x2;
	s23 =	sadd.s32 $0x40, s23;
	v7 =	vmul.u32 $0x1B0, v5;
	(pc) =	sbr.rel @p0 .LBB2_2-.Ltmp2, $4  }
0x40: {  	v5 =	vld [tilespmem:s24+$0x1A288]  }
0x41: {  	v7 =	vadd.s32 v4, v7;
	v4 =	vld [tilespmem:s24+$0x1A8A8];
	vm0 =	veq.s32 v6, $0x1  }
0x42: {  	v6 =	vld [tilespmem:s24+$0x1AEC8];
	v7 =	vnsel vm0, $0x7FFFFFFF, v7  }
0x43: {  	[tilespmem:s21+$0x1B4E8] =	vst v7;
	s21 =	smov.u32 s24  }
0x44: {  	_ = 	snop  }
0x45: {  	v5 =	vmul.u32 $0x1B0, v5;
	_ =	sdelay $0x1  }
0x46: {  	v4 =	vadd.s32 v4, v5;
	vm0 =	veq.s32 v6, $0x1  }
0x47: {  	v4 =	vnsel vm0, $0x7FFFFFFF, v4  }
0x48: {  	s23 =	rddreg [dreg:$0x4];
	[tilespmem:s21+$0x1B4E8] =	vst v4;
	s21 =	simm.s32 $0x0  }
0x49: {  	[tilespmem:s13], [sflag:$0x1] =	stream.linear.gather [hbm4b:s23+s21], $0x1000, $0x38;
	[tilespmem:$0x1DA68] =	vst v63  }
0x4a: {  	_ =	swait.ge [sflag:s12], $0x1000  }
0x4b: {  	[sflag:s12] =	ssyncset.done $0x0  }
0x4c: {  	[sflag:s12] =	ssyncadd.s32 $0xFFFFF000  }
0x4d: {  	[spmem:s7] =	stream.linear.scatter [tilespmem:s13], [sflag:$0x1], $0x1000, $0x38;
	[tilespmem:$0x1DA68] =	vst v63  }
0x4e: {  	_ =	swait.ge [sflag:s12], $0x1000  }
0x4f: {  	[sflag:s12] =	ssyncset.done $0x0  }
0x50: {  	s24 =	rddreg [dreg:$0x8];
	[sflag:s12] =	ssyncadd.s32 $0xFFFFF000  }
0x51: {  	[spmem:s24] =	stream.linear.scatter [tilespmem:s13], [sflag:$0x1], $0x1000, $0x38;
	[tilespmem:$0x1DA68] =	vst v63  }
0x52: {  	_ =	swait.ge [sflag:s12], $0x1000  }
0x53: {  	[sflag:s12] =	ssyncset.done $0x0  }
0x54: {  	s25 =	rddreg [dreg:$0x9];
	[sflag:s12] =	ssyncadd.s32 $0xFFFFF000  }
0x55: {  	[spmem:s25] =	stream.linear.scatter [tilespmem:s13], [sflag:$0x1], $0x1000, $0x38;
	[tilespmem:$0x1DA68] =	vst v63  }
0x56: {  	_ =	swait.ge [sflag:s12], $0x1000  }
0x57: {  	[sflag:s12] =	ssyncset.done $0x0  }
0x58: {  	s24 =	rddreg [dreg:$0xa];
	[sflag:s12] =	ssyncadd.s32 $0xFFFFF000  }
0x59: {  	[spmem:s24] =	stream.linear.scatter [tilespmem:s13], [sflag:$0x1], $0x1000, $0x38;
	[tilespmem:$0x1DA68] =	vst v63  }
0x5a: {  	_ =	swait.ge [sflag:s12], $0x1000  }
0x5b: {  	[sflag:s12] =	ssyncset.done $0x0  }
0x5c: {  	s25 =	rddreg [dreg:$0xb];
	[sflag:s12] =	ssyncadd.s32 $0xFFFFF000  }
0x5d: {  	[spmem:s25] =	stream.linear.scatter [tilespmem:s13], [sflag:$0x1], $0x1000, $0x38;
	[tilespmem:$0x1DA68] =	vst v63  }
0x5e: {  	_ =	swait.ge [sflag:s12], $0x1000  }
0x5f: {  	[sflag:s12] =	ssyncset.done $0x0  }
0x60: {  	s24 =	rddreg [dreg:$0xc];
	[sflag:s12] =	ssyncadd.s32 $0xFFFFF000  }
0x61: {  	[spmem:s24] =	stream.linear.scatter [tilespmem:s13], [sflag:$0x1], $0x1000, $0x38;
	[tilespmem:$0x1DA68] =	vst v63  }
0x62: {  	_ =	swait.ge [sflag:s12], $0x1000  }
0x63: {  	[sflag:s12] =	ssyncset.done $0x0  }
0x64: {  	s25 =	rddreg [dreg:$0xd];
	[sflag:s12] =	ssyncadd.s32 $0xFFFFF000  }
0x65: {  	[spmem:s25] =	stream.linear.scatter [tilespmem:s13], [sflag:$0x1], $0x1000, $0x38;
	[tilespmem:$0x1DA68] =	vst v63  }
0x66: {  	_ =	swait.ge [sflag:s12], $0x1000  }
0x67: {  	[sflag:s12] =	ssyncset.done $0x0  }
0x68: {  	s24 =	rddreg [dreg:$0xe];
	[sflag:s12] =	ssyncadd.s32 $0xFFFFF000  }
0x69: {  	[spmem:s24] =	stream.linear.scatter [tilespmem:s13], [sflag:$0x1], $0x1000, $0x38;
	[tilespmem:$0x1DA68] =	vst v63  }
0x6a: {  	_ =	swait.ge [sflag:s12], $0x1000  }
0x6b: {  	[sflag:s12] =	ssyncset.done $0x0  }
0x6c: {  	s25 =	rddreg [dreg:$0xf];
	[sflag:s12] =	ssyncadd.s32 $0xFFFFF000  }
0x6d: {  	[spmem:s25] =	stream.linear.scatter [tilespmem:s13], [sflag:$0x1], $0x1000, $0x38;
	[tilespmem:$0x1DA68] =	vst v63  }
0x6e: {  	_ =	swait.ge [sflag:s12], $0x1000  }
0x6f: {  	[sflag:s12] =	ssyncset.done $0x0  }
0x70: {  	s24 =	rddreg [dreg:$0x10];
	[sflag:s12] =	ssyncadd.s32 $0xFFFFF000  }
0x71: {  	[spmem:s24] =	stream.linear.scatter [tilespmem:s13], [sflag:$0x1], $0x1000, $0x38;
	[tilespmem:$0x1DA68] =	vst v63  }
0x72: {  	_ =	swait.ge [sflag:s12], $0x1000  }
0x73: {  	[sflag:s12] =	ssyncset.done $0x0  }
0x74: {  	s25 =	rddreg [dreg:$0x11];
	[sflag:s12] =	ssyncadd.s32 $0xFFFFF000  }
0x75: {  	[spmem:s25] =	stream.linear.scatter [tilespmem:s13], [sflag:$0x1], $0x1000, $0x38;
	[tilespmem:$0x1DA68] =	vst v63  }
0x76: {  	_ =	swait.ge [sflag:s12], $0x1000  }
0x77: {  	[sflag:s12] =	ssyncset.done $0x0  }
0x78: {  	s24 =	rddreg [dreg:$0x12];
	[sflag:s12] =	ssyncadd.s32 $0xFFFFF000  }
0x79: {  	[spmem:s24] =	stream.linear.scatter [tilespmem:s13], [sflag:$0x1], $0x1000, $0x38;
	[tilespmem:$0x1DA68] =	vst v63  }
0x7a: {  	_ =	swait.ge [sflag:s12], $0x1000  }
0x7b: {  	[sflag:s12] =	ssyncset.done $0x0  }
0x7c: {  	s25 =	rddreg [dreg:$0x13];
	[sflag:s12] =	ssyncadd.s32 $0xFFFFF000  }
0x7d: {  	[spmem:s25] =	stream.linear.scatter [tilespmem:s13], [sflag:$0x1], $0x1000, $0x38;
	[tilespmem:$0x1DA68] =	vst v63  }
0x7e: {  	_ =	swait.ge [sflag:s12], $0x1000  }
0x7f: {  	[sflag:s12] =	ssyncset.done $0x0  }
0x80: {  	s24 =	rddreg [dreg:$0x16];
	[sflag:s12] =	ssyncadd.s32 $0xFFFFF000  }
0x81: {  	[spmem:s24] =	stream.linear.scatter [tilespmem:s13], [sflag:$0x1], $0x1000, $0x38;
	[tilespmem:$0x1DA68] =	vst v63  }
0x82: {  	_ =	swait.ge [sflag:s12], $0x1000  }
0x83: {  	[sflag:s12] =	ssyncset.done $0x0  }
0x84: {  	[sflag:s12] =	ssyncadd.s32 $0xFFFFF000  }
0x85: {  	[spmem:s26] =	stream.linear.scatter [tilespmem:s13], [sflag:$0x1], $0x1000, $0x38;
	[tilespmem:$0x1DA68] =	vst v63  }
0x86: {  	_ =	swait.ge [sflag:s12], $0x1000  }
0x87: {  	[sflag:s12] =	ssyncset.done $0x0  }
0x88: {  	[sflag:s12] =	ssyncadd.s32 $0xFFFFF000  }
0x89: {  	[spmem:s28] =	stream.linear.scatter [tilespmem:s13], [sflag:$0x1], $0x1000, $0x38;
	[tilespmem:$0x1DA68] =	vst v63  }
0x8a: {  	_ =	swait.ge [sflag:s12], $0x1000  }
0x8b: {  	[sflag:s12] =	ssyncset.done $0x0  }
0x8c: {  	[sflag:s12] =	ssyncadd.s32 $0xFFFFF000  }
0x8d: {  	[spmem:s29] =	stream.linear.scatter [tilespmem:s13], [sflag:$0x1], $0x1000, $0x38;
	[tilespmem:$0x1DA68] =	vst v63  }
0x8e: {  	_ =	swait.ge [sflag:s12], $0x1000  }
0x8f: {  	[sflag:s12] =	ssyncset.done $0x0  }
0x90: {  	[sflag:s12] =	ssyncadd.s32 $0xFFFFF000  }
0x91: {  	[spmem:s30] =	stream.linear.scatter [tilespmem:s13], [sflag:$0x1], $0x1000, $0x38;
	[tilespmem:$0x1DA68] =	vst v63  }
0x92: {  	_ =	swait.ge [sflag:s12], $0x1000  }
0x93: {  	[sflag:s12] =	ssyncset.done $0x0  }
0x94: {  	[sflag:s12] =	ssyncadd.s32 $0xFFFFF000  }
0x95: {  	[spmem:s31] =	stream.linear.scatter [tilespmem:s13], [sflag:$0x1], $0x1000, $0x38;
	[tilespmem:$0x1DA68] =	vst v63  }
0x96: {  	_ =	swait.ge [sflag:s12], $0x1000  }
0x97: {  	[sflag:s12] =	ssyncset.done $0x0  }
0x98: {  	[sflag:s12] =	ssyncadd.s32 $0xFFFFF000  }
0x99: {  	[spmem:s2] =	stream.linear.scatter [tilespmem:s13], [sflag:$0x1], $0x1000, $0x38;
	[tilespmem:$0x1DA68] =	vst v63  }
0x9a: {  	_ =	swait.ge [sflag:s12], $0x1000  }
0x9b: {  	[sflag:s12] =	ssyncset.done $0x0  }
0x9c: {  	[sflag:s12] =	ssyncadd.s32 $0xFFFFF000  }
0x9d: {  	[spmem:s0] =	stream.linear.scatter [tilespmem:s13], [sflag:$0x1], $0x1000, $0x38;
	[tilespmem:$0x1DA68] =	vst v63  }
0x9e: {  	_ =	swait.ge [sflag:s12], $0x1000  }
0x9f: {  	[sflag:s12] =	ssyncset.done $0x0  }
0xa0: {  	[sflag:s12] =	ssyncadd.s32 $0xFFFFF000  }
0xa1: {  	[spmem:s5] =	stream.linear.scatter [tilespmem:s13], [sflag:$0x1], $0x1000, $0x38;
	[tilespmem:$0x1DA68] =	vst v63  }
0xa2: {  	_ =	swait.ge [sflag:s12], $0x1000  }
0xa3: {  	[sflag:s12] =	ssyncset.done $0x0  }
0xa4: {  	[sflag:s12] =	ssyncadd.s32 $0xFFFFF000  }
0xa5: {  	[spmem:s6] =	stream.linear.scatter [tilespmem:s13], [sflag:$0x1], $0x1000, $0x38;
	[tilespmem:$0x1DA68] =	vst v63  }
0xa6: {  	_ =	swait.ge [sflag:s12], $0x1000  }
0xa7: {  	[sflag:s12] =	ssyncset.done $0x0  }
0xa8: {  	[sflag:s12] =	ssyncadd.s32 $0xFFFFF000  }
0xa9: {  	[spmem:s8] =	stream.linear.scatter [tilespmem:s13], [sflag:$0x1], $0x1000, $0x38;
	[tilespmem:$0x1DA68] =	vst v63  }
0xaa: {  	_ =	swait.ge [sflag:s12], $0x1000  }
0xab: {  	[sflag:s12] =	ssyncset.done $0x0  }
0xac: {  	[sflag:s12] =	ssyncadd.s32 $0xFFFFF000  }
0xad: {  	[spmem:s9] =	stream.linear.scatter [tilespmem:s13], [sflag:$0x1], $0x1000, $0x38;
	[tilespmem:$0x1DA68] =	vst v63  }
0xae: {  	_ =	swait.ge [sflag:s12], $0x1000  }
0xaf: {  	[sflag:s12] =	ssyncset.done $0x0  }
0xb0: {  	[sflag:s12] =	ssyncadd.s32 $0xFFFFF000  }
0xb1: {  	[spmem:s10] =	stream.linear.scatter [tilespmem:s13], [sflag:$0x1], $0x1000, $0x38;
	[tilespmem:$0x1DA68] =	vst v63  }
0xb2: {  	_ =	swait.ge [sflag:s12], $0x1000  }
0xb3: {  	[sflag:s12] =	ssyncset.done $0x0  }
0xb4: {  	[sflag:s12] =	ssyncadd.s32 $0xFFFFF000  }
0xb5: {  	[spmem:s11] =	stream.linear.scatter [tilespmem:s13], [sflag:$0x1], $0x288, $0x38;
	[tilespmem:$0x1DA68] =	vst v63  }
0xb6: {  	_ =	swait.ge [sflag:s12], $0x288  }
0xb7: {  	[sflag:s12] =	ssyncset.done $0x0  }
0xb8: {  	[sflag:s12] =	ssyncadd.s32 $0xFFFFFD78  }
0xb9: {  	s25 =	simm.s32 $0x0;
	[bflag:$0x0] =	sbarrier.arrive $0xFFFF  }
0xba: {  	v4 =	vld [tilespmem:s25+$0x1B4E8];
	_ =	sdelay $0x4  }
0xbb: {  	vm15 =	vlt.u32 v4, $0x34500  }
0xbc: {  	v5 =	vsel vm15, $0x1, v3  }
0xbd: {  	(xrf0) =	vadd.scan.msk.s32 $0xffff, v5;
	_ =	sdelay $0x2  }
0xbe: {  	v5 =	vmov s21  }
0xbf: {  	v5 =	vadd.s32 $0xFFFFFFFF, v5  }
0xc0: {  	v5 =	vbroadcast v5, $0x0  }
0xc1: {  	v63, _, _ =	vpop (xrf0)  }
0xc2: {  	v5 =	vadd.s32 v63, v5;
	(v2sf) =	vpush v63, $0xF;
	_ =	sdelay $0x3  }
0xc3: {  	v7 =	vadd.s32 s22, v2  }
0xc4: {  	[tilespmem:v5+s14+$0x0] =	vst.idx.msk vm15, v7  }
0xc5: {  	s23 =	smov.u32 s22;
	s24 =	simm.s32 $0x80;
	s25 =	simm.s32 $0x10;
	[tilespmem:v5+s15+$0x0] =	vst.idx.msk vm15, v4  }
.LBB2_4:
0xc6: {  	p0 =	sne.s32 s24, $0x1840;
	v4 =	vld [tilespmem:s25+$0x1B4E8];
	_ =	sdelay $0x4  }
0xc7: {  	vm0 =	vlt.u32 v4, $0x34500  }
0xc8: {  	v5 =	vsel vm0, $0x1, v3  }
0xc9: {  	(xrf0) =	vadd.scan.msk.s32 $0xffff, v5  }
0xca: {  	s25 =	spop (v2sf)  }
0xcb: {  	s21 =	sadd.s32 s21, s25  }
0xcc: {  	v5 =	vmov s21  }
0xcd: {  	v5 =	vadd.s32 $0xFFFFFFFF, v5  }
0xce: {  	v5 =	vbroadcast v5, $0x0  }
0xcf: {  	v6, _, _ =	vpop (xrf0)  }
0xd0: {  	v5 =	vadd.s32 v6, v5;
	(v2sf) =	vpush v6, $0xF;
	_ =	sdelay $0x1  }
.Ltmp3:
0xd1: {  	(pc) =	sbr.rel @p0 .LBB2_4-.Ltmp3, $4  }
0xd2: {  	s23 =	sadd.s32 $0x10, s23  }
0xd3: {  	v6 =	vadd.s32 s23, v2  }
0xd4: {  	[tilespmem:v5+s14+$0x0] =	vst.idx.msk vm0, v6  }
0xd5: {  	s25 =	sshra.s32 s24, $0x2;
	s24 =	sadd.s32 $0x40, s24;
	[tilespmem:v5+s15+$0x0] =	vst.idx.msk vm0, v4  }
0xd6: {  	v4 =	vld [tilespmem:s25+$0x1B4E8];
	_ =	sdelay $0x4  }
0xd7: {  	vm0 =	vlt.u32 v4, $0x34500  }
0xd8: {  	v5 =	vsel vm0, $0x1, v3  }
0xd9: {  	(xrf0) =	vadd.scan.msk.s32 $0xffff, v5;
	_ =	sdelay $0x5  }
0xda: {  	v5, _, _ =	vpop (xrf0)  }
0xdb: {  	(v2sf) =	vpush v5, $0xF;
	_ =	sdelay $0x8  }
0xdc: {  	s24 =	spop (v2sf)  }
0xdd: {  	s21 =	sadd.s32 s21, s24  }
0xde: {  	v6 =	vmov s21  }
0xdf: {  	v6 =	vadd.s32 $0xFFFFFFFF, v6  }
0xe0: {  	v6 =	vbroadcast v6, $0x0;
	_ =	sdelay $0x1  }
0xe1: {  	v5 =	vadd.s32 v5, v6;
	s24 =	spop (v2sf)  }
0xe2: {  	s23 =	sadd.s32 $0x10, s23;
	s21 =	sadd.s32 s21, s24  }
0xe3: {  	v63 =	vadd.s32 s23, v2;
	s23 =	sadd.s32 $0x3F, s21  }
0xe4: {  	s25 =	sand.u32 $0x3F, s23  }
0xe5: {  	p1 =	slt.s32 s23, $0x1;
	p0 =	sne.s32 s25, $0x0;
	s25 =	sshra.s32 s23, $0x1F  }
0xe6: {  	[tilespmem:v5+s14+$0x0] =	vst.idx.msk vm0, v63;
	s24 =	sshrl.u32 s25, $0x1A;
	p0 =	por !p1, !p0  }
0xe7: {  	[tilespmem:v5+s15+$0x0] =	vst.idx.msk vm0, v4;
	s23 =	sadd.s32 s24, s23;
	p0 =	por !p0, !p0;
	s24 =	simm.s32 $0x1  }
0xe8: {  	[tilespmem:s21+$0x1BB08] =	vst v0;
	s23 =	sshra.s32 s23, $0x6;
	s24 =	simm.s32 @!p0 $0x0  }
0xe9: {  	[tilespmem:s21+$0x1C178] =	vst v1;
	s24 =	ssub.s32 s23, s24  }
0xea: {  	[tilespmem:s21+$0x1BB18] =	vst v0;
	p0 =	slt.s32 s24, $0x1  }
.Ltmp4:
0xeb: {  	[tilespmem:s21+$0x1C188] =	vst v1;
	(pc) =	sbr.rel @p0 .LBB2_9-.Ltmp4, $4  }
0xec: {  	[tilespmem:s21+$0x1BB28] =	vst v0  }
0xed: {  	[tilespmem:s21+$0x1C198] =	vst v1  }
0xee: {  	[tilespmem:s21+$0x1BB38] =	vst v0  }
0xef: {  	[tilespmem:s21+$0x1C1A8] =	vst v1  }
0xf0: {  	s21 =	simm.s32 $0x1BB28  }
0xf1: {  	v4 =	vld [tilespmem:s21+$0xFFFFFFE0];
	_ =	sdelay $0x4  }
0xf2: {  	[tilespmem:$0x1C7E8] =	vst v4  }
0xf3: {  	v4 =	vld [tilespmem:s21+$0xFFFFFFF0];
	_ =	sdelay $0x4  }
0xf4: {  	[tilespmem:$0x1C7F8] =	vst v4  }
0xf5: {  	v4 =	vld [tilespmem:s21+$0x0];
	_ =	sdelay $0x4  }
0xf6: {  	[tilespmem:$0x1C808] =	vst v4  }
0xf7: {  	v4 =	vld [tilespmem:s21+$0x10];
	_ =	sdelay $0x4  }
0xf8: {  	s23 =	simm.s32 $0x1C198;
	[tilespmem:$0x1C818] =	vst v4  }
0xf9: {  	v4 =	vld [tilespmem:s23+$0xFFFFFFE0];
	_ =	sdelay $0x4  }
0xfa: {  	[tilespmem:$0x1C828] =	vst v4  }
0xfb: {  	v4 =	vld [tilespmem:s23+$0xFFFFFFF0];
	_ =	sdelay $0x4  }
0xfc: {  	[tilespmem:$0x1C838] =	vst v4  }
0xfd: {  	v4 =	vld [tilespmem:s23+$0x0];
	_ =	sdelay $0x4  }
0xfe: {  	[tilespmem:$0x1C848] =	vst v4  }
0xff: {  	v4 =	vld [tilespmem:s23+$0x10];
	_ =	sdelay $0x4  }
0x100: {  	[tilespmem:$0x1C858] =	vst v4  }
0x101: {  	[tilespmem:s18], [sflag:$0x1] =	stream.indirect.gather [hbm4b:s1+s16], $0x8, s17, s16, $0xb8;
	[tilespmem:$0x1DA68] =	vst v63  }
0x102: {  	p0 =	sne.s32 s24, $0x1;
	_ =	swait.ge [sflag:s12], $0x200  }
.Ltmp5:
0x103: {  	[sflag:s12] =	ssyncset.done $0x0;
	(pc) =	sbr.rel @!p0 .LBB2_8-.Ltmp5, $4  }
0x104: {  	[sflag:s12] =	ssyncadd.s32 $0xFFFFFE00  }
0x105: {  	[spmem:s3] =	stream.indirect.scatter.add.f32 [tilespmem:s18], [sflag:$0x1], $0x8, s19, s16, $0xb8;
	[tilespmem:$0x1DA68] =	vst v63  }
0x106: {  	_ =	swait.ge [sflag:s12], $0x200  }
0x107: {  	s24 =	sadd.s32 $0xFFFFFFFF, s24;
	[sflag:s12] =	ssyncset.done $0x0  }
.LBB2_7:
0x108: {  	[sflag:s12] =	ssyncadd.s32 $0xFFFFFE00;
	s21 =	sadd.s32 $0x40, s21;
	s23 =	sadd.s32 $0x40, s23  }
0x109: {  	p0 =	sne.s32 s24, $0x1;
	s24 =	sadd.s32 $0xFFFFFFFF, s24;
	v4 =	vld [tilespmem:s21+$0xFFFFFFE0];
	_ =	sdelay $0x4  }
0x10a: {  	[tilespmem:$0x1C7E8] =	vst v4  }
0x10b: {  	v4 =	vld [tilespmem:s21+$0xFFFFFFF0];
	_ =	sdelay $0x4  }
0x10c: {  	[tilespmem:$0x1C7F8] =	vst v4  }
0x10d: {  	v4 =	vld [tilespmem:s21+$0x0];
	_ =	sdelay $0x4  }
0x10e: {  	[tilespmem:$0x1C808] =	vst v4  }
0x10f: {  	v4 =	vld [tilespmem:s21+$0x10];
	_ =	sdelay $0x4  }
0x110: {  	[tilespmem:$0x1C818] =	vst v4  }
0x111: {  	v4 =	vld [tilespmem:s23+$0xFFFFFFE0];
	_ =	sdelay $0x4  }
0x112: {  	[tilespmem:$0x1C828] =	vst v4  }
0x113: {  	v4 =	vld [tilespmem:s23+$0xFFFFFFF0];
	_ =	sdelay $0x4  }
0x114: {  	[tilespmem:$0x1C838] =	vst v4  }
0x115: {  	v4 =	vld [tilespmem:s23+$0x0];
	_ =	sdelay $0x4  }
0x116: {  	[tilespmem:$0x1C848] =	vst v4  }
0x117: {  	v4 =	vld [tilespmem:s23+$0x10];
	_ =	sdelay $0x4  }
0x118: {  	[tilespmem:$0x1C858] =	vst v4  }
0x119: {  	[tilespmem:s18], [sflag:$0x1] =	stream.indirect.gather [hbm4b:s1+s16], $0x8, s17, s16, $0xb8;
	[tilespmem:$0x1DA68] =	vst v63  }
0x11a: {  	_ =	swait.ge [sflag:s12], $0x200  }
.Ltmp6:
0x11b: {  	[sflag:s12] =	ssyncset.done $0x0;
	(pc) =	sbr.rel @p0 .LBB2_7-.Ltmp6, $4  }
0x11c: {  	[sflag:s12] =	ssyncadd.s32 $0xFFFFFE00  }
0x11d: {  	[spmem:s3] =	stream.indirect.scatter.add.f32 [tilespmem:s18], [sflag:$0x1], $0x8, s19, s16, $0xb8;
	[tilespmem:$0x1DA68] =	vst v63  }
0x11e: {  	_ =	swait.ge [sflag:s12], $0x200  }
0x11f: {  	[sflag:s12] =	ssyncset.done $0x0  }
.Ltmp7:
0x120: {  	_ = 	snop;
	(pc) =	sbr.rel .LBB2_8-.Ltmp7, $1  }
0x121: {  	_ =	sdelay $0x3  }
.LBB2_10:
0x122: {  	_ =	sfence.sel $0x180000  }
0x123: {  	[bflag:$0x0] =	sbarrier.arrive $0xFFFF  }
0x124: {  	_ =	strace $0x9000004A  }
0x125: {  	s0 =	stileid.u32;
	[bflag:$0x2] =	sbarrier.arrive $0xFFFF  }
0x126: {  	p0 =	sne.s32 s0, $0x0;
	s0 =	rddreg [dreg:$0x3]  }
0x127: {  	s0 =	sadd.s32 @!p0 $0x100000, s0  }
0x128: {  	[sflag:s0] =	ssyncadd.tile.s32 @!p0 $0x1;
	_ =	shalt  }
.Lfunc_end2:
_tile_overlayer_lowered:
.L_overlay_start_2:
0x129: {  	(tag) =	ssettag $0x2  }
0x12a: {  	s0 =	rddreg [dreg:$0x0];
	s2 =	stileid.u32  }
0x12b: {  	s1 =	rddreg [dreg:$0x1];
	p0 =	sne.s32 s2, $0x0  }
0x12c: {  	s3 =	rddreg [dreg:$0x2];
	[bflag:$0x3] =	sbarrier.arrive $0xFFFF;
	s2 =	simm.s32 @!p0 $0x1C01  }
0x12d: {  	[timem:s3], [sflag:s2] =	dma.local @!p0 [hbm:s0], s1  }
0x12e: {  	s0 =	simm.s32 @!p0 $0x1  }
0x12f: {  	_ =	swait.ge @!p0 [sflag:s0], s1  }
0x130: {  	s1 =	ssub.s32 @!p0 $0x0, s1;
	[sflag:s0] =	ssyncset.done @!p0 $0x0  }
0x131: {  	[sflag:s0] =	ssyncadd.s32 @!p0 s1  }
0x132: {  	[bflag:$0x3] =	sbarrier.arrive $0xFFFF  }
0x133: {  	_ =	shalt  }

// kernel: sparse-core-data-format-call.cloned.1.call-start
scs
called_computation_lowered:
.L_overlay_start_0:
0x0: {  	s2 =	sld [smem:$0x3FD9]  }
0x1: {  	s3 =	sld [smem:$0x3FFE];
	_ =	sdelay $0x1  }
0x2: {  	s1 =	srdreg.scid  }
0x3: {  	s0 =	sand.u32 $0x1, s1  }
0x4: {  	s16 =	sshll.u32 s0, $0xA;
	s2 =	sadd.s32 s3, s2  }
0x5: {  	s2 =	sadd.s32 s2, s16  }
0x6: {  	[smem:$0x3FC3] =	sst s2  }
0x7: {  	_ = 	snop  }
0x8: {  	s2 =	sld [smem:$0x3FD0];
	_ =	sdelay $0x2  }
0x9: {  	s17 =	simm.s32 $0xB;
	s4 =	simm.s32 $0x10  }
0xa: {  	[smem:s4], [sflag:s17] =	dma.local [hbm:s2], $0x1  }
0xb: {  	_ =	swait.eq [sflag:s17], $0x1  }
0xc: {  	[sflag:s17] =	ssyncset.done $0x0  }
0xd: {  	[sflag:s17] =	ssyncadd.s32 $0xFFFFFFFF  }
0xe: {  	s18 =	sld [smem:$0x10];
	(tm) =	ssettm $0x1  }
0xf: {  	s19 =	sld [smem:$0x3FFB];
	_ =	sdelay $0x3  }
0x10: {  	_ =	strace s19  }
0x11: {  	s2 =	sld [smem:$0x3FFC];
	_ =	sdelay $0x3  }
0x12: {  	_ =	strace s2  }
0x13: {  	s2 =	sld [smem:$0x3FFD];
	_ =	sdelay $0x3  }
0x14: {  	_ =	strace s2  }
0x15: {  	_ =	strace $0x8FFFFFFF  }
0x16: {  	s20 =	sld [smem:$0x3FDB];
	_ =	sdelay $0x1  }
0x17: {  	s21 =	simm.s32 $_scs_section_size  }
0x18: {  	s5 =	simm.s32 $_size__tile_overlayer_lowered;
	s6 =	simm.s32 $_tile_overlayer_lowered  }
0x19: {  	s7 =	simm.s32 $0x1BFF;
	s22 =	sshll.u32 s6, $0x1;
	s4 =	sadd.s32 s21, s20  }
0x1a: {  	s23 =	simm.s32 $0x0;
	s5 =	sshll.u32 s5, $0x1;
	s6 =	sadd.s32 s22, s4  }
0x1b: {  	[timem:s23], [sflag:s7] =	dma.local [hbm:s6], s5  }
0x1c: {  	_ =	swait.ge [sflag:s7], s5  }
0x1d: {  	s5 =	ssub.s32 $0x0, s5;
	[sflag:s7] =	ssyncset.done $0x0  }
0x1e: {  	[sflag:s7] =	ssyncadd.s32 s5;
	_ =	sdelay $0x1  }
0x1f: {  	s24 =	simm.s32 $0x1B8B  }
0x20: {  	_ =	swait.ge [sflag:s24], $0x1  }
0x21: {  	[sflag:s24] =	ssyncset.done $0x0  }
0x22: {  	[sflag:s24] =	ssyncadd.s32 $0xFFFFFFFF  }
0x23: {  	s5 =	sld [smem:$0x0]  }
0x24: {  	s6 =	sand.u32 $0xFFFFFFFE, s1  }
0x25: {  	p0 =	sne.s32 s1, s6  }
0x26: {  	s6 =	sshll.u32 @p0 s6, $0xE  }
0x27: {  	s6 =	sadd.s32 @p0 $0x11B8D, s6;
	s7 =	sshll.u32 @p0 s5, $0x11  }
0x28: {  	s6 =	sor.u32 @p0 s7, s6  }
0x29: {  	[sflag:s6] =	ssyncadd.remote.s32 @p0 $0x1;
	_ =	sdelay $0x1  }
0x2a: {  	s6 =	simm.s32 @p0 $0x1B8D  }
0x2b: {  	_ =	swait.eq @p0 [sflag:s6], $0x1  }
0x2c: {  	[sflag:s6] =	ssyncadd.s32 @p0 $0xFFFFFFFF  }
0x2d: {  	s7 =	sshll.u32 @!p0 s1, $0xE  }
0x2e: {  	s7 =	sor.u32 @!p0 $0x4000, s7;
	s6 =	simm.s32 @!p0 $0x1B8D  }
0x2f: {  	s5 =	sshll.u32 @!p0 s5, $0x11;
	s7 =	sadd.s32 @!p0 $0x11B8D, s7;
	_ =	swait.eq @!p0 [sflag:s6], $0x1  }
0x30: {  	s5 =	sor.u32 @!p0 s5, s7;
	[sflag:s6] =	ssyncadd.s32 @!p0 $0xFFFFFFFF  }
0x31: {  	s26 =	simm.s32 $0x1B8E;
	s25 =	sld [smem:$0x3FFE];
	[sflag:s5] =	ssyncadd.remote.s32 @!p0 $0x1  }
0x32: {  	s27 =	simm.s32 $execute0_lowered;
	[smem:$0x3FD2] =	sst s26  }
0x33: {  	s6 =	sshll.u32 s27, $0x1;
	_ =	strace $0x8000004C;
	[dreg:$0x1] =	wrdreg $0xFFFFFFFF  }
0x34: {  	s28 =	simm.s32 $_size_execute0_lowered;
	s4 =	sadd.s32 s4, s6;
	[dreg:$0x0] =	wrdreg $0x0  }
0x35: {  	s6 =	sshll.u32 s28, $0x1;
	[dreg:$0x2] =	wrdreg s4  }
0x36: {  	[dreg:$0x3] =	wrdreg s6  }
0x37: {  	[dreg:$0x4] =	wrdreg $0xC0  }
0x38: {  	_ =	task [dreg:s23], $0x5FFFF  }
0x39: {  	[dreg:$0x1] =	wrdreg $0xFFFFFFFF  }
0x3a: {  	[dreg:$0x0] =	wrdreg $0x60  }
0x3b: {  	[dreg:$0x2] =	wrdreg s25  }
0x3c: {  	[dreg:$0x3] =	wrdreg s18  }
0x3d: {  	[dreg:$0x4] =	wrdreg $0xA  }
0x3e: {  	_ =	task.clear_ibuf [dreg:s23], $0x5FFFF;
	_ =	strace $0x9000004C  }
0x3f: {  	s29 =	simm.s32 $0xA;
	_ =	strace $0x8000004E  }
0x40: {  	_ =	swait.ge [sflag:s29], $0x1  }
0x41: {  	[sflag:s29] =	ssyncadd.s32 $0xFFFFFFFF  }
0x42: {  	_ =	strace $0x9000004E  }
0x43: {  	_ =	sfence  }
0x44: {  	s30 =	sld [smem:$0x0];
	_ =	sdelay $0x2  }
0x45: {  	s31 =	sshll.u32 s1, $0xD;
	s1 =	sshrl.u32 s1, $0x2  }
0x46: {  	s4 =	sand.u32 $0x4000, s31;
	s1 =	sadd.s32 s1, s30  }
0x47: {  	s0 =	sor.u32 s4, s0;
	s1 =	sshll.u32 s1, $0x11  }
0x48: {  	s0 =	sor.u32 s1, s0  }
0x49: {  	s0 =	sadd.s32 $0x8F2B, s0  }
0x4a: {  	[sflag:s0] =	ssyncadd.remote.s32 $0x1  }
0x4b: {  	_ =	sfence.sel $0xFFFF  }
0x4c: {  	[dreg:$0x0] =	wrdreg $0xFFFFFFFF;
	(pc) =	sbr.abs _section_cstart, $3  }
0x4d: {  	[dreg:$0x1] =	wrdreg $0xFFFFFFFF  }
0x4e: {  	_ =	task.clear_ibuf [dreg:s23], $0x2FFFF;
	_ =	strace $0x9FFFFFFF  }
0x4f: {  	(tm) =	ssettm $0x7FFFFFFF  }
tec
execute0_lowered:
.L_overlay_start_1:
0x0: {  	(tag) =	ssettag $0x1  }
0x1: {  	s0 =	stileid.u32  }
0x2: {  	s1 =	srdreg.scid;
	s5 =	rddreg [dreg:$0x0]  }
0x3: {  	s2 =	rddreg [dreg:$0x1];
	s10 =	simm.s32 $0x2;
	s18 =	simm.s32 $0x0  }
0x4: {  	p0 =	por $0x0, $0x0;
	s11 =	simm.s32 $0x80;
	s12 =	simm.s32 $0x36000  }
0x5: {  	s16 =	simm.s32 $0x0;
	s17 =	simm.s32 $0x0;
	s15 =	simm.s32 $0x0  }
0x6: {  	s3 =	sshll.u32 s0, $0x4;
	s1 =	sshll.u32 s1, $0x8;
	s4 =	sand.u32 $0x1, s0  }
0x7: {  	s7 =	sshrl.u32 s0, $0x1;
	s3 =	sor.u32 s3, s1;
	s1 =	rddreg [dreg:$0x2]  }
0x8: {  	_ =	strace $0x8000004D;
	s30 =	ssub.s32 $0x2, s4;
	s3 =	sand.u32 $0x180, s3  }
0x9: {  	s7 =	sand.u32 $0x3, s7;
	s8 =	sshrl.u32 s30, $0x1;
	s6 =	sshll.u32 s3, $0x4  }
.Ltmp0:
0xa: {  	s9 =	sadd.s32 s6, s5;
	s6 =	sand.u32 $0x1, s30;
	(pc) =	sbr.rel .LBB1_1-.Ltmp0, $4  }
0xb: {  	s14 =	smov.u32 s4;
	s13 =	smov.u32 s7;
	s6 =	sadd.s32 s6, s8  }
0xc: {  	s31 =	smax.u32 s3, $0x170;
	s5 =	simm.s32 $0x1;
	s6 =	smul.u32 $0x6C, s6  }
0xd: {  	[sflag:s5] =	ssyncpa.u1 $0x0;
	s8 =	sshll.u32 s31, $0x6;
	s9 =	sadd.s32 $0xC9A00, s9  }
0xe: {  	[sflag:s10] =	ssyncpa.u1 $0x0;
	s8 =	sxor.u32 $0x7C00, s8;
	s10 =	sor.u32 $0x1, s6  }
.LBB1_4:
0xf: {  	s21 =	sshll.u32 s16, $0x9  }
0x10: {  	s18 =	sshll.u32 s18, $0x3;
	s22 =	sshll.u32 s16, $0x7;
	s21 =	sand.u32 $0xFFFFF000, s21  }
0x11: {  	s29 =	sand.u32 $0x200, s22;
	s18 =	sor.u32 s18, s21  }
0x12: {  	s18 =	sor.u32 s29, s18  }
0x13: {  	s18 =	sshrl.u32 s18, $0x9  }
0x14: {  	s30 =	smulhi.u32 $0x97B426, s18  }
0x15: {  	s17 =	smul.u32 $0x1B0000, s17  }
0x16: {  	s21 =	smul.u32 $0x1B0, s30  }
0x17: {  	s31 =	sshll.u32 s16, $0x4  }
0x18: {  	[tilespmem:s20+$0x810 ss:$0x81] =	vst.msk $0xffff, v2;
	s16 =	sand.u32 $0x30, s31;
	s17 =	sadd.s32 s2, s17;
	s18 =	ssub.s32 s18, s21  }
0x19: {  	[tilespmem:s20+$0x1020 ss:$0x81] =	vst.msk $0xffff, v0;
	s16 =	sadd.s32 s16, s17;
	s18 =	sshll.u32 s18, $0x6  }
0x1a: {  	[tilespmem:s20+$0x0 ss:$0x81] =	vst.msk $0xffff, v1;
	s16 =	sadd.s32 s18, s16  }
0x1b: {  	[hbm4b:s16+s11] =	stream.strided.scatter [tilespmem:s19], [sflag:$0x2], $0x2000, s12, s11, $0x20;
	[tilespmem:$0x8080] =	vst v63  }
.LBB1_5:
0x1c: {  	s19 =	sadd.s32 $0x4, s13  }
0x1d: {  	s16 =	sadd.s32 $0x2, s14;
	s20 =	smov.u32 s14;
	p2 =	sgt.s32 s19, $0x1AF  }
0x1e: {  	s20 =	smov.u32 @p2 s16  }
0x1f: {  	s19 =	smov.u32 @p2 s7;
	p2 =	sgt.s32 s20, $0x1  }
0x20: {  	s20 =	smov.u32 @p2 s4;
	p2 =	sne.s32 s15, s10  }
.Ltmp1:
0x21: {  	p1 =	slt.u32 s15, $0x2;
	(pc) =	sbr.rel @!p2 .LBB1_6-.Ltmp1, $4  }
0x22: {  	s17 =	smov.u32 s14;
	s18 =	simm.s32 @!p1 $0x2  }
0x23: {  	p0 =	por !p0, !p0;
	_ =	swait.ge @!p1 [sflag:s18], $0x2000;
	s16 =	smov.u32 s13  }
0x24: {  	[sflag:s18] =	ssyncset.done @!p1 $0x0;
	s13 =	smov.u32 s19;
	s15 =	sadd.s32 $0x1, s15  }
0x25: {  	[sflag:s18] =	ssyncadd.s32 @!p1 $0xFFFFE000;
	s18 =	smov.u32 s3;
	s14 =	smov.u32 s20  }
.LBB1_1:
0x26: {  	p1 =	sge.u32 s15, s6  }
0x27: {  	s19 =	smov.u32 s14;
	p2 =	sgt.s32 @!p1 s14, $0x1;
	s20 =	sshra.s32 @!p1 s14, $0x1F  }
0x28: {  	s21 =	smov.u32 s13;
	p2 =	por !p2, p1;
	s20 =	sand.u32 @!p1 s20, s14  }
0x29: {  	s19 =	simm.s32 @p2 $0x1;
	p2 =	sgt.s32 @!p1 s13, $0x1AF;
	s20 =	sxor.u32 @!p1 $0xFFFFFFFF, s20  }
0x2a: {  	s22 =	sshra.s32 @!p1 s13, $0x1F;
	p2 =	por !p2, p1;
	s19 =	sadd.s32 @!p1 s20, s19  }
0x2b: {  	s20 =	sand.u32 @!p1 s22, s13;
	s21 =	simm.s32 @p2 $0x1AF;
	p2 =	sgt.s32 @!p1 s19, $0x0  }
0x2c: {  	s19 =	ssub.s32 @!p1 $0x1, s19;
	s20 =	ssub.s32 @!p1 s21, s20;
	p2 =	por !p2, p1  }
0x2d: {  	s21 =	sadd.s32 @!p1 $0xFFFFFE51, s20;
	s19 =	simm.s32 @!p2 $0x0  }
0x2e: {  	p2 =	sgt.s32 @!p1 s21, $0x0;
	s19 =	smul.u32 @!p1 s19, s8  }
0x2f: {  	s20 =	ssub.s32 @!p1 $0x1B0, s20;
	s21 =	smul.u32 @!p1 $0x345000, s14;
	p2 =	por !p2, p1  }
0x30: {  	s31 =	sadd.s32 $0xFFFFFFFF, s15;
	s22 =	smul.u32 @!p1 $0x1F00, s13;
	s20 =	simm.s32 @!p2 $0x0  }
0x31: {  	s21 =	sadd.s32 @!p1 s21, s9;
	s19 =	smul.u32 @!p1 s20, s19;
	s20 =	sxor.u32 @!p1 $0xFFFFFFFF, s15  }
0x32: {  	s23 =	simm.s32 @!p1 $0x80;
	s21 =	sadd.s32 @!p1 s22, s21;
	s20 =	sshll.u32 @!p1 s20, $0xD  }
0x33: {  	s22 =	simm.s32 @!p1 $0x40;
	s20 =	sand.u32 @!p1 $0x2000, s20;
	s19 =	sand.u32 @!p1 $0x3FFFFC00, s19  }
0x34: {  	[tilespmem:s20], [sflag:$0x1] =	stream.strided.gather @!p1 [hbm4b:s21+s22], s19, s23, s22, $0x38;
	[tilespmem:$0x8080] =	vst v63  }
0x35: {  	p1 =	sge.u32 s31, s6  }
.Ltmp2:
0x36: {  	_ = 	snop;
	(pc) =	sbr.rel @p1 .LBB1_5-.Ltmp2, $1  }
0x37: {  	_ =	sdelay $0x3  }
0x38: {  	s19 =	sshra.s32 s17, $0x1F  }
0x39: {  	p1 =	sgt.s32 s17, $0x1;
	s20 =	smov.u32 s17;
	s19 =	sand.u32 s19, s17  }
0x3a: {  	s21 =	sshra.s32 s16, $0x1F;
	s20 =	simm.s32 @!p1 $0x1;
	s19 =	sxor.u32 $0xFFFFFFFF, s19  }
0x3b: {  	s22 =	smov.u32 s18;
	p1 =	sgt.s32 s16, $0x1AF;
	s19 =	sadd.s32 s19, s20  }
0x3c: {  	s21 =	sand.u32 s21, s16;
	s20 =	smov.u32 s16;
	p2 =	sgt.s32 s19, $0x0  }
0x3d: {  	s20 =	simm.s32 @!p1 $0x1AF;
	p1 =	sgt.s32 s18, $0x170;
	s19 =	sshll.u32 s19, $0x6  }
0x3e: {  	s20 =	ssub.s32 s20, s21;
	s22 =	simm.s32 @!p1 $0x170;
	s19 =	ssub.s32 $0x40, s19  }
0x3f: {  	s21 =	sadd.s32 $0xFFFFFE51, s20;
	s22 =	ssub.s32 $0x1F0, s22;
	s19 =	simm.s32 @p2 $0x0  }
0x40: {  	s20 =	ssub.s32 $0x1B0, s20;
	p1 =	sgt.s32 s21, $0x0;
	s19 =	smul.u32 s22, s19  }
0x41: {  	s20 =	simm.s32 @p1 $0x0  }
0x42: {  	s19 =	smul.u32 s20, s19;
	_ =	sdelay $0x1  }
0x43: {  	s20 =	simm.s32 $0x1;
	s19 =	sand.u32 $0x3FFFFFC0, s19  }
0x44: {  	s20 =	simm.s32 @!p0 $0x0;
	_ =	swait.ge [sflag:s5], s19  }
0x45: {  	s28 =	sshll.u32 s20, $0xD;
	s19 =	ssub.s32 $0x0, s19;
	[sflag:s5] =	ssyncset.done $0x0  }
0x46: {  	s23 =	sor.u32 $0x20, s28;
	[sflag:s5] =	ssyncadd.s32 s19  }
0x47: {  	s29 =	smul.u32 $0x8100, s20;
	v3 =	vld [tilespmem:s23+$0x10]  }
0x48: {  	s30 =	sand.u32 $0x1, s15;
	v2 =	vld [tilespmem:s23+$0xFFFFFFF0]  }
0x49: {  	s20 =	smul.u32 $0x8100, s30;
	s19 =	sshrl.u32 s29, $0x2;
	v0 =	vld [tilespmem:s23+$0x0]  }
0x4a: {  	s21 =	sor.u32 $0x4000, s19;
	v1 =	vld [tilespmem:s23+$0xFFFFFFE0]  }
0x4b: {  	s31 =	sshrl.u32 s20, $0x2;
	s20 =	sadd.s32 $0x0, s21  }
0x4c: {  	s22 =	simm.s32 $0x4;
	s19 =	sor.u32 $0x4000, s31;
	s23 =	sadd.s32 $0x40, s23;
	[tilespmem:s20+$0x1830 ss:$0x81] =	vst.msk $0xffff, v3  }
.LBB1_3:
0x4d: {  	v3 =	vld [tilespmem:s23+$0x10];
	p1 =	sne.s32 s22, $0x1FC;
	[tilespmem:s20+$0x810 ss:$0x81] =	vst.msk $0xffff, v2;
	s24 =	smov.u32 s22;
	s22 =	sadd.s32 $0x4, s22  }
.Ltmp3:
0x4e: {  	v2 =	vld [tilespmem:s23+$0xFFFFFFF0];
	[tilespmem:s20+$0x1020 ss:$0x81] =	vst.msk $0xffff, v0;
	(pc) =	sbr.rel @p1 .LBB1_3-.Ltmp3, $4  }
0x4f: {  	v0 =	vld [tilespmem:s23+$0x0];
	[tilespmem:s20+$0x0 ss:$0x81] =	vst.msk $0xffff, v1  }
0x50: {  	s20 =	sshra.s32 s24, $0x2;
	v1 =	vld [tilespmem:s23+$0xFFFFFFE0]  }
0x51: {  	s20 =	sadd.s32 s20, s21  }
0x52: {  	s23 =	sadd.s32 $0x40, s23;
	[tilespmem:s20+$0x1830 ss:$0x81] =	vst.msk $0xffff, v3  }
.Ltmp4:
0x53: {  	_ = 	snop;
	(pc) =	sbr.rel .LBB1_4-.Ltmp4, $1  }
0x54: {  	_ =	sdelay $0x3  }
.LBB1_6:
0x55: {  	_ =	sfence.sel $0x180000  }
0x56: {  	s2 =	simm.s32 $0x1;
	[bflag:$0x0] =	sbarrier.arrive $0xFFFF  }
0x57: {  	s31 =	simm.s32 $0x2;
	[sflag:s2] =	ssyncpa.u1 $0x1  }
0x58: {  	[sflag:s31] =	ssyncpa.u1 $0x1  }
0x59: {  	p0 =	sne.s32 s0, $0x0;
	_ =	strace $0x9000004D  }
0x5a: {  	s0 =	sadd.s32 @!p0 $0x100000, s1;
	[bflag:$0x2] =	sbarrier.arrive $0xFFFF  }
0x5b: {  	[sflag:s0] =	ssyncadd.tile.s32 @!p0 $0x1;
	_ =	shalt  }
.Lfunc_end1:
_tile_overlayer_lowered:
.L_overlay_start_2:
0x5c: {  	(tag) =	ssettag $0x2  }
0x5d: {  	s0 =	rddreg [dreg:$0x0];
	s2 =	stileid.u32  }
0x5e: {  	s1 =	rddreg [dreg:$0x1];
	p0 =	sne.s32 s2, $0x0  }
0x5f: {  	s3 =	rddreg [dreg:$0x2];
	[bflag:$0x3] =	sbarrier.arrive $0xFFFF;
	s2 =	simm.s32 @!p0 $0x1C01  }
0x60: {  	[timem:s3], [sflag:s2] =	dma.local @!p0 [hbm:s0], s1  }
0x61: {  	s0 =	simm.s32 @!p0 $0x1  }
0x62: {  	_ =	swait.ge @!p0 [sflag:s0], s1  }
0x63: {  	s1 =	ssub.s32 @!p0 $0x0, s1;
	[sflag:s0] =	ssyncset.done @!p0 $0x0  }
0x64: {  	[sflag:s0] =	ssyncadd.s32 @!p0 s1  }
0x65: {  	[bflag:$0x3] =	sbarrier.arrive $0xFFFF  }
0x66: {  	_ =	shalt  }

</sc_bundles>
